<compile_context>
chip_gen: v7x
topology: tpu7x:2x2x1
jax: 0.10.2.dev20260603
libtpu: 0.0.44.dev20260713+nightly
codegen_flags: <defaults>
</compile_context>

<pallas_src>
import functools

import jax
import jax.numpy as jnp
from jax.experimental import pallas as pl
from jax.experimental.pallas import tpu as pltpu
from jax.experimental.pallas import tpu_sc as plsc

_P = 64
_CH = 256
_NPAD = 10240
_CW = 128
_BLK = 128
_MM_BLK = 2000

_SIGN = 0x7FFFFFFF


def _mm_body(x_ref, w_ref, o_ref):
    o_ref[...] = jnp.dot(x_ref[...], w_ref[...],
                         preferred_element_type=jnp.float32)


def _first_matmul(x, w):
    n, d = x.shape
    m = w.shape[1]
    return pl.pallas_call(
        _mm_body,
        grid=(n // _MM_BLK,),
        in_specs=[pl.BlockSpec((_MM_BLK, d), lambda i: (i, 0)),
                  pl.BlockSpec((d, m), lambda i: (0, 0))],
        out_specs=pl.BlockSpec((_MM_BLK, m), lambda i: (i, 0)),
        out_shape=jax.ShapeDtypeStruct((n, m), jnp.float32),
    )(x, w)


def _sc_gather_rows(table, idx):
    rows = idx.shape[0]
    c = table.shape[1]
    mesh = plsc.VectorSubcoreMesh(core_axis_name="core",
                                  subcore_axis_name="subcore")
    n_tiles = 32
    per_w = rows // n_tiles
    nch = per_w // _CH

    @functools.partial(
        pl.kernel, mesh=mesh,
        out_type=jax.ShapeDtypeStruct((rows, c), jnp.float32),
        scratch_types=[pltpu.VMEM((_CH,), jnp.int32),
                       pltpu.VMEM((_CH, c), jnp.float32),
                       pltpu.SemaphoreType.DMA])
    def k(tab_hbm, i_hbm, o_hbm, idx_v, rows_v, sem):
        wid = jax.lax.axis_index("subcore") * 2 + jax.lax.axis_index("core")
        base = wid * per_w

        @pl.loop(0, nch)
        def _(ci):
            off = base + ci * _CH
            pltpu.sync_copy(i_hbm.at[pl.ds(off, _CH)], idx_v)
            pltpu.async_copy(tab_hbm.at[idx_v], rows_v, sem).wait()
            pltpu.sync_copy(rows_v, o_hbm.at[pl.ds(off, _CH)])

    return k(table, idx)


def _select_kth(vals, tgt3):
    i = jax.lax.bitcast_convert_type(vals, jnp.int32)
    m = jnp.where(i < 0, i ^ _SIGN, i)
    b, _, c = vals.shape
    lo0 = jnp.full((b, 1, c), jnp.iinfo(jnp.int32).min, jnp.int32)
    hi0 = jnp.full((b, 1, c), jnp.iinfo(jnp.int32).max, jnp.int32)

    def it(_, carry):
        lo, hi = carry
        mid = (lo & hi) + ((lo ^ hi) >> 1)
        cnt = jnp.sum((m <= mid).astype(jnp.int32), axis=1, keepdims=True)
        pred = cnt >= tgt3
        return (jnp.where(pred, lo, mid + 1), jnp.where(pred, mid, hi))

    _, hi = jax.lax.fori_loop(0, 20, it, (lo0, hi0))
    ki = jnp.where(hi < 0, hi ^ _SIGN, hi)
    return jax.lax.bitcast_convert_type(ki, jnp.float32)


def _layer1_body(d_ref, t_ref, b_ref, w_ref, o_ref):
    med = _select_kth(d_ref[...], t_ref[...])
    act = jnp.maximum(med + b_ref[...], 0.0)
    act2 = act.reshape(act.shape[0], act.shape[2])
    o_ref[...] = jnp.dot(act2, w_ref[...],
                         preferred_element_type=jnp.float32)


def _layer2_body(d_ref, t_ref, b_ref, o_ref):
    med = _select_kth(d_ref[...], t_ref[...])
    out = med + b_ref[...]
    o_ref[...] = out.reshape(out.shape[0], out.shape[2])


def _median_layer1(d1r, tgt3, b1_3, w2):
    n = d1r.shape[0]
    return pl.pallas_call(
        _layer1_body,
        grid=(n // _BLK,),
        in_specs=[pl.BlockSpec((_BLK, _P, _CW), lambda i: (i, 0, 0)),
                  pl.BlockSpec((_BLK, 1, _CW), lambda i: (i, 0, 0)),
                  pl.BlockSpec((1, 1, _CW), lambda i: (0, 0, 0)),
                  pl.BlockSpec((_CW, _CW), lambda i: (0, 0))],
        out_specs=pl.BlockSpec((_BLK, _CW), lambda i: (i, 0)),
        out_shape=jax.ShapeDtypeStruct((n, _CW), jnp.float32),
    )(d1r, tgt3, b1_3, w2)


def _median_layer2(d2r, tgt3, b2_3):
    n = d2r.shape[0]
    return pl.pallas_call(
        _layer2_body,
        grid=(n // _BLK,),
        in_specs=[pl.BlockSpec((_BLK, _P, _CW), lambda i: (i, 0, 0)),
                  pl.BlockSpec((_BLK, 1, _CW), lambda i: (i, 0, 0)),
                  pl.BlockSpec((1, 1, _CW), lambda i: (0, 0, 0))],
        out_specs=pl.BlockSpec((_BLK, _CW), lambda i: (i, 0)),
        out_shape=jax.ShapeDtypeStruct((n, _CW), jnp.float32),
    )(d2r, tgt3, b2_3)


def _main_path(x, src, dst, counts, W1, b1, W2, b2):
    n = x.shape[0]
    hid = W1.shape[1]
    dout = W2.shape[1]
    e_tot = src.shape[0]

    starts = jnp.cumsum(counts) - counts
    tgt = (counts - 1) // 2 + 1
    order = jnp.argsort(dst)
    sorted_src = jnp.take(src, order)
    jj = jnp.arange(_P, dtype=jnp.int32)
    pos = jnp.clip(starts[:, None] + jj[None, :], 0, e_tot - 1)
    valid = jj[None, :] < counts[:, None]
    g = jnp.where(valid, jnp.take(sorted_src, pos), n).astype(jnp.int32)
    g = jnp.concatenate(
        [g, jnp.full((_NPAD - n, _P), n, jnp.int32)]).reshape(_NPAD * _P)
    tgt = jnp.concatenate([tgt, jnp.ones((_NPAD - n,), tgt.dtype)])
    tgt3 = jnp.broadcast_to(tgt[:, None, None], (_NPAD, 1, _CW)).astype(jnp.int32)

    W1p = jnp.pad(W1, ((0, 0), (0, _CW - hid)))
    W2p = jnp.pad(W2, ((0, _CW - hid), (0, _CW - dout)))
    b1p = jnp.pad(b1, (0, _CW - hid)).reshape(1, 1, _CW)
    b2p = jnp.pad(b2, (0, _CW - dout)).reshape(1, 1, _CW)
    inf_row = jnp.full((1, _CW), jnp.inf, jnp.float32)

    h1 = _first_matmul(x, W1p)
    d1 = _sc_gather_rows(jnp.concatenate([h1, inf_row]), g)
    h2 = _median_layer1(d1.reshape(_NPAD, _P, _CW), tgt3, b1p, W2p)
    d2 = _sc_gather_rows(jnp.concatenate([h2[:n], inf_row]), g)
    out = _median_layer2(d2.reshape(_NPAD, _P, _CW), tgt3, b2p)
    return out[:n, :dout]


def _fallback(x, src, dst, counts, W1, b1, W2, b2):
    starts = jnp.cumsum(counts) - counts
    med_idx = jnp.clip(starts + (counts - 1) // 2, 0, src.shape[0] - 1)

    def conv(h_in, W, b, act):
        h = h_in @ W

        def per_channel(v):
            vals = v[src]
            o = jnp.lexsort((vals, dst))
            out = vals[o][med_idx]
            return jnp.where(counts > 0, out, jnp.zeros_like(out))

        out = jax.vmap(per_channel, in_axes=1, out_axes=1)(h) + b
        return act(out) if act is not None else out

    h = conv(x, W1, b1, jax.nn.relu)
    return conv(h, W2, b2, None)


def kernel(x, edge_index, W1, b1, W2, b2):
    n = x.shape[0]
    loops = jnp.arange(n, dtype=edge_index.dtype)
    src = jnp.concatenate([edge_index[0], loops])
    dst = jnp.concatenate([edge_index[1], loops])
    counts = jnp.zeros((n,), jnp.int32).at[dst].add(1)
    fits = jnp.max(counts) <= _P
    return jax.lax.cond(fits, _main_path, _fallback,
                        x, src, dst, counts, W1, b1, W2, b2)

# --- scband reference (transcript-rebuilt; emitter-appended) ---
"""Pipeline reference for scband-median-gcn-4492535791993 (READ-ONLY COPY).

The authoritative reference and input builder live on the scoring server;
editing this copy changes nothing except your own understanding.
"""

import jax, jax.numpy as jnp
import numpy as np

N = 10000
D_IN = 128
HID = 16
D_OUT = 64
E = 320000


def setup_inputs(seed: int = 0) -> dict:
    key = jax.random.key(seed)
    k1, k2, k3, k4, k5, k6 = jax.random.split(key, 6)
    x = jax.random.normal(k1, (N, D_IN), dtype=jnp.float32)
    edge_index = jax.random.randint(k2, (2, E), 0, N, dtype=jnp.int32)
    s1 = float(np.sqrt(6.0 / (D_IN + HID)))
    s2 = float(np.sqrt(6.0 / (HID + D_OUT)))
    W1 = jax.random.uniform(k3, (D_IN, HID), dtype=jnp.float32, minval=-s1, maxval=s1)
    b1 = jnp.zeros((HID,), dtype=jnp.float32)
    W2 = jax.random.uniform(k4, (HID, D_OUT), dtype=jnp.float32, minval=-s2, maxval=s2)
    b2 = jnp.zeros((D_OUT,), dtype=jnp.float32)
    return {"x": x, "edge_index": edge_index, "W1": W1, "b1": b1, "W2": W2, "b2": b2}


def _median_aggregate(h, src, dst, n):
    # elementwise (per-channel) median of neighbor messages h[src] grouped by dst
    counts = jnp.bincount(dst, length=n)
    starts = jnp.cumsum(counts) - counts
    med_idx = jnp.clip(starts + (counts - 1) // 2, 0, src.shape[0] - 1)  # lower median (torch.median semantics)

    def per_channel(v):
        vals = v[src]
        order = jnp.lexsort((vals, dst))  # primary key dst, secondary key value
        sv = vals[order]
        out = sv[med_idx]
        return jnp.where(counts > 0, out, jnp.zeros_like(out))

    return jax.vmap(per_channel, in_axes=1, out_axes=1)(h)


def _median_conv(x, edge_index, W, b, act):
    n = x.shape[0]
    loops = jnp.arange(n, dtype=edge_index.dtype)
    src = jnp.concatenate([edge_index[0], loops])
    dst = jnp.concatenate([edge_index[1], loops])
    h = x @ W
    out = _median_aggregate(h, src, dst, n)
    if b is not None:
        out = out + b
    if act is not None:
        out = act(out)
    return out


def reference(x, edge_index, W1, b1, W2, b2):
    # MedianGCN forward (eval mode: dropout is identity)
    h = _median_conv(x, edge_index, W1, b1, jax.nn.relu)
    out = _median_conv(h, edge_index, W2, b2, None)
    return out

if __name__ == "__main__":
    import jax
    _d = setup_inputs()
    print(jax.jit(kernel)(*tuple(_d.values())))

</pallas_src>

<mosaic_0001>
#map = affine_map<(d0, d1) -> (0, 0)>
#map1 = affine_map<(d0, d1) -> (0)>
module attributes {stable_mosaic.version = 14 : i64} {
  func.func @k(%arg0: i32, %arg1: i32, %arg2: memref<10001x128xf32, #tpu.memory_space<hbm>>, %arg3: memref<655360xi32, #tpu.memory_space<hbm>>, %arg4: memref<655360x128xf32, #tpu.memory_space<hbm>>, %arg5: memref<256xi32, #tpu.memory_space<vmem>>, %arg6: memref<256x128xf32, #tpu.memory_space<vmem>>, %arg7: memref<!tpu.dma_semaphore, #tpu.memory_space<semaphore_mem>>) attributes {dimension_semantics = [#tpu.dimension_semantics<core_parallel>, #tpu.dimension_semantics<subcore_parallel>], iteration_bounds = array<i64: 2, 16>, scalar_prefetch = 0 : i64, scratch_operands = 3 : i64, tpu.core_type = #tpu.core_type<sc_vector_subcore>, window_params = [{transform_indices = #map}, {transform_indices = #map1}, {transform_indices = #map}]} {
    %mul3A = arith.constant 2 : i32
    %mul3A_0 = arith.muli %arg1, %mul3A : i32
    %add3A = arith.addi %mul3A_0, %arg0 : i32
    %mul3A_1 = arith.constant 20480 : i32
    %mul3A_2 = arith.muli %add3A, %mul3A_1 : i32
    %scan3A = arith.constant 0 : i32
    %scan3A_3 = arith.constant 80 : i32
    %scan3A_4 = arith.addi %scan3A, %scan3A_3 : i32
    %scan3A_5 = arith.constant 1 : i32
    scf.for %scan3A_7 = %scan3A to %scan3A_4 step %scan3A_5  : i32 {
      %mul3A_8 = arith.constant 1 : i32
      %mul3A_9 = arith.muli %scan3A_7, %mul3A_8 : i32
      %add3A_10 = arith.constant 0 : i32
      %add3A_11 = arith.addi %add3A_10, %mul3A_9 : i32
      %mul3A_12 = arith.constant 256 : i32
      %mul3A_13 = arith.muli %add3A_11, %mul3A_12 : i32
      %add3A_14 = arith.addi %mul3A_2, %mul3A_13 : i32
      "tpu.region"() ({
        %run_scoped3A = tpu.sem_alloc : memref<!tpu.dma_semaphore, #tpu.memory_space<semaphore_mem>>
        %dma_start3A_19 = tpu.memref_slice %arg3[%add3A_14] : memref<655360xi32, #tpu.memory_space<hbm>> -> memref<256xi32, #tpu.memory_space<hbm>>
        %dma_start3A_20 = tpu.memref_slice %arg3[%add3A_14] : memref<655360xi32, #tpu.memory_space<hbm>> -> memref<256xi32, #tpu.memory_space<hbm>>
        tpu.enqueue_dma source(%dma_start3A_20 : memref<256xi32, #tpu.memory_space<hbm>>) target(%arg5 : memref<256xi32, #tpu.memory_space<vmem>>) target_semaphore(%run_scoped3A : memref<!tpu.dma_semaphore, #tpu.memory_space<semaphore_mem>>)
        %dma_wait3A_21 = tpu.memref_slice %arg3[%add3A_14] : memref<655360xi32, #tpu.memory_space<hbm>> -> memref<256xi32, #tpu.memory_space<hbm>>
        %dma_wait3A_22 = tpu.memref_slice %arg3[%add3A_14] : memref<655360xi32, #tpu.memory_space<hbm>> -> memref<256xi32, #tpu.memory_space<hbm>>
        tpu.wait_dma2 semaphore(%run_scoped3A : memref<!tpu.dma_semaphore, #tpu.memory_space<semaphore_mem>>) src(%dma_wait3A_22 : memref<256xi32, #tpu.memory_space<hbm>>) dst(%arg5 : memref<256xi32, #tpu.memory_space<vmem>>)
        tpu.yield
      }) : () -> ()
      %dma_start3A = arith.constant 0 : i32
      %dma_start3A_15 = arith.constant 0 : i32
      %dma_start3A_16 = tpu.memref_slice %arg2[%dma_start3A, %dma_start3A_15] : memref<10001x128xf32, #tpu.memory_space<hbm>> -> memref<10001x128xf32, #tpu.memory_space<hbm>>
      tpu.enqueue_indirect_dma source(%dma_start3A_16 : memref<10001x128xf32, #tpu.memory_space<hbm>>) target(%arg6 : memref<256x128xf32, #tpu.memory_space<vmem>>) offsets(%arg5 : memref<256xi32, #tpu.memory_space<vmem>>) semaphore(%arg7 : memref<!tpu.dma_semaphore, #tpu.memory_space<semaphore_mem>>)
      %dma_wait3A = arith.constant 0 : i32
      %dma_wait3A_17 = arith.constant 0 : i32
      %dma_wait3A_18 = tpu.memref_slice %arg2[%dma_wait3A, %dma_wait3A_17] : memref<10001x128xf32, #tpu.memory_space<hbm>> -> memref<10001x128xf32, #tpu.memory_space<hbm>>
      tpu.wait_indirect_dma semaphore(%arg7 : memref<!tpu.dma_semaphore, #tpu.memory_space<semaphore_mem>>) src(%dma_wait3A_18 : memref<10001x128xf32, #tpu.memory_space<hbm>>) dst(%arg6 : memref<256x128xf32, #tpu.memory_space<vmem>>)
      "tpu.region"() ({
        %run_scoped3A = tpu.sem_alloc : memref<!tpu.dma_semaphore, #tpu.memory_space<semaphore_mem>>
        %dma_start3A_19 = arith.constant 0 : i32
        %dma_start3A_20 = tpu.memref_slice %arg4[%add3A_14, %dma_start3A_19] : memref<655360x128xf32, #tpu.memory_space<hbm>> -> memref<256x128xf32, #tpu.memory_space<hbm>>
        %dma_start3A_21 = arith.constant 0 : i32
        %dma_start3A_22 = tpu.memref_slice %arg4[%add3A_14, %dma_start3A_21] : memref<655360x128xf32, #tpu.memory_space<hbm>> -> memref<256x128xf32, #tpu.memory_space<hbm>>
        tpu.enqueue_dma source(%arg6 : memref<256x128xf32, #tpu.memory_space<vmem>>) target(%dma_start3A_22 : memref<256x128xf32, #tpu.memory_space<hbm>>) target_semaphore(%run_scoped3A : memref<!tpu.dma_semaphore, #tpu.memory_space<semaphore_mem>>)
        %dma_wait3A_23 = arith.constant 0 : i32
        %dma_wait3A_24 = tpu.memref_slice %arg4[%add3A_14, %dma_wait3A_23] : memref<655360x128xf32, #tpu.memory_space<hbm>> -> memref<256x128xf32, #tpu.memory_space<hbm>>
        %dma_wait3A_25 = arith.constant 0 : i32
        %dma_wait3A_26 = tpu.memref_slice %arg4[%add3A_14, %dma_wait3A_25] : memref<655360x128xf32, #tpu.memory_space<hbm>> -> memref<256x128xf32, #tpu.memory_space<hbm>>
        tpu.wait_dma2 semaphore(%run_scoped3A : memref<!tpu.dma_semaphore, #tpu.memory_space<semaphore_mem>>) src(%arg6 : memref<256x128xf32, #tpu.memory_space<vmem>>) dst(%dma_wait3A_26 : memref<256x128xf32, #tpu.memory_space<hbm>>)
        tpu.yield
      }) : () -> ()
    }
    %scan3A_6 = arith.constant 80 : i32
    return
  }
}

#map = affine_map<(d0, d1) -> (0, 0)>
#map1 = affine_map<(d0, d1) -> (0)>
module attributes {stable_mosaic.version = 14 : i64} {
  func.func @k(%arg0: i32, %arg1: i32, %arg2: memref<10001x128xf32, #tpu.memory_space<hbm>>, %arg3: memref<655360xi32, #tpu.memory_space<hbm>>, %arg4: memref<655360x128xf32, #tpu.memory_space<hbm>>, %arg5: memref<256xi32, #tpu.memory_space<vmem>>, %arg6: memref<256x128xf32, #tpu.memory_space<vmem>>, %arg7: memref<!tpu.dma_semaphore, #tpu.memory_space<semaphore_mem>>) attributes {dimension_semantics = [#tpu.dimension_semantics<core_parallel>, #tpu.dimension_semantics<subcore_parallel>], iteration_bounds = array<i64: 2, 16>, scalar_prefetch = 0 : i64, scratch_operands = 3 : i64, tpu.core_type = #tpu.core_type<sc_vector_subcore>, window_params = [{transform_indices = #map}, {transform_indices = #map1}, {transform_indices = #map}]} {
    %mul3A = arith.constant 2 : i32
    %mul3A_0 = arith.muli %arg1, %mul3A : i32
    %add3A = arith.addi %mul3A_0, %arg0 : i32
    %mul3A_1 = arith.constant 20480 : i32
    %mul3A_2 = arith.muli %add3A, %mul3A_1 : i32
    %scan3A = arith.constant 0 : i32
    %scan3A_3 = arith.constant 80 : i32
    %scan3A_4 = arith.addi %scan3A, %scan3A_3 : i32
    %scan3A_5 = arith.constant 1 : i32
    scf.for %scan3A_7 = %scan3A to %scan3A_4 step %scan3A_5  : i32 {
      %mul3A_8 = arith.constant 1 : i32
      %mul3A_9 = arith.muli %scan3A_7, %mul3A_8 : i32
      %add3A_10 = arith.constant 0 : i32
      %add3A_11 = arith.addi %add3A_10, %mul3A_9 : i32
      %mul3A_12 = arith.constant 256 : i32
      %mul3A_13 = arith.muli %add3A_11, %mul3A_12 : i32
      %add3A_14 = arith.addi %mul3A_2, %mul3A_13 : i32
      "tpu.region"() ({
        %run_scoped3A = tpu.sem_alloc : memref<!tpu.dma_semaphore, #tpu.memory_space<semaphore_mem>>
        %dma_start3A_19 = tpu.memref_slice %arg3[%add3A_14] : memref<655360xi32, #tpu.memory_space<hbm>> -> memref<256xi32, #tpu.memory_space<hbm>>
        %dma_start3A_20 = tpu.memref_slice %arg3[%add3A_14] : memref<655360xi32, #tpu.memory_space<hbm>> -> memref<256xi32, #tpu.memory_space<hbm>>
        tpu.enqueue_dma source(%dma_start3A_20 : memref<256xi32, #tpu.memory_space<hbm>>) target(%arg5 : memref<256xi32, #tpu.memory_space<vmem>>) target_semaphore(%run_scoped3A : memref<!tpu.dma_semaphore, #tpu.memory_space<semaphore_mem>>)
        %dma_wait3A_21 = tpu.memref_slice %arg3[%add3A_14] : memref<655360xi32, #tpu.memory_space<hbm>> -> memref<256xi32, #tpu.memory_space<hbm>>
        %dma_wait3A_22 = tpu.memref_slice %arg3[%add3A_14] : memref<655360xi32, #tpu.memory_space<hbm>> -> memref<256xi32, #tpu.memory_space<hbm>>
        tpu.wait_dma2 semaphore(%run_scoped3A : memref<!tpu.dma_semaphore, #tpu.memory_space<semaphore_mem>>) src(%dma_wait3A_22 : memref<256xi32, #tpu.memory_space<hbm>>) dst(%arg5 : memref<256xi32, #tpu.memory_space<vmem>>)
        tpu.yield
      }) : () -> ()
      %dma_start3A = arith.constant 0 : i32
      %dma_start3A_15 = arith.constant 0 : i32
      %dma_start3A_16 = tpu.memref_slice %arg2[%dma_start3A, %dma_start3A_15] : memref<10001x128xf32, #tpu.memory_space<hbm>> -> memref<10001x128xf32, #tpu.memory_space<hbm>>
      tpu.enqueue_indirect_dma source(%dma_start3A_16 : memref<10001x128xf32, #tpu.memory_space<hbm>>) target(%arg6 : memref<256x128xf32, #tpu.memory_space<vmem>>) offsets(%arg5 : memref<256xi32, #tpu.memory_space<vmem>>) semaphore(%arg7 : memref<!tpu.dma_semaphore, #tpu.memory_space<semaphore_mem>>)
      %dma_wait3A = arith.constant 0 : i32
      %dma_wait3A_17 = arith.constant 0 : i32
      %dma_wait3A_18 = tpu.memref_slice %arg2[%dma_wait3A, %dma_wait3A_17] : memref<10001x128xf32, #tpu.memory_space<hbm>> -> memref<10001x128xf32, #tpu.memory_space<hbm>>
      tpu.wait_indirect_dma semaphore(%arg7 : memref<!tpu.dma_semaphore, #tpu.memory_space<semaphore_mem>>) src(%dma_wait3A_18 : memref<10001x128xf32, #tpu.memory_space<hbm>>) dst(%arg6 : memref<256x128xf32, #tpu.memory_space<vmem>>)
      "tpu.region"() ({
        %run_scoped3A = tpu.sem_alloc : memref<!tpu.dma_semaphore, #tpu.memory_space<semaphore_mem>>
        %dma_start3A_19 = arith.constant 0 : i32
        %dma_start3A_20 = tpu.memref_slice %arg4[%add3A_14, %dma_start3A_19] : memref<655360x128xf32, #tpu.memory_space<hbm>> -> memref<256x128xf32, #tpu.memory_space<hbm>>
        %dma_start3A_21 = arith.constant 0 : i32
        %dma_start3A_22 = tpu.memref_slice %arg4[%add3A_14, %dma_start3A_21] : memref<655360x128xf32, #tpu.memory_space<hbm>> -> memref<256x128xf32, #tpu.memory_space<hbm>>
        tpu.enqueue_dma source(%arg6 : memref<256x128xf32, #tpu.memory_space<vmem>>) target(%dma_start3A_22 : memref<256x128xf32, #tpu.memory_space<hbm>>) target_semaphore(%run_scoped3A : memref<!tpu.dma_semaphore, #tpu.memory_space<semaphore_mem>>)
        %dma_wait3A_23 = arith.constant 0 : i32
        %dma_wait3A_24 = tpu.memref_slice %arg4[%add3A_14, %dma_wait3A_23] : memref<655360x128xf32, #tpu.memory_space<hbm>> -> memref<256x128xf32, #tpu.memory_space<hbm>>
        %dma_wait3A_25 = arith.constant 0 : i32
        %dma_wait3A_26 = tpu.memref_slice %arg4[%add3A_14, %dma_wait3A_25] : memref<655360x128xf32, #tpu.memory_space<hbm>> -> memref<256x128xf32, #tpu.memory_space<hbm>>
        tpu.wait_dma2 semaphore(%run_scoped3A : memref<!tpu.dma_semaphore, #tpu.memory_space<semaphore_mem>>) src(%arg6 : memref<256x128xf32, #tpu.memory_space<vmem>>) dst(%dma_wait3A_26 : memref<256x128xf32, #tpu.memory_space<hbm>>)
        tpu.yield
      }) : () -> ()
    }
    %scan3A_6 = arith.constant 80 : i32
    return
  }
}

module attributes {stable_mosaic.version = 14 : i64} {
  func.func @_mm_body(%arg0: i32, %arg1: memref<2000x128xf32, #tpu.memory_space<vmem>>, %arg2: memref<128x128xf32, #tpu.memory_space<vmem>>, %arg3: memref<2000x128xf32, #tpu.memory_space<vmem>>) attributes {dimension_semantics = [#tpu.dimension_semantics<arbitrary>], iteration_bounds = array<i64: 5>, scalar_prefetch = 0 : i64, scratch_operands = 0 : i64, tpu.core_type = #tpu.core_type<tc>, window_params = [{transform_indices = @transform_0, window_bounds = array<i64: 2000, 128>}, {pipeline_mode = #tpu.pipeline_mode<synchronous>, transform_indices = @transform_1, window_bounds = array<i64: 128, 128>}, {transform_indices = @transform_2, window_bounds = array<i64: 2000, 128>}]} {
    %get3A = arith.constant 0 : index
    %get3A_0 = arith.constant 0 : index
    %get3A_1 = vector.load %arg1[%get3A, %get3A_0] : memref<2000x128xf32, #tpu.memory_space<vmem>>, vector<2000x128xf32>
    %get3A_2 = arith.constant 0 : index
    %get3A_3 = arith.constant 0 : index
    %get3A_4 = vector.load %arg2[%get3A_2, %get3A_3] : memref<128x128xf32, #tpu.memory_space<vmem>>, vector<128x128xf32>
    %dot_general3A = arith.constant dense<0.000000e+00> : vector<2000x128xf32>
    %dot_general3A_5 = tpu.matmul %get3A_1, %get3A_4, %dot_general3A {dimension_numbers = #tpu.dot_dimension_numbers<[1], [0], [0], [1], [0, 0, 1, 1], [], []>, transpose_lhs_hint = false} : vector<2000x128xf32>, vector<128x128xf32>, vector<2000x128xf32> -> vector<2000x128xf32>
    %swap3A = arith.constant 0 : index
    %swap3A_6 = arith.constant 0 : index
    %swap3A_7 = vector.load %arg3[%swap3A, %swap3A_6] : memref<2000x128xf32, #tpu.memory_space<vmem>>, vector<2000x128xf32>
    tpu.vector_store %arg3[%swap3A, %swap3A_6], %dot_general3A_5 {strides = array<i32>} : memref<2000x128xf32, #tpu.memory_space<vmem>>, vector<2000x128xf32>,
    return
  }
  func.func @transform_0(%arg0: i32) -> (i32, i32) {
    %c0_i32 = arith.constant 0 : i32
    %c0_i32_0 = arith.constant 0 : i32
    return %arg0, %c0_i32 : i32, i32
  }
  func.func @transform_1(%arg0: i32) -> (i32, i32) {
    %c0_i32 = arith.constant 0 : i32
    %c0_i32_0 = arith.constant 0 : i32
    %c0_i32_1 = arith.constant 0 : i32
    return %c0_i32, %c0_i32_0 : i32, i32
  }
  func.func @transform_2(%arg0: i32) -> (i32, i32) {
    %c0_i32 = arith.constant 0 : i32
    %c0_i32_0 = arith.constant 0 : i32
    return %arg0, %c0_i32 : i32, i32
  }
}

module attributes {stable_mosaic.version = 14 : i64} {
  func.func @_layer1_body(%arg0: i32, %arg1: memref<128x64x128xf32, #tpu.memory_space<vmem>>, %arg2: memref<128x1x128xi32, #tpu.memory_space<vmem>>, %arg3: memref<1x1x128xf32, #tpu.memory_space<vmem>>, %arg4: memref<128x128xf32, #tpu.memory_space<vmem>>, %arg5: memref<128x128xf32, #tpu.memory_space<vmem>>) attributes {dimension_semantics = [#tpu.dimension_semantics<arbitrary>], iteration_bounds = array<i64: 80>, scalar_prefetch = 0 : i64, scratch_operands = 0 : i64, tpu.core_type = #tpu.core_type<tc>, window_params = [{transform_indices = @transform_0, window_bounds = array<i64: 128, 64, 128>}, {transform_indices = @transform_1, window_bounds = array<i64: 128, 1, 128>}, {pipeline_mode = #tpu.pipeline_mode<synchronous>, transform_indices = @transform_2, window_bounds = array<i64: 1, 1, 128>}, {pipeline_mode = #tpu.pipeline_mode<synchronous>, transform_indices = @transform_3, window_bounds = array<i64: 128, 128>}, {transform_indices = @transform_4, window_bounds = array<i64: 128, 128>}]} {
    %get3A = arith.constant 0 : index
    %get3A_0 = arith.constant 0 : index
    %get3A_1 = arith.constant 0 : index
    %get3A_2 = vector.load %arg1[%get3A, %get3A_0, %get3A_1] : memref<128x64x128xf32, #tpu.memory_space<vmem>>, vector<128x64x128xf32>
    %get3A_3 = arith.constant 0 : index
    %get3A_4 = arith.constant 0 : index
    %get3A_5 = arith.constant 0 : index
    %get3A_6 = vector.load %arg2[%get3A_3, %get3A_4, %get3A_5] : memref<128x1x128xi32, #tpu.memory_space<vmem>>, vector<128x1x128xi32>
    %bitcast_convert_type3A = tpu.bitcast %get3A_2 : vector<128x64x128xf32> -> vector<128x64x128xi32>
    %lt3A = arith.constant 0 : i32
    %lt3A_7 = vector.broadcast %lt3A : i32 to vector<128x64x128xi32>
    %lt3A_8 = arith.cmpi slt, %bitcast_convert_type3A, %lt3A_7 : vector<128x64x128xi32>
    %xor3A = arith.constant 2147483647 : i32
    %xor3A_9 = vector.broadcast %xor3A : i32 to vector<128x64x128xi32>
    %xor3A_10 = arith.xori %bitcast_convert_type3A, %xor3A_9 : vector<128x64x128xi32>
    %select_n3A = arith.select %lt3A_8, %xor3A_10, %bitcast_convert_type3A : vector<128x64x128xi1>, vector<128x64x128xi32>
    %broadcast_in_dim3A = arith.constant -2147483648 : i32
    %broadcast_in_dim3A_11 = vector.broadcast %broadcast_in_dim3A : i32 to vector<128x1x128xi32>
    %broadcast_in_dim3A_12 = arith.constant 2147483647 : i32
    %broadcast_in_dim3A_13 = vector.broadcast %broadcast_in_dim3A_12 : i32 to vector<128x1x128xi32>
    %scan3A = arith.constant 0 : i32
    %scan3A_14 = arith.constant 20 : i32
    %scan3A_15 = arith.addi %scan3A, %scan3A_14 : i32
    %scan3A_16 = arith.constant 1 : i32
    %scan3A_17:2 = scf.for %scan3A_39 = %scan3A to %scan3A_15 step %scan3A_16 iter_args(%scan3A_40 = %broadcast_in_dim3A_11, %scan3A_41 = %broadcast_in_dim3A_13) -> (vector<128x1x128xi32>, vector<128x1x128xi32>)  : i32 {
      %and3A = arith.andi %scan3A_40, %scan3A_41 : vector<128x1x128xi32>
      %xor3A_42 = arith.xori %scan3A_40, %scan3A_41 : vector<128x1x128xi32>
      %shift_right_arithmetic3A = arith.constant 1 : i32
      %shift_right_arithmetic3A_43 = vector.broadcast %shift_right_arithmetic3A : i32 to vector<128x1x128xi32>
      %shift_right_arithmetic3A_44 = arith.shrsi %xor3A_42, %shift_right_arithmetic3A_43 : vector<128x1x128xi32>
      %add3A_45 = arith.addi %and3A, %shift_right_arithmetic3A_44 : vector<128x1x128xi32>
      %le3A = vector.broadcast %add3A_45 : vector<128x1x128xi32> to vector<128x64x128xi32>
      %le3A_46 = arith.cmpi sle, %select_n3A, %le3A : vector<128x64x128xi32>
      %convert_element_type3A = arith.extui %le3A_46 : vector<128x64x128xi1> to vector<128x64x128xi32>
      %reduce_sum3A = arith.constant dense<0> : vector<128x128xi32>
      %reduce_sum3A_47 = vector.multi_reduction <add>, %convert_element_type3A, %reduce_sum3A [1] : vector<128x64x128xi32> to vector<128x128xi32>
      %broadcast_in_dim3A_48 = vector.shape_cast %reduce_sum3A_47 : vector<128x128xi32> to vector<128x1x128xi32>
      %ge3A = arith.cmpi sge, %broadcast_in_dim3A_48, %get3A_6 : vector<128x1x128xi32>
      %add3A_49 = arith.constant 1 : i32
      %add3A_50 = vector.broadcast %add3A_49 : i32 to vector<128x1x128xi32>
      %add3A_51 = arith.addi %add3A_45, %add3A_50 : vector<128x1x128xi32>
      %select_n3A_52 = arith.select %ge3A, %scan3A_40, %add3A_51 : vector<128x1x128xi1>, vector<128x1x128xi32>
      %select_n3A_53 = arith.select %ge3A, %add3A_45, %scan3A_41 : vector<128x1x128xi1>, vector<128x1x128xi32>
      scf.yield %select_n3A_52, %select_n3A_53 : vector<128x1x128xi32>, vector<128x1x128xi32>
    }
    %lt3A_18 = arith.constant 0 : i32
    %lt3A_19 = vector.broadcast %lt3A_18 : i32 to vector<128x1x128xi32>
    %lt3A_20 = arith.cmpi slt, %scan3A_17#1, %lt3A_19 : vector<128x1x128xi32>
    %xor3A_21 = arith.constant 2147483647 : i32
    %xor3A_22 = vector.broadcast %xor3A_21 : i32 to vector<128x1x128xi32>
    %xor3A_23 = arith.xori %scan3A_17#1, %xor3A_22 : vector<128x1x128xi32>
    %select_n3A_24 = arith.select %lt3A_20, %xor3A_23, %scan3A_17#1 : vector<128x1x128xi1>, vector<128x1x128xi32>
    %bitcast_convert_type3A_25 = tpu.bitcast %select_n3A_24 : vector<128x1x128xi32> -> vector<128x1x128xf32>
    %get3A_26 = arith.constant 0 : index
    %get3A_27 = arith.constant 0 : index
    %get3A_28 = arith.constant 0 : index
    %get3A_29 = vector.load %arg3[%get3A_26, %get3A_27, %get3A_28] : memref<1x1x128xf32, #tpu.memory_space<vmem>>, vector<1x1x128xf32>
    %add3A = vector.broadcast %get3A_29 : vector<1x1x128xf32> to vector<128x1x128xf32>
    %add3A_30 = arith.addf %bitcast_convert_type3A_25, %add3A : vector<128x1x128xf32>
    %max3A = arith.constant 0.000000e+00 : f32
    %max3A_31 = vector.broadcast %max3A : f32 to vector<128x1x128xf32>
    %max3A_32 = arith.maximumf %add3A_30, %max3A_31 : vector<128x1x128xf32>
    %reshape3A = vector.shape_cast %max3A_32 : vector<128x1x128xf32> to vector<128x128xf32>
    %get3A_33 = arith.constant 0 : index
    %get3A_34 = arith.constant 0 : index
    %get3A_35 = vector.load %arg4[%get3A_33, %get3A_34] : memref<128x128xf32, #tpu.memory_space<vmem>>, vector<128x128xf32>
    %dot_general3A = arith.constant dense<0.000000e+00> : vector<128x128xf32>
    %dot_general3A_36 = tpu.matmul %reshape3A, %get3A_35, %dot_general3A {dimension_numbers = #tpu.dot_dimension_numbers<[1], [0], [0], [1], [0, 0, 1, 1], [], []>, transpose_lhs_hint = false} : vector<128x128xf32>, vector<128x128xf32>, vector<128x128xf32> -> vector<128x128xf32>
    %swap3A = arith.constant 0 : index
    %swap3A_37 = arith.constant 0 : index
    %swap3A_38 = vector.load %arg5[%swap3A, %swap3A_37] : memref<128x128xf32, #tpu.memory_space<vmem>>, vector<128x128xf32>
    tpu.vector_store %arg5[%swap3A, %swap3A_37], %dot_general3A_36 {strides = array<i32>} : memref<128x128xf32, #tpu.memory_space<vmem>>, vector<128x128xf32>,
    return
  }
  func.func @transform_0(%arg0: i32) -> (i32, i32, i32) {
    %c0_i32 = arith.constant 0 : i32
    %c0_i32_0 = arith.constant 0 : i32
    %c0_i32_1 = arith.constant 0 : i32
    return %arg0, %c0_i32, %c0_i32_0 : i32, i32, i32
  }
  func.func @transform_1(%arg0: i32) -> (i32, i32, i32) {
    %c0_i32 = arith.constant 0 : i32
    %c0_i32_0 = arith.constant 0 : i32
    %c0_i32_1 = arith.constant 0 : i32
    return %arg0, %c0_i32, %c0_i32_0 : i32, i32, i32
  }
  func.func @transform_2(%arg0: i32) -> (i32, i32, i32) {
    %c0_i32 = arith.constant 0 : i32
    %c0_i32_0 = arith.constant 0 : i32
    %c0_i32_1 = arith.constant 0 : i32
    %c0_i32_2 = arith.constant 0 : i32
    return %c0_i32, %c0_i32_0, %c0_i32_1 : i32, i32, i32
  }
  func.func @transform_3(%arg0: i32) -> (i32, i32) {
    %c0_i32 = arith.constant 0 : i32
    %c0_i32_0 = arith.constant 0 : i32
    %c0_i32_1 = arith.constant 0 : i32
    return %c0_i32, %c0_i32_0 : i32, i32
  }
  func.func @transform_4(%arg0: i32) -> (i32, i32) {
    %c0_i32 = arith.constant 0 : i32
    %c0_i32_0 = arith.constant 0 : i32
    return %arg0, %c0_i32 : i32, i32
  }
}

module attributes {stable_mosaic.version = 14 : i64} {
  func.func @_layer2_body(%arg0: i32, %arg1: memref<128x64x128xf32, #tpu.memory_space<vmem>>, %arg2: memref<128x1x128xi32, #tpu.memory_space<vmem>>, %arg3: memref<1x1x128xf32, #tpu.memory_space<vmem>>, %arg4: memref<128x128xf32, #tpu.memory_space<vmem>>) attributes {dimension_semantics = [#tpu.dimension_semantics<arbitrary>], iteration_bounds = array<i64: 80>, scalar_prefetch = 0 : i64, scratch_operands = 0 : i64, tpu.core_type = #tpu.core_type<tc>, window_params = [{transform_indices = @transform_0, window_bounds = array<i64: 128, 64, 128>}, {transform_indices = @transform_1, window_bounds = array<i64: 128, 1, 128>}, {pipeline_mode = #tpu.pipeline_mode<synchronous>, transform_indices = @transform_2, window_bounds = array<i64: 1, 1, 128>}, {transform_indices = @transform_3, window_bounds = array<i64: 128, 128>}]} {
    %get3A = arith.constant 0 : index
    %get3A_0 = arith.constant 0 : index
    %get3A_1 = arith.constant 0 : index
    %get3A_2 = vector.load %arg1[%get3A, %get3A_0, %get3A_1] : memref<128x64x128xf32, #tpu.memory_space<vmem>>, vector<128x64x128xf32>
    %get3A_3 = arith.constant 0 : index
    %get3A_4 = arith.constant 0 : index
    %get3A_5 = arith.constant 0 : index
    %get3A_6 = vector.load %arg2[%get3A_3, %get3A_4, %get3A_5] : memref<128x1x128xi32, #tpu.memory_space<vmem>>, vector<128x1x128xi32>
    %bitcast_convert_type3A = tpu.bitcast %get3A_2 : vector<128x64x128xf32> -> vector<128x64x128xi32>
    %lt3A = arith.constant 0 : i32
    %lt3A_7 = vector.broadcast %lt3A : i32 to vector<128x64x128xi32>
    %lt3A_8 = arith.cmpi slt, %bitcast_convert_type3A, %lt3A_7 : vector<128x64x128xi32>
    %xor3A = arith.constant 2147483647 : i32
    %xor3A_9 = vector.broadcast %xor3A : i32 to vector<128x64x128xi32>
    %xor3A_10 = arith.xori %bitcast_convert_type3A, %xor3A_9 : vector<128x64x128xi32>
    %select_n3A = arith.select %lt3A_8, %xor3A_10, %bitcast_convert_type3A : vector<128x64x128xi1>, vector<128x64x128xi32>
    %broadcast_in_dim3A = arith.constant -2147483648 : i32
    %broadcast_in_dim3A_11 = vector.broadcast %broadcast_in_dim3A : i32 to vector<128x1x128xi32>
    %broadcast_in_dim3A_12 = arith.constant 2147483647 : i32
    %broadcast_in_dim3A_13 = vector.broadcast %broadcast_in_dim3A_12 : i32 to vector<128x1x128xi32>
    %scan3A = arith.constant 0 : i32
    %scan3A_14 = arith.constant 20 : i32
    %scan3A_15 = arith.addi %scan3A, %scan3A_14 : i32
    %scan3A_16 = arith.constant 1 : i32
    %scan3A_17:2 = scf.for %scan3A_33 = %scan3A to %scan3A_15 step %scan3A_16 iter_args(%scan3A_34 = %broadcast_in_dim3A_11, %scan3A_35 = %broadcast_in_dim3A_13) -> (vector<128x1x128xi32>, vector<128x1x128xi32>)  : i32 {
      %and3A = arith.andi %scan3A_34, %scan3A_35 : vector<128x1x128xi32>
      %xor3A_36 = arith.xori %scan3A_34, %scan3A_35 : vector<128x1x128xi32>
      %shift_right_arithmetic3A = arith.constant 1 : i32
      %shift_right_arithmetic3A_37 = vector.broadcast %shift_right_arithmetic3A : i32 to vector<128x1x128xi32>
      %shift_right_arithmetic3A_38 = arith.shrsi %xor3A_36, %shift_right_arithmetic3A_37 : vector<128x1x128xi32>
      %add3A_39 = arith.addi %and3A, %shift_right_arithmetic3A_38 : vector<128x1x128xi32>
      %le3A = vector.broadcast %add3A_39 : vector<128x1x128xi32> to vector<128x64x128xi32>
      %le3A_40 = arith.cmpi sle, %select_n3A, %le3A : vector<128x64x128xi32>
      %convert_element_type3A = arith.extui %le3A_40 : vector<128x64x128xi1> to vector<128x64x128xi32>
      %reduce_sum3A = arith.constant dense<0> : vector<128x128xi32>
      %reduce_sum3A_41 = vector.multi_reduction <add>, %convert_element_type3A, %reduce_sum3A [1] : vector<128x64x128xi32> to vector<128x128xi32>
      %broadcast_in_dim3A_42 = vector.shape_cast %reduce_sum3A_41 : vector<128x128xi32> to vector<128x1x128xi32>
      %ge3A = arith.cmpi sge, %broadcast_in_dim3A_42, %get3A_6 : vector<128x1x128xi32>
      %add3A_43 = arith.constant 1 : i32
      %add3A_44 = vector.broadcast %add3A_43 : i32 to vector<128x1x128xi32>
      %add3A_45 = arith.addi %add3A_39, %add3A_44 : vector<128x1x128xi32>
      %select_n3A_46 = arith.select %ge3A, %scan3A_34, %add3A_45 : vector<128x1x128xi1>, vector<128x1x128xi32>
      %select_n3A_47 = arith.select %ge3A, %add3A_39, %scan3A_35 : vector<128x1x128xi1>, vector<128x1x128xi32>
      scf.yield %select_n3A_46, %select_n3A_47 : vector<128x1x128xi32>, vector<128x1x128xi32>
    }
    %lt3A_18 = arith.constant 0 : i32
    %lt3A_19 = vector.broadcast %lt3A_18 : i32 to vector<128x1x128xi32>
    %lt3A_20 = arith.cmpi slt, %scan3A_17#1, %lt3A_19 : vector<128x1x128xi32>
    %xor3A_21 = arith.constant 2147483647 : i32
    %xor3A_22 = vector.broadcast %xor3A_21 : i32 to vector<128x1x128xi32>
    %xor3A_23 = arith.xori %scan3A_17#1, %xor3A_22 : vector<128x1x128xi32>
    %select_n3A_24 = arith.select %lt3A_20, %xor3A_23, %scan3A_17#1 : vector<128x1x128xi1>, vector<128x1x128xi32>
    %bitcast_convert_type3A_25 = tpu.bitcast %select_n3A_24 : vector<128x1x128xi32> -> vector<128x1x128xf32>
    %get3A_26 = arith.constant 0 : index
    %get3A_27 = arith.constant 0 : index
    %get3A_28 = arith.constant 0 : index
    %get3A_29 = vector.load %arg3[%get3A_26, %get3A_27, %get3A_28] : memref<1x1x128xf32, #tpu.memory_space<vmem>>, vector<1x1x128xf32>
    %add3A = vector.broadcast %get3A_29 : vector<1x1x128xf32> to vector<128x1x128xf32>
    %add3A_30 = arith.addf %bitcast_convert_type3A_25, %add3A : vector<128x1x128xf32>
    %reshape3A = vector.shape_cast %add3A_30 : vector<128x1x128xf32> to vector<128x128xf32>
    %swap3A = arith.constant 0 : index
    %swap3A_31 = arith.constant 0 : index
    %swap3A_32 = vector.load %arg4[%swap3A, %swap3A_31] : memref<128x128xf32, #tpu.memory_space<vmem>>, vector<128x128xf32>
    tpu.vector_store %arg4[%swap3A, %swap3A_31], %reshape3A {strides = array<i32>} : memref<128x128xf32, #tpu.memory_space<vmem>>, vector<128x128xf32>,
    return
  }
  func.func @transform_0(%arg0: i32) -> (i32, i32, i32) {
    %c0_i32 = arith.constant 0 : i32
    %c0_i32_0 = arith.constant 0 : i32
    %c0_i32_1 = arith.constant 0 : i32
    return %arg0, %c0_i32, %c0_i32_0 : i32, i32, i32
  }
  func.func @transform_1(%arg0: i32) -> (i32, i32, i32) {
    %c0_i32 = arith.constant 0 : i32
    %c0_i32_0 = arith.constant 0 : i32
    %c0_i32_1 = arith.constant 0 : i32
    return %arg0, %c0_i32, %c0_i32_0 : i32, i32, i32
  }
  func.func @transform_2(%arg0: i32) -> (i32, i32, i32) {
    %c0_i32 = arith.constant 0 : i32
    %c0_i32_0 = arith.constant 0 : i32
    %c0_i32_1 = arith.constant 0 : i32
    %c0_i32_2 = arith.constant 0 : i32
    return %c0_i32, %c0_i32_0, %c0_i32_1 : i32, i32, i32
  }
  func.func @transform_3(%arg0: i32) -> (i32, i32) {
    %c0_i32 = arith.constant 0 : i32
    %c0_i32_0 = arith.constant 0 : i32
    return %arg0, %c0_i32 : i32, i32
  }
}

</mosaic_0001>

<sc_bundles>
// kernel: branch_1_fun.10.cloned.1.call-start
scs
__scs_entry_jumppad:
0x0: {  	(pc) =	sbr.rel $0x88, $3  }
0x1: {  	(tag) =	ssettag $0x0;
	lr =	simm.s32 $0x1  }
0x2: {  	[smem:$0x3F9B] =	sst lr;
	_ =	strace $0xD0000000  }
0x3: {  	_ = 	snop  }
0x4: {  	_ = 	snop  }
0x5: {  	_ = 	snop  }
0x6: {  	_ = 	snop  }
0x7: {  	_ = 	snop  }
__scs_overlays_trampoline_lowered:
0x8: {  	[smem:$0x3FAA] =	sst s0  }
0x9: {  	[smem:$0x3FAB] =	sst s1  }
0xa: {  	[smem:$0x3FAC] =	sst s2  }
0xb: {  	[smem:$0x3FAD] =	sst s3  }
0xc: {  	[smem:$0x3FAE] =	sst s4  }
0xd: {  	[smem:$0x3FAF] =	sst s5  }
0xe: {  	[smem:$0x3FB0] =	sst s6  }
0xf: {  	[smem:$0x3FB1] =	sst s7  }
0x10: {  	[smem:$0x3FB2] =	sst s8  }
0x11: {  	[smem:$0x3FB3] =	sst s9;
	s0 =	simm.s32 @!p0 $0x0  }
0x12: {  	s1 =	sld [smem:$0x3F99];
	s0 =	simm.s32 @p0 $0x1  }
0x13: {  	[smem:$0x3FB4] =	sst s0;
	s0 =	simm.s32 @!p1 $0x0  }
0x14: {  	s2 =	sld [smem:$0x3F98];
	s0 =	simm.s32 @p1 $0x1  }
0x15: {  	[smem:$0x3FB5] =	sst s0;
	s0 =	simm.s32 @!p2 $0x0  }
0x16: {  	s3 =	sld [smem:$0x3FDB];
	s0 =	simm.s32 @p2 $0x1  }
0x17: {  	s4 =	simm.s32 $0x1BF5;
	[smem:$0x3FB7] =	sst s0  }
0x18: {  	s0 =	sld [smem:$0x3F9A];
	_ =	swait.ge [sflag:s4], $0x0  }
0x19: {  	s7 =	sld [smem:$0x3F9B]  }
0x1a: {  	s8 =	sadd.s32 $0xFFFFE003, lr  }
0x1b: {  	s9 =	sadd.s32 $0xFFFFFEF7, lr;
	s5 =	simm.s32 $0xFFFFFFFF;
	p2 =	slt.u32 s8, $0xFFFFF086  }
0x1c: {  	p1 =	slt.u32 s9, $0xF7A;
	s5 =	simm.s32 @!p2 $0x0  }
0x1d: {  	s5 =	simm.s32 @p1 $0x1;
	p0 =	seq.s32 s7, s2  }
0x1e: {  	s7 =	smul.u32 @!p0 $0xF7A, s2;
	p2 =	seq.s32 @!p0 s5, $0x0  }
0x1f: {  	s9 =	smul.u32 $0xF7A, s1;
	s8 =	simm.s32 @!p0 $0x1BF5;
	p2 =	por !p2, p0  }
0x20: {  	[sflag:s8] =	ssyncset.s32 @!p0 $0xFFFFF086;
	s6 =	sadd.s32 @!p0 s3, s7;
	s7 =	simm.s32 @!p0 $0x108  }
0x21: {  	s3 =	sadd.s32 s3, s9;
	s6 =	sadd.s32 @!p0 $0x88, s6;
	s7 =	simm.s32 @p2 $0x1082  }
0x22: {  	[simem:s7], [sflag:s8] =	dma.local @!p0 [hbm:s6], $0xF7A  }
0x23: {  	s9 =	sor.u32 $0xD0000000, s2;
	s6 =	simm.s32 $0x108;
	_ =	swait.ge @!p0 [sflag:s8], $0x0  }
0x24: {  	s3 =	sadd.s32 $0x88, s3;
	s6 =	simm.s32 @!p1 $0x1082;
	[sflag:s4] =	ssyncset.s32 $0xFFFFF086  }
0x25: {  	[simem:s6], [sflag:s4] =	dma.local [hbm:s3], $0xF7A  }
0x26: {  	[smem:$0x3F9B] =	sst s1;
	(tag) =	ssettag s2;
	_ =	strace s9  }
0x27: {  	s1 =	sld [smem:$0x3FAB]  }
0x28: {  	s2 =	sld [smem:$0x3FAC]  }
0x29: {  	s4 =	sld [smem:$0x3FAE]  }
0x2a: {  	p0 =	seq.s32 s5, $0x0;
	s5 =	sld [smem:$0x3FAF]  }
0x2b: {  	s6 =	sld [smem:$0x3FB0]  }
0x2c: {  	s7 =	sld [smem:$0x3FB1]  }
0x2d: {  	s3 =	simm.s32 $0x108;
	s8 =	sld [smem:$0x3FB2]  }
0x2e: {  	s3 =	simm.s32 @!p0 $0x1082;
	s9 =	sld [smem:$0x3FB3]  }
0x2f: {  	lr =	sadd.s32 s0, s3;
	s0 =	sld [smem:$0x3FAA]  }
0x30: {  	s3 =	sld [smem:$0x3FAD]  }
0x31: {  	[smem:$0x3FB6] =	sst s10  }
0x32: {  	s10 =	sld [smem:$0x3FB4];
	_ =	sdelay $0x3  }
0x33: {  	p0 =	seq.s32 s10, $0x1;
	s10 =	sld [smem:$0x3FB6];
	_ =	sdelay $0x3  }
0x34: {  	[smem:$0x3FB6] =	sst s10  }
0x35: {  	s10 =	sld [smem:$0x3FB5];
	_ =	sdelay $0x3  }
0x36: {  	p1 =	seq.s32 s10, $0x1;
	s10 =	sld [smem:$0x3FB6];
	_ =	sdelay $0x3  }
0x37: {  	[smem:$0x3FB6] =	sst s10  }
0x38: {  	s10 =	sld [smem:$0x3FB7]  }
0x39: {  	_ = 	snop;
	(pc) =	sbr.ind lr, $3  }
0x3a: {  	_ = 	snop  }
0x3b: {  	_ = 	snop  }
0x3c: {  	p2 =	seq.s32 s10, $0x1;
	s10 =	sld [smem:$0x3FB6]  }
0x3d: {  	_ =	shalt  }
0x3e: {  	_ =	shalt  }
0x3f: {  	_ =	shalt  }
0x40: {  	_ =	shalt  }
0x41: {  	_ =	shalt  }
0x42: {  	_ =	shalt  }
0x43: {  	_ =	shalt  }
0x44: {  	_ =	shalt  }
0x45: {  	_ =	shalt  }
0x46: {  	_ =	shalt  }
0x47: {  	_ =	shalt  }
0x48: {  	_ =	shalt  }
0x49: {  	_ =	shalt  }
0x4a: {  	_ =	shalt  }
0x4b: {  	_ =	shalt  }
0x4c: {  	_ =	shalt  }
0x4d: {  	_ =	shalt  }
0x4e: {  	_ =	shalt  }
0x4f: {  	_ =	shalt  }
0x50: {  	_ =	shalt  }
0x51: {  	_ =	shalt  }
0x52: {  	_ =	shalt  }
0x53: {  	_ =	shalt  }
0x54: {  	_ =	shalt  }
0x55: {  	_ =	shalt  }
0x56: {  	_ =	shalt  }
0x57: {  	_ =	shalt  }
0x58: {  	_ =	shalt  }
0x59: {  	_ =	shalt  }
0x5a: {  	_ =	shalt  }
0x5b: {  	_ =	shalt  }
0x5c: {  	_ =	shalt  }
0x5d: {  	_ =	shalt  }
0x5e: {  	_ =	shalt  }
0x5f: {  	_ =	shalt  }
0x60: {  	_ =	shalt  }
0x61: {  	_ =	shalt  }
0x62: {  	_ =	shalt  }
0x63: {  	_ =	shalt  }
0x64: {  	_ =	shalt  }
0x65: {  	_ =	shalt  }
0x66: {  	_ =	shalt  }
0x67: {  	_ =	shalt  }
0x68: {  	_ =	shalt  }
0x69: {  	_ =	shalt  }
0x6a: {  	_ =	shalt  }
0x6b: {  	_ =	shalt  }
0x6c: {  	_ =	shalt  }
0x6d: {  	_ =	shalt  }
0x6e: {  	_ =	shalt  }
0x6f: {  	_ =	shalt  }
0x70: {  	_ =	shalt  }
0x71: {  	_ =	shalt  }
0x72: {  	_ =	shalt  }
0x73: {  	_ =	shalt  }
0x74: {  	_ =	shalt  }
0x75: {  	_ =	shalt  }
0x76: {  	_ =	shalt  }
0x77: {  	_ =	shalt  }
0x78: {  	_ =	shalt  }
0x79: {  	_ =	shalt  }
0x7a: {  	_ =	shalt  }
0x7b: {  	_ =	shalt  }
0x7c: {  	_ =	shalt  }
0x7d: {  	_ =	shalt  }
0x7e: {  	_ =	shalt  }
0x7f: {  	_ =	shalt  }
0x80: {  	_ =	shalt  }
0x81: {  	_ =	shalt  }
0x82: {  	_ =	shalt  }
0x83: {  	_ =	shalt  }
0x84: {  	_ =	shalt  }
0x85: {  	_ =	shalt  }
0x86: {  	_ =	shalt  }
0x87: {  	_ =	shalt  }
.Lfunc_end0:
.L_simem_size_0:
called_computation.10_lowered:
.L_overlay_start_0:
0x88: {  	s2 =	sld [smem:$0x3FD9]  }
0x89: {  	s3 =	sld [smem:$0x3FFE];
	_ =	sdelay $0x1  }
0x8a: {  	s1 =	srdreg.scid  }
0x8b: {  	s0 =	sand.u32 $0x1, s1  }
0x8c: {  	s16 =	sshll.u32 s0, $0xA;
	s2 =	sadd.s32 s3, s2  }
0x8d: {  	s2 =	sadd.s32 s2, s16  }
0x8e: {  	[smem:$0x3FC2] =	sst s2  }
0x8f: {  	_ = 	snop  }
0x90: {  	(tm) =	ssettm $0x1  }
0x91: {  	s17 =	sld [smem:$0x3FFB];
	_ =	sdelay $0x3  }
0x92: {  	_ =	strace s17  }
0x93: {  	s2 =	sld [smem:$0x3FFC];
	_ =	sdelay $0x3  }
0x94: {  	_ =	strace s2  }
0x95: {  	s2 =	sld [smem:$0x3FFD];
	_ =	sdelay $0x3  }
0x96: {  	_ =	strace s2  }
0x97: {  	_ =	strace $0x8FFFFFFF  }
0x98: {  	s18 =	sld [smem:$0x3FDB];
	_ =	sdelay $0x1  }
0x99: {  	s19 =	simm.s32 $_scs_section_size  }
0x9a: {  	s4 =	simm.s32 $_size__tile_overlayer_lowered;
	s5 =	simm.s32 $_tile_overlayer_lowered  }
0x9b: {  	s22 =	simm.s32 $0x1BFF;
	s21 =	sshll.u32 s5, $0x1;
	s2 =	sadd.s32 s19, s18  }
0x9c: {  	s6 =	simm.s32 $0x0;
	s20 =	sshll.u32 s4, $0x1;
	s4 =	sadd.s32 s21, s2  }
0x9d: {  	[timem:s6], [sflag:s22] =	dma.local [hbm:s4], s20  }
0x9e: {  	_ =	swait.ge [sflag:s22], s20  }
0x9f: {  	s3 =	ssub.s32 $0x0, s20;
	[sflag:s22] =	ssyncset.done $0x0  }
0xa0: {  	[sflag:s22] =	ssyncadd.s32 s3;
	_ =	sdelay $0x1  }
0xa1: {  	s23 =	simm.s32 $0x1B8B  }
0xa2: {  	_ =	swait.ge [sflag:s23], $0x1  }
0xa3: {  	[sflag:s23] =	ssyncset.done $0x0  }
0xa4: {  	s25 =	simm.s32 $0x1B8E;
	s24 =	sld [smem:$0x3FFE];
	[sflag:s23] =	ssyncadd.s32 $0xFFFFFFFF  }
0xa5: {  	s26 =	simm.s32 $execute0_lowered;
	[smem:$0x3FD2] =	sst s25  }
0xa6: {  	s4 =	sshll.u32 s26, $0x1;
	_ =	strace $0x80000061;
	[dreg:$0x1] =	wrdreg $0xFFFFFFFF  }
0xa7: {  	s28 =	simm.s32 $_size_execute0_lowered;
	s2 =	sadd.s32 s2, s4;
	[dreg:$0x0] =	wrdreg $0x0  }
0xa8: {  	s4 =	sshll.u32 s28, $0x1;
	[dreg:$0x2] =	wrdreg s2  }
0xa9: {  	[dreg:$0x3] =	wrdreg s4  }
0xaa: {  	[dreg:$0x4] =	wrdreg $0xC0  }
0xab: {  	_ =	task [dreg:s6], $0x5FFFF  }
0xac: {  	[dreg:$0x1] =	wrdreg $0xFFFFFFFF  }
0xad: {  	[dreg:$0x0] =	wrdreg $0x60  }
0xae: {  	[dreg:$0x2] =	wrdreg s24  }
0xaf: {  	[dreg:$0x3] =	wrdreg $0x9  }
0xb0: {  	_ =	task.clear_ibuf [dreg:s6], $0x4FFFF;
	_ =	strace $0x90000061  }
0xb1: {  	s29 =	simm.s32 $0x9;
	_ =	strace $0x80000063  }
0xb2: {  	_ =	swait.ge [sflag:s29], $0x1  }
0xb3: {  	[sflag:s29] =	ssyncadd.s32 $0xFFFFFFFF  }
0xb4: {  	_ =	strace $0x90000063  }
0xb5: {  	_ =	sfence  }
0xb6: {  	s30 =	sld [smem:$0x0];
	_ =	sdelay $0x2  }
0xb7: {  	s31 =	sshll.u32 s1, $0xD;
	s1 =	sshrl.u32 s1, $0x2  }
0xb8: {  	s3 =	sand.u32 $0x4000, s31;
	s1 =	sadd.s32 s1, s30  }
0xb9: {  	s0 =	sor.u32 s3, s0;
	s1 =	sshll.u32 s1, $0x11  }
0xba: {  	s0 =	sor.u32 s1, s0  }
0xbb: {  	s0 =	sadd.s32 $0x8F2B, s0  }
0xbc: {  	[sflag:s0] =	ssyncadd.remote.s32 $0x1  }
0xbd: {  	_ =	sfence.sel $0xFFFF  }
0xbe: {  	[dreg:$0x0] =	wrdreg $0xFFFFFFFF;
	(pc) =	sbr.abs _section_cstart, $3  }
0xbf: {  	[dreg:$0x1] =	wrdreg $0xFFFFFFFF  }
0xc0: {  	_ =	task.clear_ibuf [dreg:s6], $0x2FFFF;
	_ =	strace $0x9FFFFFFF  }
0xc1: {  	(tm) =	ssettm $0x7FFFFFFF  }
tec
execute0_lowered:
.L_overlay_start_1:
0x0: {  	(tag) =	ssettag $0x1  }
0x1: {  	s4 =	rddreg [dreg:$0x0]  }
0x2: {  	s0 =	rddreg [dreg:$0x1];
	s2 =	simm.s32 $0x0;
	s1 =	stileid.u32  }
0x3: {  	s3 =	srdreg.scid;
	s10 =	simm.s32 $0x0;
	s6 =	smul.u32 $0xA000, s1  }
0x4: {  	[smem:$0x7FF] =	sst s2;
	s5 =	sand.u32 $0x1, s3;
	s8 =	smul.u32 $0xA0000, s1  }
0x5: {  	s3 =	sadd.s32 $0x5A400, s4;
	s7 =	smul.u32 $0x5000, s5;
	s9 =	ssub.s32 $0x2, s5  }
0x6: {  	_ =	strace $0x80000062;
	s5 =	smul.u32 $0x50000, s5;
	s31 =	sshrl.u32 s9, $0x1  }
0x7: {  	s8 =	sadd.s32 s8, s4;
	s6 =	sadd.s32 s7, s6;
	s7 =	ssub.s32 s9, s31  }
0x8: {  	s5 =	sadd.s32 s5, s8;
	s8 =	simm.s32 $0x100;
	s6 =	sshrl.u32 s6, $0x3  }
0x9: {  	s9 =	simm.s32 $0x1;
	s5 =	sadd.s32 $0x81600, s5;
	s6 =	sadd.s32 s6, s4  }
0xa: {  	s4 =	smax.u32 s7, $0x1;
	s7 =	simm.s32 $0x2;
	s6 =	sadd.s32 $0x1E400, s6  }
.LBB2_1:
0xb: {  	s11 =	sadd.s32 $0x0, s6  }
0xc: {  	[tilespmem:s2], [sflag:$0x2] =	stream.linear.gather [hbm4b:s11+s2], $0x100, $0x38;
	[tilespmem:$0x8100] =	vst v63  }
0xd: {  	_ =	swait.ge [sflag:s7], $0x100  }
0xe: {  	[sflag:s7] =	ssyncset.done $0x0  }
0xf: {  	[sflag:s7] =	ssyncadd.s32 $0xFFFFFF00  }
0x10: {  	[tilespmem:s8], [sflag:$0x1] =	stream.indirect.gather [hbm4b:s3+s8], $0x80, s2, s8, $0xb8;
	[tilespmem:$0x8100] =	vst v63  }
0x11: {  	_ =	swait.ge [sflag:s9], $0x8000  }
0x12: {  	[sflag:s9] =	ssyncset.done $0x0  }
0x13: {  	[sflag:s9] =	ssyncadd.s32 $0xFFFF8000  }
0x14: {  	[hbm4b:s5+s2] =	stream.linear.scatter [tilespmem:s8], [sflag:$0x2], $0x8000, $0x38;
	[tilespmem:$0x8100] =	vst v63  }
0x15: {  	s12 =	simm.s32 $0x20;
	_ =	swait.ge [sflag:s7], $0x8000  }
0x16: {  	s13 =	simm.s32 $0x40;
	s11 =	sadd.s32 $0x1000, s5;
	[sflag:s7] =	ssyncset.done $0x0  }
.LBB2_2:
0x17: {  	s14 =	sadd.s32 s12, s6  }
0x18: {  	[sflag:s7] =	ssyncadd.s32 $0xFFFF8000;
	s12 =	smov.u32 s13;
	s15 =	sadd.s32 $0x20, s13  }
0x19: {  	[tilespmem:s2], [sflag:$0x2] =	stream.linear.gather [hbm4b:s14+s2], $0x100, $0x38;
	[tilespmem:$0x8100] =	vst v63  }
0x1a: {  	p0 =	sne.s32 s13, $0x9E0;
	_ =	swait.ge [sflag:s7], $0x100  }
0x1b: {  	[sflag:s7] =	ssyncset.done $0x0  }
0x1c: {  	[sflag:s7] =	ssyncadd.s32 $0xFFFFFF00  }
0x1d: {  	[tilespmem:s8], [sflag:$0x1] =	stream.indirect.gather [hbm4b:s3+s8], $0x80, s2, s8, $0xb8;
	[tilespmem:$0x8100] =	vst v63  }
0x1e: {  	_ =	swait.ge [sflag:s9], $0x8000  }
.Ltmp0:
0x1f: {  	[sflag:s9] =	ssyncset.done $0x0;
	(pc) =	sbr.rel @p0 .LBB2_2-.Ltmp0, $4  }
0x20: {  	[sflag:s9] =	ssyncadd.s32 $0xFFFF8000  }
0x21: {  	[hbm4b:s11+s2] =	stream.linear.scatter [tilespmem:s8], [sflag:$0x2], $0x8000, $0x38;
	[tilespmem:$0x8100] =	vst v63  }
0x22: {  	_ =	swait.ge [sflag:s7], $0x8000  }
0x23: {  	s13 =	smov.u32 s15;
	s11 =	sadd.s32 $0x1000, s11;
	[sflag:s7] =	ssyncset.done $0x0  }
0x24: {  	s12 =	sadd.s32 s12, s6;
	[sflag:s7] =	ssyncadd.s32 $0xFFFF8000  }
0x25: {  	[tilespmem:s2], [sflag:$0x2] =	stream.linear.gather [hbm4b:s12+s2], $0x100, $0x38;
	[tilespmem:$0x8100] =	vst v63  }
0x26: {  	_ =	swait.ge [sflag:s7], $0x100  }
0x27: {  	[sflag:s7] =	ssyncset.done $0x0  }
0x28: {  	[sflag:s7] =	ssyncadd.s32 $0xFFFFFF00  }
0x29: {  	[tilespmem:s8], [sflag:$0x1] =	stream.indirect.gather [hbm4b:s3+s8], $0x80, s2, s8, $0xb8;
	[tilespmem:$0x8100] =	vst v63  }
0x2a: {  	s10 =	sadd.s32 $0x1, s10;
	_ =	swait.ge [sflag:s9], $0x8000  }
0x2b: {  	p0 =	sne.s32 s10, s4;
	[sflag:s9] =	ssyncset.done $0x0  }
.Ltmp1:
0x2c: {  	[sflag:s9] =	ssyncadd.s32 $0xFFFF8000;
	(pc) =	sbr.rel @p0 .LBB2_1-.Ltmp1, $4  }
0x2d: {  	[hbm4b:s11+s2] =	stream.linear.scatter [tilespmem:s8], [sflag:$0x2], $0x8000, $0x38;
	[tilespmem:$0x8100] =	vst v63  }
0x2e: {  	_ =	swait.ge [sflag:s7], $0x8000  }
0x2f: {  	[sflag:s7] =	ssyncset.done $0x0  }
0x30: {  	[sflag:s7] =	ssyncadd.s32 $0xFFFF8000  }
0x31: {  	_ =	sfence.sel $0x180000  }
0x32: {  	[bflag:$0x0] =	sbarrier.arrive $0xFFFF  }
0x33: {  	p0 =	sne.s32 s1, $0x0;
	_ =	strace $0x90000062  }
0x34: {  	s0 =	sadd.s32 @!p0 $0x100000, s0;
	[bflag:$0x2] =	sbarrier.arrive $0xFFFF  }
0x35: {  	[sflag:s0] =	ssyncadd.tile.s32 @!p0 $0x1;
	_ =	shalt  }
.Lfunc_end2:
_tile_overlayer_lowered:
.L_overlay_start_2:
0x36: {  	(tag) =	ssettag $0x2  }
0x37: {  	s0 =	rddreg [dreg:$0x0];
	s2 =	stileid.u32  }
0x38: {  	s1 =	rddreg [dreg:$0x1];
	p0 =	sne.s32 s2, $0x0  }
0x39: {  	s3 =	rddreg [dreg:$0x2];
	[bflag:$0x3] =	sbarrier.arrive $0xFFFF;
	s2 =	simm.s32 @!p0 $0x1C02  }
0x3a: {  	[timem:s3], [sflag:s2] =	dma.local @!p0 [hbm:s0], s1  }
0x3b: {  	s0 =	simm.s32 @!p0 $0x2  }
0x3c: {  	_ =	swait.ge @!p0 [sflag:s0], s1  }
0x3d: {  	s1 =	ssub.s32 @!p0 $0x0, s1;
	[sflag:s0] =	ssyncset.done @!p0 $0x0  }
0x3e: {  	[sflag:s0] =	ssyncadd.s32 @!p0 s1  }
0x3f: {  	[bflag:$0x3] =	sbarrier.arrive $0xFFFF  }
0x40: {  	_ =	shalt  }

// kernel: branch_1_fun.7.cloned.1.call-start
scs
__scs_entry_jumppad:
0x0: {  	(pc) =	sbr.rel $0x88, $3  }
0x1: {  	(tag) =	ssettag $0x0;
	lr =	simm.s32 $0x1  }
0x2: {  	[smem:$0x3F9B] =	sst lr;
	_ =	strace $0xD0000000  }
0x3: {  	_ = 	snop  }
0x4: {  	_ = 	snop  }
0x5: {  	_ = 	snop  }
0x6: {  	_ = 	snop  }
0x7: {  	_ = 	snop  }
__scs_overlays_trampoline_lowered:
0x8: {  	[smem:$0x3FAA] =	sst s0  }
0x9: {  	[smem:$0x3FAB] =	sst s1  }
0xa: {  	[smem:$0x3FAC] =	sst s2  }
0xb: {  	[smem:$0x3FAD] =	sst s3  }
0xc: {  	[smem:$0x3FAE] =	sst s4  }
0xd: {  	[smem:$0x3FAF] =	sst s5  }
0xe: {  	[smem:$0x3FB0] =	sst s6  }
0xf: {  	[smem:$0x3FB1] =	sst s7  }
0x10: {  	[smem:$0x3FB2] =	sst s8  }
0x11: {  	[smem:$0x3FB3] =	sst s9;
	s0 =	simm.s32 @!p0 $0x0  }
0x12: {  	s1 =	sld [smem:$0x3F99];
	s0 =	simm.s32 @p0 $0x1  }
0x13: {  	[smem:$0x3FB4] =	sst s0;
	s0 =	simm.s32 @!p1 $0x0  }
0x14: {  	s2 =	sld [smem:$0x3F98];
	s0 =	simm.s32 @p1 $0x1  }
0x15: {  	[smem:$0x3FB5] =	sst s0;
	s0 =	simm.s32 @!p2 $0x0  }
0x16: {  	s3 =	sld [smem:$0x3FDB];
	s0 =	simm.s32 @p2 $0x1  }
0x17: {  	s4 =	simm.s32 $0x1BF5;
	[smem:$0x3FB7] =	sst s0  }
0x18: {  	s0 =	sld [smem:$0x3F9A];
	_ =	swait.ge [sflag:s4], $0x0  }
0x19: {  	s7 =	sld [smem:$0x3F9B]  }
0x1a: {  	s8 =	sadd.s32 $0xFFFFE003, lr  }
0x1b: {  	s9 =	sadd.s32 $0xFFFFFEF7, lr;
	s5 =	simm.s32 $0xFFFFFFFF;
	p2 =	slt.u32 s8, $0xFFFFF086  }
0x1c: {  	p1 =	slt.u32 s9, $0xF7A;
	s5 =	simm.s32 @!p2 $0x0  }
0x1d: {  	s5 =	simm.s32 @p1 $0x1;
	p0 =	seq.s32 s7, s2  }
0x1e: {  	s7 =	smul.u32 @!p0 $0xF7A, s2;
	p2 =	seq.s32 @!p0 s5, $0x0  }
0x1f: {  	s9 =	smul.u32 $0xF7A, s1;
	s8 =	simm.s32 @!p0 $0x1BF5;
	p2 =	por !p2, p0  }
0x20: {  	[sflag:s8] =	ssyncset.s32 @!p0 $0xFFFFF086;
	s6 =	sadd.s32 @!p0 s3, s7;
	s7 =	simm.s32 @!p0 $0x108  }
0x21: {  	s3 =	sadd.s32 s3, s9;
	s6 =	sadd.s32 @!p0 $0x88, s6;
	s7 =	simm.s32 @p2 $0x1082  }
0x22: {  	[simem:s7], [sflag:s8] =	dma.local @!p0 [hbm:s6], $0xF7A  }
0x23: {  	s9 =	sor.u32 $0xD0000000, s2;
	s6 =	simm.s32 $0x108;
	_ =	swait.ge @!p0 [sflag:s8], $0x0  }
0x24: {  	s3 =	sadd.s32 $0x88, s3;
	s6 =	simm.s32 @!p1 $0x1082;
	[sflag:s4] =	ssyncset.s32 $0xFFFFF086  }
0x25: {  	[simem:s6], [sflag:s4] =	dma.local [hbm:s3], $0xF7A  }
0x26: {  	[smem:$0x3F9B] =	sst s1;
	(tag) =	ssettag s2;
	_ =	strace s9  }
0x27: {  	s1 =	sld [smem:$0x3FAB]  }
0x28: {  	s2 =	sld [smem:$0x3FAC]  }
0x29: {  	s4 =	sld [smem:$0x3FAE]  }
0x2a: {  	p0 =	seq.s32 s5, $0x0;
	s5 =	sld [smem:$0x3FAF]  }
0x2b: {  	s6 =	sld [smem:$0x3FB0]  }
0x2c: {  	s7 =	sld [smem:$0x3FB1]  }
0x2d: {  	s3 =	simm.s32 $0x108;
	s8 =	sld [smem:$0x3FB2]  }
0x2e: {  	s3 =	simm.s32 @!p0 $0x1082;
	s9 =	sld [smem:$0x3FB3]  }
0x2f: {  	lr =	sadd.s32 s0, s3;
	s0 =	sld [smem:$0x3FAA]  }
0x30: {  	s3 =	sld [smem:$0x3FAD]  }
0x31: {  	[smem:$0x3FB6] =	sst s10  }
0x32: {  	s10 =	sld [smem:$0x3FB4];
	_ =	sdelay $0x3  }
0x33: {  	p0 =	seq.s32 s10, $0x1;
	s10 =	sld [smem:$0x3FB6];
	_ =	sdelay $0x3  }
0x34: {  	[smem:$0x3FB6] =	sst s10  }
0x35: {  	s10 =	sld [smem:$0x3FB5];
	_ =	sdelay $0x3  }
0x36: {  	p1 =	seq.s32 s10, $0x1;
	s10 =	sld [smem:$0x3FB6];
	_ =	sdelay $0x3  }
0x37: {  	[smem:$0x3FB6] =	sst s10  }
0x38: {  	s10 =	sld [smem:$0x3FB7]  }
0x39: {  	_ = 	snop;
	(pc) =	sbr.ind lr, $3  }
0x3a: {  	_ = 	snop  }
0x3b: {  	_ = 	snop  }
0x3c: {  	p2 =	seq.s32 s10, $0x1;
	s10 =	sld [smem:$0x3FB6]  }
0x3d: {  	_ =	shalt  }
0x3e: {  	_ =	shalt  }
0x3f: {  	_ =	shalt  }
0x40: {  	_ =	shalt  }
0x41: {  	_ =	shalt  }
0x42: {  	_ =	shalt  }
0x43: {  	_ =	shalt  }
0x44: {  	_ =	shalt  }
0x45: {  	_ =	shalt  }
0x46: {  	_ =	shalt  }
0x47: {  	_ =	shalt  }
0x48: {  	_ =	shalt  }
0x49: {  	_ =	shalt  }
0x4a: {  	_ =	shalt  }
0x4b: {  	_ =	shalt  }
0x4c: {  	_ =	shalt  }
0x4d: {  	_ =	shalt  }
0x4e: {  	_ =	shalt  }
0x4f: {  	_ =	shalt  }
0x50: {  	_ =	shalt  }
0x51: {  	_ =	shalt  }
0x52: {  	_ =	shalt  }
0x53: {  	_ =	shalt  }
0x54: {  	_ =	shalt  }
0x55: {  	_ =	shalt  }
0x56: {  	_ =	shalt  }
0x57: {  	_ =	shalt  }
0x58: {  	_ =	shalt  }
0x59: {  	_ =	shalt  }
0x5a: {  	_ =	shalt  }
0x5b: {  	_ =	shalt  }
0x5c: {  	_ =	shalt  }
0x5d: {  	_ =	shalt  }
0x5e: {  	_ =	shalt  }
0x5f: {  	_ =	shalt  }
0x60: {  	_ =	shalt  }
0x61: {  	_ =	shalt  }
0x62: {  	_ =	shalt  }
0x63: {  	_ =	shalt  }
0x64: {  	_ =	shalt  }
0x65: {  	_ =	shalt  }
0x66: {  	_ =	shalt  }
0x67: {  	_ =	shalt  }
0x68: {  	_ =	shalt  }
0x69: {  	_ =	shalt  }
0x6a: {  	_ =	shalt  }
0x6b: {  	_ =	shalt  }
0x6c: {  	_ =	shalt  }
0x6d: {  	_ =	shalt  }
0x6e: {  	_ =	shalt  }
0x6f: {  	_ =	shalt  }
0x70: {  	_ =	shalt  }
0x71: {  	_ =	shalt  }
0x72: {  	_ =	shalt  }
0x73: {  	_ =	shalt  }
0x74: {  	_ =	shalt  }
0x75: {  	_ =	shalt  }
0x76: {  	_ =	shalt  }
0x77: {  	_ =	shalt  }
0x78: {  	_ =	shalt  }
0x79: {  	_ =	shalt  }
0x7a: {  	_ =	shalt  }
0x7b: {  	_ =	shalt  }
0x7c: {  	_ =	shalt  }
0x7d: {  	_ =	shalt  }
0x7e: {  	_ =	shalt  }
0x7f: {  	_ =	shalt  }
0x80: {  	_ =	shalt  }
0x81: {  	_ =	shalt  }
0x82: {  	_ =	shalt  }
0x83: {  	_ =	shalt  }
0x84: {  	_ =	shalt  }
0x85: {  	_ =	shalt  }
0x86: {  	_ =	shalt  }
0x87: {  	_ =	shalt  }
.Lfunc_end0:
.L_simem_size_0:
called_computation.9_lowered:
.L_overlay_start_0:
0x88: {  	s2 =	sld [smem:$0x3FD9]  }
0x89: {  	s3 =	sld [smem:$0x3FFE];
	_ =	sdelay $0x1  }
0x8a: {  	s1 =	srdreg.scid  }
0x8b: {  	s0 =	sand.u32 $0x1, s1  }
0x8c: {  	s16 =	sshll.u32 s0, $0xA;
	s2 =	sadd.s32 s3, s2  }
0x8d: {  	s2 =	sadd.s32 s2, s16  }
0x8e: {  	[smem:$0x3FC2] =	sst s2  }
0x8f: {  	_ = 	snop  }
0x90: {  	(tm) =	ssettm $0x1  }
0x91: {  	s17 =	sld [smem:$0x3FFB];
	_ =	sdelay $0x3  }
0x92: {  	_ =	strace s17  }
0x93: {  	s2 =	sld [smem:$0x3FFC];
	_ =	sdelay $0x3  }
0x94: {  	_ =	strace s2  }
0x95: {  	s2 =	sld [smem:$0x3FFD];
	_ =	sdelay $0x3  }
0x96: {  	_ =	strace s2  }
0x97: {  	_ =	strace $0x8FFFFFFF  }
0x98: {  	s18 =	sld [smem:$0x3FDB];
	_ =	sdelay $0x1  }
0x99: {  	s19 =	simm.s32 $_scs_section_size  }
0x9a: {  	s4 =	simm.s32 $_size__tile_overlayer_lowered;
	s5 =	simm.s32 $_tile_overlayer_lowered  }
0x9b: {  	s22 =	simm.s32 $0x1BFF;
	s21 =	sshll.u32 s5, $0x1;
	s2 =	sadd.s32 s19, s18  }
0x9c: {  	s6 =	simm.s32 $0x0;
	s20 =	sshll.u32 s4, $0x1;
	s4 =	sadd.s32 s21, s2  }
0x9d: {  	[timem:s6], [sflag:s22] =	dma.local [hbm:s4], s20  }
0x9e: {  	_ =	swait.ge [sflag:s22], s20  }
0x9f: {  	s3 =	ssub.s32 $0x0, s20;
	[sflag:s22] =	ssyncset.done $0x0  }
0xa0: {  	[sflag:s22] =	ssyncadd.s32 s3;
	_ =	sdelay $0x1  }
0xa1: {  	s23 =	simm.s32 $0x1B8B  }
0xa2: {  	_ =	swait.ge [sflag:s23], $0x1  }
0xa3: {  	[sflag:s23] =	ssyncset.done $0x0  }
0xa4: {  	s25 =	simm.s32 $0x1B8E;
	s24 =	sld [smem:$0x3FFE];
	[sflag:s23] =	ssyncadd.s32 $0xFFFFFFFF  }
0xa5: {  	s26 =	simm.s32 $execute0_lowered;
	[smem:$0x3FD2] =	sst s25  }
0xa6: {  	s4 =	sshll.u32 s26, $0x1;
	_ =	strace $0x8000005E;
	[dreg:$0x1] =	wrdreg $0xFFFFFFFF  }
0xa7: {  	s28 =	simm.s32 $_size_execute0_lowered;
	s2 =	sadd.s32 s2, s4;
	[dreg:$0x0] =	wrdreg $0x0  }
0xa8: {  	s4 =	sshll.u32 s28, $0x1;
	[dreg:$0x2] =	wrdreg s2  }
0xa9: {  	[dreg:$0x3] =	wrdreg s4  }
0xaa: {  	[dreg:$0x4] =	wrdreg $0xC0  }
0xab: {  	_ =	task [dreg:s6], $0x5FFFF  }
0xac: {  	[dreg:$0x1] =	wrdreg $0xFFFFFFFF  }
0xad: {  	[dreg:$0x0] =	wrdreg $0x60  }
0xae: {  	[dreg:$0x2] =	wrdreg s24  }
0xaf: {  	[dreg:$0x3] =	wrdreg $0x9  }
0xb0: {  	_ =	task.clear_ibuf [dreg:s6], $0x4FFFF;
	_ =	strace $0x9000005E  }
0xb1: {  	s29 =	simm.s32 $0x9;
	_ =	strace $0x80000060  }
0xb2: {  	_ =	swait.ge [sflag:s29], $0x1  }
0xb3: {  	[sflag:s29] =	ssyncadd.s32 $0xFFFFFFFF  }
0xb4: {  	_ =	strace $0x90000060  }
0xb5: {  	_ =	sfence  }
0xb6: {  	s30 =	sld [smem:$0x0];
	_ =	sdelay $0x2  }
0xb7: {  	s31 =	sshll.u32 s1, $0xD;
	s1 =	sshrl.u32 s1, $0x2  }
0xb8: {  	s3 =	sand.u32 $0x4000, s31;
	s1 =	sadd.s32 s1, s30  }
0xb9: {  	s0 =	sor.u32 s3, s0;
	s1 =	sshll.u32 s1, $0x11  }
0xba: {  	s0 =	sor.u32 s1, s0  }
0xbb: {  	s0 =	sadd.s32 $0x8F2B, s0  }
0xbc: {  	[sflag:s0] =	ssyncadd.remote.s32 $0x1  }
0xbd: {  	_ =	sfence.sel $0xFFFF  }
0xbe: {  	[dreg:$0x0] =	wrdreg $0xFFFFFFFF;
	(pc) =	sbr.abs _section_cstart, $3  }
0xbf: {  	[dreg:$0x1] =	wrdreg $0xFFFFFFFF  }
0xc0: {  	_ =	task.clear_ibuf [dreg:s6], $0x2FFFF;
	_ =	strace $0x9FFFFFFF  }
0xc1: {  	(tm) =	ssettm $0x7FFFFFFF  }
tec
execute0_lowered:
.L_overlay_start_1:
0x0: {  	(tag) =	ssettag $0x1  }
0x1: {  	s4 =	rddreg [dreg:$0x0]  }
0x2: {  	s0 =	rddreg [dreg:$0x1];
	s2 =	simm.s32 $0x0;
	s1 =	stileid.u32  }
0x3: {  	s3 =	srdreg.scid;
	s10 =	simm.s32 $0x0;
	s6 =	smul.u32 $0xA000, s1  }
0x4: {  	[smem:$0x7FF] =	sst s2;
	s5 =	sand.u32 $0x1, s3;
	s8 =	smul.u32 $0xA0000, s1  }
0x5: {  	s3 =	sadd.s32 $0x59A00, s4;
	s7 =	smul.u32 $0x5000, s5;
	s9 =	ssub.s32 $0x2, s5  }
0x6: {  	_ =	strace $0x8000005F;
	s5 =	smul.u32 $0x50000, s5;
	s31 =	sshrl.u32 s9, $0x1  }
0x7: {  	s8 =	sadd.s32 s8, s4;
	s6 =	sadd.s32 s7, s6;
	s7 =	ssub.s32 s9, s31  }
0x8: {  	s5 =	sadd.s32 s5, s8;
	s8 =	simm.s32 $0x100;
	s6 =	sshrl.u32 s6, $0x3  }
0x9: {  	s9 =	simm.s32 $0x1;
	s5 =	sadd.s32 $0x80C00, s5;
	s6 =	sadd.s32 s6, s4  }
0xa: {  	s4 =	smax.u32 s7, $0x1;
	s7 =	simm.s32 $0x2;
	s6 =	sadd.s32 $0x1E400, s6  }
.LBB2_1:
0xb: {  	s11 =	sadd.s32 $0x0, s6  }
0xc: {  	[tilespmem:s2], [sflag:$0x2] =	stream.linear.gather [hbm4b:s11+s2], $0x100, $0x38;
	[tilespmem:$0x8100] =	vst v63  }
0xd: {  	_ =	swait.ge [sflag:s7], $0x100  }
0xe: {  	[sflag:s7] =	ssyncset.done $0x0  }
0xf: {  	[sflag:s7] =	ssyncadd.s32 $0xFFFFFF00  }
0x10: {  	[tilespmem:s8], [sflag:$0x1] =	stream.indirect.gather [hbm4b:s3+s8], $0x80, s2, s8, $0xb8;
	[tilespmem:$0x8100] =	vst v63  }
0x11: {  	_ =	swait.ge [sflag:s9], $0x8000  }
0x12: {  	[sflag:s9] =	ssyncset.done $0x0  }
0x13: {  	[sflag:s9] =	ssyncadd.s32 $0xFFFF8000  }
0x14: {  	[hbm4b:s5+s2] =	stream.linear.scatter [tilespmem:s8], [sflag:$0x2], $0x8000, $0x38;
	[tilespmem:$0x8100] =	vst v63  }
0x15: {  	s12 =	simm.s32 $0x20;
	_ =	swait.ge [sflag:s7], $0x8000  }
0x16: {  	s13 =	simm.s32 $0x40;
	s11 =	sadd.s32 $0x1000, s5;
	[sflag:s7] =	ssyncset.done $0x0  }
.LBB2_2:
0x17: {  	s14 =	sadd.s32 s12, s6  }
0x18: {  	[sflag:s7] =	ssyncadd.s32 $0xFFFF8000;
	s12 =	smov.u32 s13;
	s15 =	sadd.s32 $0x20, s13  }
0x19: {  	[tilespmem:s2], [sflag:$0x2] =	stream.linear.gather [hbm4b:s14+s2], $0x100, $0x38;
	[tilespmem:$0x8100] =	vst v63  }
0x1a: {  	p0 =	sne.s32 s13, $0x9E0;
	_ =	swait.ge [sflag:s7], $0x100  }
0x1b: {  	[sflag:s7] =	ssyncset.done $0x0  }
0x1c: {  	[sflag:s7] =	ssyncadd.s32 $0xFFFFFF00  }
0x1d: {  	[tilespmem:s8], [sflag:$0x1] =	stream.indirect.gather [hbm4b:s3+s8], $0x80, s2, s8, $0xb8;
	[tilespmem:$0x8100] =	vst v63  }
0x1e: {  	_ =	swait.ge [sflag:s9], $0x8000  }
.Ltmp0:
0x1f: {  	[sflag:s9] =	ssyncset.done $0x0;
	(pc) =	sbr.rel @p0 .LBB2_2-.Ltmp0, $4  }
0x20: {  	[sflag:s9] =	ssyncadd.s32 $0xFFFF8000  }
0x21: {  	[hbm4b:s11+s2] =	stream.linear.scatter [tilespmem:s8], [sflag:$0x2], $0x8000, $0x38;
	[tilespmem:$0x8100] =	vst v63  }
0x22: {  	_ =	swait.ge [sflag:s7], $0x8000  }
0x23: {  	s13 =	smov.u32 s15;
	s11 =	sadd.s32 $0x1000, s11;
	[sflag:s7] =	ssyncset.done $0x0  }
0x24: {  	s12 =	sadd.s32 s12, s6;
	[sflag:s7] =	ssyncadd.s32 $0xFFFF8000  }
0x25: {  	[tilespmem:s2], [sflag:$0x2] =	stream.linear.gather [hbm4b:s12+s2], $0x100, $0x38;
	[tilespmem:$0x8100] =	vst v63  }
0x26: {  	_ =	swait.ge [sflag:s7], $0x100  }
0x27: {  	[sflag:s7] =	ssyncset.done $0x0  }
0x28: {  	[sflag:s7] =	ssyncadd.s32 $0xFFFFFF00  }
0x29: {  	[tilespmem:s8], [sflag:$0x1] =	stream.indirect.gather [hbm4b:s3+s8], $0x80, s2, s8, $0xb8;
	[tilespmem:$0x8100] =	vst v63  }
0x2a: {  	s10 =	sadd.s32 $0x1, s10;
	_ =	swait.ge [sflag:s9], $0x8000  }
0x2b: {  	p0 =	sne.s32 s10, s4;
	[sflag:s9] =	ssyncset.done $0x0  }
.Ltmp1:
0x2c: {  	[sflag:s9] =	ssyncadd.s32 $0xFFFF8000;
	(pc) =	sbr.rel @p0 .LBB2_1-.Ltmp1, $4  }
0x2d: {  	[hbm4b:s11+s2] =	stream.linear.scatter [tilespmem:s8], [sflag:$0x2], $0x8000, $0x38;
	[tilespmem:$0x8100] =	vst v63  }
0x2e: {  	_ =	swait.ge [sflag:s7], $0x8000  }
0x2f: {  	[sflag:s7] =	ssyncset.done $0x0  }
0x30: {  	[sflag:s7] =	ssyncadd.s32 $0xFFFF8000  }
0x31: {  	_ =	sfence.sel $0x180000  }
0x32: {  	[bflag:$0x0] =	sbarrier.arrive $0xFFFF  }
0x33: {  	p0 =	sne.s32 s1, $0x0;
	_ =	strace $0x9000005F  }
0x34: {  	s0 =	sadd.s32 @!p0 $0x100000, s0;
	[bflag:$0x2] =	sbarrier.arrive $0xFFFF  }
0x35: {  	[sflag:s0] =	ssyncadd.tile.s32 @!p0 $0x1;
	_ =	shalt  }
.Lfunc_end2:
_tile_overlayer_lowered:
.L_overlay_start_2:
0x36: {  	(tag) =	ssettag $0x2  }
0x37: {  	s0 =	rddreg [dreg:$0x0];
	s2 =	stileid.u32  }
0x38: {  	s1 =	rddreg [dreg:$0x1];
	p0 =	sne.s32 s2, $0x0  }
0x39: {  	s3 =	rddreg [dreg:$0x2];
	[bflag:$0x3] =	sbarrier.arrive $0xFFFF;
	s2 =	simm.s32 @!p0 $0x1C02  }
0x3a: {  	[timem:s3], [sflag:s2] =	dma.local @!p0 [hbm:s0], s1  }
0x3b: {  	s0 =	simm.s32 @!p0 $0x2  }
0x3c: {  	_ =	swait.ge @!p0 [sflag:s0], s1  }
0x3d: {  	s1 =	ssub.s32 @!p0 $0x0, s1;
	[sflag:s0] =	ssyncset.done @!p0 $0x0  }
0x3e: {  	[sflag:s0] =	ssyncadd.s32 @!p0 s1  }
0x3f: {  	[bflag:$0x3] =	sbarrier.arrive $0xFFFF  }
0x40: {  	_ =	shalt  }

// kernel: gather_offload_async_start.1
scs
__scs_entry_jumppad:
0x0: {  	(pc) =	sbr.rel $0x88, $3  }
0x1: {  	(tag) =	ssettag $0x0;
	lr =	simm.s32 $0x1  }
0x2: {  	[smem:$0x3F9B] =	sst lr;
	_ =	strace $0xD0000000  }
0x3: {  	_ = 	snop  }
0x4: {  	_ = 	snop  }
0x5: {  	_ = 	snop  }
0x6: {  	_ = 	snop  }
0x7: {  	_ = 	snop  }
__scs_overlays_trampoline_lowered:
0x8: {  	[smem:$0x3FAA] =	sst s0  }
0x9: {  	[smem:$0x3FAB] =	sst s1  }
0xa: {  	[smem:$0x3FAC] =	sst s2  }
0xb: {  	[smem:$0x3FAD] =	sst s3  }
0xc: {  	[smem:$0x3FAE] =	sst s4  }
0xd: {  	[smem:$0x3FAF] =	sst s5  }
0xe: {  	[smem:$0x3FB0] =	sst s6  }
0xf: {  	[smem:$0x3FB1] =	sst s7  }
0x10: {  	[smem:$0x3FB2] =	sst s8  }
0x11: {  	[smem:$0x3FB3] =	sst s9;
	s0 =	simm.s32 @!p0 $0x0  }
0x12: {  	s1 =	sld [smem:$0x3F99];
	s0 =	simm.s32 @p0 $0x1  }
0x13: {  	[smem:$0x3FB4] =	sst s0;
	s0 =	simm.s32 @!p1 $0x0  }
0x14: {  	s2 =	sld [smem:$0x3F98];
	s0 =	simm.s32 @p1 $0x1  }
0x15: {  	[smem:$0x3FB5] =	sst s0;
	s0 =	simm.s32 @!p2 $0x0  }
0x16: {  	s3 =	sld [smem:$0x3FDB];
	s0 =	simm.s32 @p2 $0x1  }
0x17: {  	s4 =	simm.s32 $0x1BF5;
	[smem:$0x3FB7] =	sst s0  }
0x18: {  	s0 =	sld [smem:$0x3F9A];
	_ =	swait.ge [sflag:s4], $0x0  }
0x19: {  	s7 =	sld [smem:$0x3F9B]  }
0x1a: {  	s8 =	sadd.s32 $0xFFFFE003, lr  }
0x1b: {  	s9 =	sadd.s32 $0xFFFFFEF7, lr;
	s5 =	simm.s32 $0xFFFFFFFF;
	p2 =	slt.u32 s8, $0xFFFFF086  }
0x1c: {  	p1 =	slt.u32 s9, $0xF7A;
	s5 =	simm.s32 @!p2 $0x0  }
0x1d: {  	s5 =	simm.s32 @p1 $0x1;
	p0 =	seq.s32 s7, s2  }
0x1e: {  	s7 =	smul.u32 @!p0 $0xF7A, s2;
	p2 =	seq.s32 @!p0 s5, $0x0  }
0x1f: {  	s9 =	smul.u32 $0xF7A, s1;
	s8 =	simm.s32 @!p0 $0x1BF5;
	p2 =	por !p2, p0  }
0x20: {  	[sflag:s8] =	ssyncset.s32 @!p0 $0xFFFFF086;
	s6 =	sadd.s32 @!p0 s3, s7;
	s7 =	simm.s32 @!p0 $0x108  }
0x21: {  	s3 =	sadd.s32 s3, s9;
	s6 =	sadd.s32 @!p0 $0x88, s6;
	s7 =	simm.s32 @p2 $0x1082  }
0x22: {  	[simem:s7], [sflag:s8] =	dma.local @!p0 [hbm:s6], $0xF7A  }
0x23: {  	s9 =	sor.u32 $0xD0000000, s2;
	s6 =	simm.s32 $0x108;
	_ =	swait.ge @!p0 [sflag:s8], $0x0  }
0x24: {  	s3 =	sadd.s32 $0x88, s3;
	s6 =	simm.s32 @!p1 $0x1082;
	[sflag:s4] =	ssyncset.s32 $0xFFFFF086  }
0x25: {  	[simem:s6], [sflag:s4] =	dma.local [hbm:s3], $0xF7A  }
0x26: {  	[smem:$0x3F9B] =	sst s1;
	(tag) =	ssettag s2;
	_ =	strace s9  }
0x27: {  	s1 =	sld [smem:$0x3FAB]  }
0x28: {  	s2 =	sld [smem:$0x3FAC]  }
0x29: {  	s4 =	sld [smem:$0x3FAE]  }
0x2a: {  	p0 =	seq.s32 s5, $0x0;
	s5 =	sld [smem:$0x3FAF]  }
0x2b: {  	s6 =	sld [smem:$0x3FB0]  }
0x2c: {  	s7 =	sld [smem:$0x3FB1]  }
0x2d: {  	s3 =	simm.s32 $0x108;
	s8 =	sld [smem:$0x3FB2]  }
0x2e: {  	s3 =	simm.s32 @!p0 $0x1082;
	s9 =	sld [smem:$0x3FB3]  }
0x2f: {  	lr =	sadd.s32 s0, s3;
	s0 =	sld [smem:$0x3FAA]  }
0x30: {  	s3 =	sld [smem:$0x3FAD]  }
0x31: {  	[smem:$0x3FB6] =	sst s10  }
0x32: {  	s10 =	sld [smem:$0x3FB4];
	_ =	sdelay $0x3  }
0x33: {  	p0 =	seq.s32 s10, $0x1;
	s10 =	sld [smem:$0x3FB6];
	_ =	sdelay $0x3  }
0x34: {  	[smem:$0x3FB6] =	sst s10  }
0x35: {  	s10 =	sld [smem:$0x3FB5];
	_ =	sdelay $0x3  }
0x36: {  	p1 =	seq.s32 s10, $0x1;
	s10 =	sld [smem:$0x3FB6];
	_ =	sdelay $0x3  }
0x37: {  	[smem:$0x3FB6] =	sst s10  }
0x38: {  	s10 =	sld [smem:$0x3FB7]  }
0x39: {  	_ = 	snop;
	(pc) =	sbr.ind lr, $3  }
0x3a: {  	_ = 	snop  }
0x3b: {  	_ = 	snop  }
0x3c: {  	p2 =	seq.s32 s10, $0x1;
	s10 =	sld [smem:$0x3FB6]  }
0x3d: {  	_ =	shalt  }
0x3e: {  	_ =	shalt  }
0x3f: {  	_ =	shalt  }
0x40: {  	_ =	shalt  }
0x41: {  	_ =	shalt  }
0x42: {  	_ =	shalt  }
0x43: {  	_ =	shalt  }
0x44: {  	_ =	shalt  }
0x45: {  	_ =	shalt  }
0x46: {  	_ =	shalt  }
0x47: {  	_ =	shalt  }
0x48: {  	_ =	shalt  }
0x49: {  	_ =	shalt  }
0x4a: {  	_ =	shalt  }
0x4b: {  	_ =	shalt  }
0x4c: {  	_ =	shalt  }
0x4d: {  	_ =	shalt  }
0x4e: {  	_ =	shalt  }
0x4f: {  	_ =	shalt  }
0x50: {  	_ =	shalt  }
0x51: {  	_ =	shalt  }
0x52: {  	_ =	shalt  }
0x53: {  	_ =	shalt  }
0x54: {  	_ =	shalt  }
0x55: {  	_ =	shalt  }
0x56: {  	_ =	shalt  }
0x57: {  	_ =	shalt  }
0x58: {  	_ =	shalt  }
0x59: {  	_ =	shalt  }
0x5a: {  	_ =	shalt  }
0x5b: {  	_ =	shalt  }
0x5c: {  	_ =	shalt  }
0x5d: {  	_ =	shalt  }
0x5e: {  	_ =	shalt  }
0x5f: {  	_ =	shalt  }
0x60: {  	_ =	shalt  }
0x61: {  	_ =	shalt  }
0x62: {  	_ =	shalt  }
0x63: {  	_ =	shalt  }
0x64: {  	_ =	shalt  }
0x65: {  	_ =	shalt  }
0x66: {  	_ =	shalt  }
0x67: {  	_ =	shalt  }
0x68: {  	_ =	shalt  }
0x69: {  	_ =	shalt  }
0x6a: {  	_ =	shalt  }
0x6b: {  	_ =	shalt  }
0x6c: {  	_ =	shalt  }
0x6d: {  	_ =	shalt  }
0x6e: {  	_ =	shalt  }
0x6f: {  	_ =	shalt  }
0x70: {  	_ =	shalt  }
0x71: {  	_ =	shalt  }
0x72: {  	_ =	shalt  }
0x73: {  	_ =	shalt  }
0x74: {  	_ =	shalt  }
0x75: {  	_ =	shalt  }
0x76: {  	_ =	shalt  }
0x77: {  	_ =	shalt  }
0x78: {  	_ =	shalt  }
0x79: {  	_ =	shalt  }
0x7a: {  	_ =	shalt  }
0x7b: {  	_ =	shalt  }
0x7c: {  	_ =	shalt  }
0x7d: {  	_ =	shalt  }
0x7e: {  	_ =	shalt  }
0x7f: {  	_ =	shalt  }
0x80: {  	_ =	shalt  }
0x81: {  	_ =	shalt  }
0x82: {  	_ =	shalt  }
0x83: {  	_ =	shalt  }
0x84: {  	_ =	shalt  }
0x85: {  	_ =	shalt  }
0x86: {  	_ =	shalt  }
0x87: {  	_ =	shalt  }
.Lfunc_end0:
.L_simem_size_0:
called_computation.4_lowered:
.L_overlay_start_0:
0x88: {  	s2 =	sld [smem:$0x3FD9]  }
0x89: {  	s3 =	sld [smem:$0x3FFE];
	_ =	sdelay $0x1  }
0x8a: {  	s1 =	srdreg.scid  }
0x8b: {  	s0 =	sand.u32 $0x1, s1  }
0x8c: {  	s17 =	sshll.u32 s0, $0xA;
	s2 =	sadd.s32 s3, s2  }
0x8d: {  	s2 =	sadd.s32 s2, s17  }
0x8e: {  	[smem:$0x3FC2] =	sst s2  }
0x8f: {  	_ = 	snop  }
0x90: {  	s2 =	sld [smem:$0x3FD0];
	(tm) =	ssettm $0x1  }
0x91: {  	s18 =	sld [smem:$0x3FFB];
	_ =	sdelay $0x3  }
0x92: {  	_ =	strace s18  }
0x93: {  	s3 =	sld [smem:$0x3FFC];
	_ =	sdelay $0x3  }
0x94: {  	_ =	strace s3  }
0x95: {  	s3 =	sld [smem:$0x3FFD];
	_ =	sdelay $0x3  }
0x96: {  	_ =	strace s3  }
0x97: {  	_ =	strace $0x8FFFFFFF  }
0x98: {  	s19 =	sld [smem:$0x3FDB];
	_ =	sdelay $0x1  }
0x99: {  	s4 =	simm.s32 $_scs_section_size  }
0x9a: {  	s5 =	simm.s32 $_size__tile_overlayer_lowered;
	s6 =	simm.s32 $_tile_overlayer_lowered  }
0x9b: {  	s22 =	simm.s32 $0x1BFF;
	s21 =	sshll.u32 s6, $0x1;
	s3 =	sadd.s32 s4, s19  }
0x9c: {  	s7 =	simm.s32 $0x0;
	s20 =	sshll.u32 s5, $0x1;
	s5 =	sadd.s32 s21, s3  }
0x9d: {  	[timem:s7], [sflag:s22] =	dma.local [hbm:s5], s20  }
0x9e: {  	_ =	swait.ge [sflag:s22], s20  }
0x9f: {  	s4 =	ssub.s32 $0x0, s20;
	[sflag:s22] =	ssyncset.done $0x0  }
0xa0: {  	[sflag:s22] =	ssyncadd.s32 s4;
	_ =	sdelay $0x1  }
0xa1: {  	s23 =	simm.s32 $0x1B8B  }
0xa2: {  	_ =	swait.ge [sflag:s23], $0x1  }
0xa3: {  	[sflag:s23] =	ssyncset.done $0x0  }
0xa4: {  	s25 =	simm.s32 $0x1B8E;
	s24 =	sld [smem:$0x3FFE];
	[sflag:s23] =	ssyncadd.s32 $0xFFFFFFFF  }
0xa5: {  	s26 =	simm.s32 $execute0_lowered;
	[smem:$0x3FD2] =	sst s25  }
0xa6: {  	s5 =	sshll.u32 s26, $0x1;
	_ =	strace $0x8000005B;
	[dreg:$0x1] =	wrdreg $0xFFFFFFFF  }
0xa7: {  	s28 =	simm.s32 $_size_execute0_lowered;
	s3 =	sadd.s32 s3, s5;
	[dreg:$0x0] =	wrdreg $0x0  }
0xa8: {  	s5 =	sshll.u32 s28, $0x1;
	[dreg:$0x2] =	wrdreg s3  }
0xa9: {  	[dreg:$0x3] =	wrdreg s5  }
0xaa: {  	[dreg:$0x4] =	wrdreg $0xC0  }
0xab: {  	_ =	task [dreg:s7], $0x5FFFF  }
0xac: {  	[dreg:$0x1] =	wrdreg $0xFFFFFFFF  }
0xad: {  	[dreg:$0x0] =	wrdreg $0x60  }
0xae: {  	[dreg:$0x2] =	wrdreg s24  }
0xaf: {  	[dreg:$0x3] =	wrdreg s2  }
0xb0: {  	[dreg:$0x4] =	wrdreg $0x9  }
0xb1: {  	_ =	task.clear_ibuf [dreg:s7], $0x5FFFF;
	_ =	strace $0x9000005B  }
0xb2: {  	s29 =	simm.s32 $0x9;
	_ =	strace $0x8000005D  }
0xb3: {  	_ =	swait.ge [sflag:s29], $0x1  }
0xb4: {  	[sflag:s29] =	ssyncadd.s32 $0xFFFFFFFF  }
0xb5: {  	_ =	strace $0x9000005D  }
0xb6: {  	_ =	sfence  }
0xb7: {  	s30 =	sld [smem:$0x0];
	_ =	sdelay $0x2  }
0xb8: {  	s31 =	sshll.u32 s1, $0xD;
	s1 =	sshrl.u32 s1, $0x2  }
0xb9: {  	s3 =	sand.u32 $0x4000, s31;
	s1 =	sadd.s32 s1, s30  }
0xba: {  	s0 =	sor.u32 s3, s0;
	s1 =	sshll.u32 s1, $0x11  }
0xbb: {  	s0 =	sor.u32 s1, s0  }
0xbc: {  	s0 =	sadd.s32 $0x8F2B, s0  }
0xbd: {  	[sflag:s0] =	ssyncadd.remote.s32 $0x1  }
0xbe: {  	_ =	sfence.sel $0xFFFF  }
0xbf: {  	[dreg:$0x0] =	wrdreg $0xFFFFFFFF;
	(pc) =	sbr.abs _section_cstart, $3  }
0xc0: {  	[dreg:$0x1] =	wrdreg $0xFFFFFFFF  }
0xc1: {  	_ =	task.clear_ibuf [dreg:s7], $0x2FFFF;
	_ =	strace $0x9FFFFFFF  }
0xc2: {  	(tm) =	ssettm $0x7FFFFFFF  }
0xc3: {  	_ =	shalt  }
tec
execute0_lowered:
.L_overlay_start_1:
0x0: {  	(tag) =	ssettag $0x1  }
0x1: {  	s8 =	rddreg [dreg:$0x0]  }
0x2: {  	s2 =	rddreg [dreg:$0x1]  }
0x3: {  	s0 =	rddreg [dreg:$0x2];
	s1 =	stileid.u32  }
0x4: {  	s3 =	srdreg.scid;
	_ =	strace $0x8000005C;
	s4 =	simm.s32 $0x1  }
0x5: {  	s7 =	simm.s32 $0x1;
	s9 =	simm.s32 $0x1;
	s10 =	simm.s32 $0x3  }
0x6: {  	s13 =	simm.s32 $0x0;
	s5 =	sand.u32 $0x1, s3;
	s6 =	sshll.u32 s1, $0x1  }
0x7: {  	s12 =	simm.s32 $0x0;
	s3 =	sadd.s32 $0x200, s8;
	s5 =	sor.u32 s6, s5  }
.Ltmp0:
0x8: {  	[sflag:s4] =	ssyncpa.u1 $0x0;
	p0 =	slt.u32 s5, $0x9;
	(pc) =	sbr.rel .LBB2_1-.Ltmp0, $4  }
0x9: {  	s6 =	simm.s32 $0x2;
	s7 =	simm.s32 @!p0 $0x0;
	p0 =	sne.s32 s5, $0x8  }
0xa: {  	[sflag:s6] =	ssyncpa.u1 $0x0;
	s5 =	smul.u32 $0x3E80, s5;
	s9 =	simm.s32 @!p0 $0x0  }
0xb: {  	s8 =	sadd.s32 $0x1E400, s8;
	[sflag:s10] =	ssyncpa.u1 $0x0;
	s7 =	sadd.s32 s9, s7  }
0xc: {  	vm0 =	vmmov $0xffff;
	s10 =	simm.s32 $0x0;
	s11 =	smov.u32 s5;
	s9 =	sadd.s32 $0x1, s7  }
.LBB2_4:
0xd: {  	v2 =	vnsel vm1, $0x0, v2  }
0xe: {  	vm1 =	vgt.s32 v0, $0x0;
	v2 =	vmin.u32 v2, $0x5090F  }
0xf: {  	v0 =	vnsel vm1, $0x0, v0  }
0x10: {  	v0 =	vmin.u32 v0, $0x5090F  }
0x11: {  	[tilespmem:s18], [sflag:$0x1] =	stream.indirect_vreg.gather [hbm4b:s3+s10], $0x1, v1, vm0, $0x4038;
	[tilespmem:$0xFA00] =	vst v63  }
0x12: {  	(ifvalue) =	ssetifvalue $0x7FFFFFFF  }
0x13: {  	[tilespmem:s15], [sflag:$0x1] =	stream.indirect_vreg.gather [hbm4b:s3+s10], $0x1, v2, vm0, $0x4038;
	[tilespmem:$0xFA00] =	vst v63  }
0x14: {  	s29 =	sadd.s32 $0x10, s15;
	(ifvalue) =	ssetifvalue $0x7FFFFFFF  }
0x15: {  	[tilespmem:s29], [sflag:$0x1] =	stream.indirect_vreg.gather [hbm4b:s3+s10], $0x1, v0, vm0, $0x4038;
	[tilespmem:$0xFA00] =	vst v63  }
0x16: {  	_ =	swait.ge [sflag:s4], $0x3E80  }
0x17: {  	s30 =	sshrl.u32 s13, $0x3;
	[sflag:s4] =	ssyncset.done $0x0  }
0x18: {  	s31 =	sand.u32 $0x7, s13;
	s15 =	sadd.s32 s8, s30;
	[sflag:s4] =	ssyncadd.s32 $0xFFFFC180  }
0x19: {  	[hbm4b:s15+s31] =	stream.linear.scatter [tilespmem:s14], [sflag:$0x3], $0x3E80, $0x38;
	[tilespmem:$0xFA00] =	vst v63  }
.LBB2_5:
0x1a: {  	s15 =	sadd.s32 $0x7D000, s11  }
0x1b: {  	p1 =	sgt.s32 s15, $0x9C3FF  }
0x1c: {  	s15 =	smov.u32 @p1 s5;
	p1 =	sne.s32 s12, s9  }
.Ltmp1:
0x1d: {  	p0 =	slt.u32 s12, $0x2;
	(pc) =	sbr.rel @!p1 .LBB2_6-.Ltmp1, $4  }
0x1e: {  	s14 =	simm.s32 @!p0 $0x3  }
0x1f: {  	_ =	swait.ge @!p0 [sflag:s14], $0x3E80  }
0x20: {  	s16 =	sadd.s32 $0x1, s12;
	s13 =	smov.u32 s11;
	[sflag:s14] =	ssyncset.done @!p0 $0x0  }
0x21: {  	s12 =	smov.u32 s16;
	s11 =	smov.u32 s15;
	[sflag:s14] =	ssyncadd.s32 @!p0 $0xFFFFC180  }
.LBB2_1:
0x22: {  	p0 =	sge.u32 s12, s7  }
0x23: {  	s14 =	sxor.u32 @!p0 $0x1, s12  }
0x24: {  	s14 =	smul.u32 @!p0 $0xFA00, s14  }
0x25: {  	s31 =	sadd.s32 $0xFFFFFFFF, s12;
	s15 =	sshrl.u32 @!p0 s11, $0x3  }
0x26: {  	s16 =	sand.u32 @!p0 $0x7, s11;
	s15 =	sadd.s32 @!p0 s2, s15;
	s14 =	sshra.s32 @!p0 s14, $0x2  }
0x27: {  	[tilespmem:s14], [sflag:$0x2] =	stream.linear.gather @!p0 [hbm4b:s15+s16], $0x3E80, $0x38;
	[tilespmem:$0xFA00] =	vst v63  }
0x28: {  	p0 =	sge.u32 s31, s7  }
.Ltmp2:
0x29: {  	_ = 	snop;
	(pc) =	sbr.rel @p0 .LBB2_5-.Ltmp2, $1  }
0x2a: {  	_ =	sdelay $0x3  }
0x2b: {  	s14 =	sand.u32 $0x1, s12  }
0x2c: {  	_ =	swait.ge [sflag:s6], $0x3E80;
	p0 =	seq.s32 s14, $0x1;
	s14 =	simm.s32 $0x3E80  }
0x2d: {  	[sflag:s6] =	ssyncset.done $0x0;
	s14 =	simm.s32 @!p0 $0x0  }
0x2e: {  	[sflag:s6] =	ssyncadd.s32 $0xFFFFC180;
	(ifvalue) =	ssetifvalue $0x7FFFFFFF;
	v0 =	vld.msk [tilespmem:s14+$0x0 ss:$0x1], $0xffff;
	_ =	sdelay $0x4  }
0x2f: {  	s15 =	sadd.s32 $0x10, s14;
	vm1 =	vgt.s32 v0, $0x0  }
0x30: {  	v2 =	vld.msk [tilespmem:s15+$0x0 ss:$0x1], $0xffff;
	v1 =	vnsel vm1, $0x0, v0  }
0x31: {  	v1 =	vmin.u32 v1, $0x5090F;
	_ =	sdelay $0x2  }
0x32: {  	s17 =	simm.s32 $0x20;
	s14 =	sadd.s32 $0x7D00, s14;
	s16 =	sadd.s32 $0x10, s15  }
0x33: {  	s15 =	sadd.s32 $0x10, s14;
	s18 =	smov.u32 s14;
	v0 =	vld.msk [tilespmem:s16+$0x0 ss:$0x1], $0xffff;
	vm1 =	vgt.s32 v2, $0x0;
	(ifvalue) =	ssetifvalue $0x7FFFFFFF  }
.LBB2_3:
0x34: {  	[tilespmem:s18], [sflag:$0x1] =	stream.indirect_vreg.gather [hbm4b:s3+s10], $0x1, v1, vm0, $0x4038;
	[tilespmem:$0xFA00] =	vst v63  }
0x35: {  	s17 =	sadd.s32 $0x10, s17  }
0x36: {  	v2 =	vnsel vm1, $0x0, v2;
	p0 =	slt.u32 s17, $0x3E70  }
.Ltmp3:
0x37: {  	s18 =	smov.u32 s15;
	v1 =	vmin.u32 v2, $0x5090F;
	(pc) =	sbr.rel @p0 .LBB2_3-.Ltmp3, $3  }
0x38: {  	_ =	sdelay $0x1  }
0x39: {  	s16 =	sadd.s32 $0x10, s16  }
0x3a: {  	vm1 =	vgt.s32 v0, $0x0;
	s15 =	sadd.s32 $0x10, s15;
	v2 =	vmov v0;
	(ifvalue) =	ssetifvalue $0x7FFFFFFF;
	v0 =	vld.msk [tilespmem:s16+$0x0 ss:$0x1], $0xffff  }
.Ltmp4:
0x3b: {  	_ = 	snop;
	(pc) =	sbr.rel .LBB2_4-.Ltmp4, $1  }
0x3c: {  	_ =	sdelay $0x3  }
.LBB2_6:
0x3d: {  	_ =	sfence.sel $0x180000  }
0x3e: {  	s2 =	simm.s32 $0x2;
	[bflag:$0x0] =	sbarrier.arrive $0xFFFF  }
0x3f: {  	s30 =	simm.s32 $0x3;
	[sflag:s2] =	ssyncpa.u1 $0x1  }
0x40: {  	s31 =	simm.s32 $0x1;
	[sflag:s30] =	ssyncpa.u1 $0x1  }
0x41: {  	[sflag:s31] =	ssyncpa.u1 $0x1  }
0x42: {  	p0 =	sne.s32 s1, $0x0;
	_ =	strace $0x9000005C  }
0x43: {  	s0 =	sadd.s32 @!p0 $0x100000, s0;
	[bflag:$0x2] =	sbarrier.arrive $0xFFFF  }
0x44: {  	[sflag:s0] =	ssyncadd.tile.s32 @!p0 $0x1;
	_ =	shalt  }
.Lfunc_end2:
_tile_overlayer_lowered:
.L_overlay_start_2:
0x45: {  	(tag) =	ssettag $0x2  }
0x46: {  	s0 =	rddreg [dreg:$0x0];
	s2 =	stileid.u32  }
0x47: {  	s1 =	rddreg [dreg:$0x1];
	p0 =	sne.s32 s2, $0x0  }
0x48: {  	s3 =	rddreg [dreg:$0x2];
	[bflag:$0x3] =	sbarrier.arrive $0xFFFF;
	s2 =	simm.s32 @!p0 $0x1C01  }
0x49: {  	[timem:s3], [sflag:s2] =	dma.local @!p0 [hbm:s0], s1  }
0x4a: {  	s0 =	simm.s32 @!p0 $0x1  }
0x4b: {  	_ =	swait.ge @!p0 [sflag:s0], s1  }
0x4c: {  	s1 =	ssub.s32 @!p0 $0x0, s1;
	[sflag:s0] =	ssyncset.done @!p0 $0x0  }
0x4d: {  	[sflag:s0] =	ssyncadd.s32 @!p0 s1  }
0x4e: {  	[bflag:$0x3] =	sbarrier.arrive $0xFFFF  }
0x4f: {  	_ =	shalt  }

// kernel: gather_offload_async_start.2
scs
__scs_entry_jumppad:
0x0: {  	(pc) =	sbr.rel $0x88, $3  }
0x1: {  	(tag) =	ssettag $0x0;
	lr =	simm.s32 $0x1  }
0x2: {  	[smem:$0x3F9B] =	sst lr;
	_ =	strace $0xD0000000  }
0x3: {  	_ = 	snop  }
0x4: {  	_ = 	snop  }
0x5: {  	_ = 	snop  }
0x6: {  	_ = 	snop  }
0x7: {  	_ = 	snop  }
__scs_overlays_trampoline_lowered:
0x8: {  	[smem:$0x3FAA] =	sst s0  }
0x9: {  	[smem:$0x3FAB] =	sst s1  }
0xa: {  	[smem:$0x3FAC] =	sst s2  }
0xb: {  	[smem:$0x3FAD] =	sst s3  }
0xc: {  	[smem:$0x3FAE] =	sst s4  }
0xd: {  	[smem:$0x3FAF] =	sst s5  }
0xe: {  	[smem:$0x3FB0] =	sst s6  }
0xf: {  	[smem:$0x3FB1] =	sst s7  }
0x10: {  	[smem:$0x3FB2] =	sst s8  }
0x11: {  	[smem:$0x3FB3] =	sst s9;
	s0 =	simm.s32 @!p0 $0x0  }
0x12: {  	s1 =	sld [smem:$0x3F99];
	s0 =	simm.s32 @p0 $0x1  }
0x13: {  	[smem:$0x3FB4] =	sst s0;
	s0 =	simm.s32 @!p1 $0x0  }
0x14: {  	s2 =	sld [smem:$0x3F98];
	s0 =	simm.s32 @p1 $0x1  }
0x15: {  	[smem:$0x3FB5] =	sst s0;
	s0 =	simm.s32 @!p2 $0x0  }
0x16: {  	s3 =	sld [smem:$0x3FDB];
	s0 =	simm.s32 @p2 $0x1  }
0x17: {  	s4 =	simm.s32 $0x1BF5;
	[smem:$0x3FB7] =	sst s0  }
0x18: {  	s0 =	sld [smem:$0x3F9A];
	_ =	swait.ge [sflag:s4], $0x0  }
0x19: {  	s7 =	sld [smem:$0x3F9B]  }
0x1a: {  	s8 =	sadd.s32 $0xFFFFE003, lr  }
0x1b: {  	s9 =	sadd.s32 $0xFFFFFEF7, lr;
	s5 =	simm.s32 $0xFFFFFFFF;
	p2 =	slt.u32 s8, $0xFFFFF086  }
0x1c: {  	p1 =	slt.u32 s9, $0xF7A;
	s5 =	simm.s32 @!p2 $0x0  }
0x1d: {  	s5 =	simm.s32 @p1 $0x1;
	p0 =	seq.s32 s7, s2  }
0x1e: {  	s7 =	smul.u32 @!p0 $0xF7A, s2;
	p2 =	seq.s32 @!p0 s5, $0x0  }
0x1f: {  	s9 =	smul.u32 $0xF7A, s1;
	s8 =	simm.s32 @!p0 $0x1BF5;
	p2 =	por !p2, p0  }
0x20: {  	[sflag:s8] =	ssyncset.s32 @!p0 $0xFFFFF086;
	s6 =	sadd.s32 @!p0 s3, s7;
	s7 =	simm.s32 @!p0 $0x108  }
0x21: {  	s3 =	sadd.s32 s3, s9;
	s6 =	sadd.s32 @!p0 $0x88, s6;
	s7 =	simm.s32 @p2 $0x1082  }
0x22: {  	[simem:s7], [sflag:s8] =	dma.local @!p0 [hbm:s6], $0xF7A  }
0x23: {  	s9 =	sor.u32 $0xD0000000, s2;
	s6 =	simm.s32 $0x108;
	_ =	swait.ge @!p0 [sflag:s8], $0x0  }
0x24: {  	s3 =	sadd.s32 $0x88, s3;
	s6 =	simm.s32 @!p1 $0x1082;
	[sflag:s4] =	ssyncset.s32 $0xFFFFF086  }
0x25: {  	[simem:s6], [sflag:s4] =	dma.local [hbm:s3], $0xF7A  }
0x26: {  	[smem:$0x3F9B] =	sst s1;
	(tag) =	ssettag s2;
	_ =	strace s9  }
0x27: {  	s1 =	sld [smem:$0x3FAB]  }
0x28: {  	s2 =	sld [smem:$0x3FAC]  }
0x29: {  	s4 =	sld [smem:$0x3FAE]  }
0x2a: {  	p0 =	seq.s32 s5, $0x0;
	s5 =	sld [smem:$0x3FAF]  }
0x2b: {  	s6 =	sld [smem:$0x3FB0]  }
0x2c: {  	s7 =	sld [smem:$0x3FB1]  }
0x2d: {  	s3 =	simm.s32 $0x108;
	s8 =	sld [smem:$0x3FB2]  }
0x2e: {  	s3 =	simm.s32 @!p0 $0x1082;
	s9 =	sld [smem:$0x3FB3]  }
0x2f: {  	lr =	sadd.s32 s0, s3;
	s0 =	sld [smem:$0x3FAA]  }
0x30: {  	s3 =	sld [smem:$0x3FAD]  }
0x31: {  	[smem:$0x3FB6] =	sst s10  }
0x32: {  	s10 =	sld [smem:$0x3FB4];
	_ =	sdelay $0x3  }
0x33: {  	p0 =	seq.s32 s10, $0x1;
	s10 =	sld [smem:$0x3FB6];
	_ =	sdelay $0x3  }
0x34: {  	[smem:$0x3FB6] =	sst s10  }
0x35: {  	s10 =	sld [smem:$0x3FB5];
	_ =	sdelay $0x3  }
0x36: {  	p1 =	seq.s32 s10, $0x1;
	s10 =	sld [smem:$0x3FB6];
	_ =	sdelay $0x3  }
0x37: {  	[smem:$0x3FB6] =	sst s10  }
0x38: {  	s10 =	sld [smem:$0x3FB7]  }
0x39: {  	_ = 	snop;
	(pc) =	sbr.ind lr, $3  }
0x3a: {  	_ = 	snop  }
0x3b: {  	_ = 	snop  }
0x3c: {  	p2 =	seq.s32 s10, $0x1;
	s10 =	sld [smem:$0x3FB6]  }
0x3d: {  	_ =	shalt  }
0x3e: {  	_ =	shalt  }
0x3f: {  	_ =	shalt  }
0x40: {  	_ =	shalt  }
0x41: {  	_ =	shalt  }
0x42: {  	_ =	shalt  }
0x43: {  	_ =	shalt  }
0x44: {  	_ =	shalt  }
0x45: {  	_ =	shalt  }
0x46: {  	_ =	shalt  }
0x47: {  	_ =	shalt  }
0x48: {  	_ =	shalt  }
0x49: {  	_ =	shalt  }
0x4a: {  	_ =	shalt  }
0x4b: {  	_ =	shalt  }
0x4c: {  	_ =	shalt  }
0x4d: {  	_ =	shalt  }
0x4e: {  	_ =	shalt  }
0x4f: {  	_ =	shalt  }
0x50: {  	_ =	shalt  }
0x51: {  	_ =	shalt  }
0x52: {  	_ =	shalt  }
0x53: {  	_ =	shalt  }
0x54: {  	_ =	shalt  }
0x55: {  	_ =	shalt  }
0x56: {  	_ =	shalt  }
0x57: {  	_ =	shalt  }
0x58: {  	_ =	shalt  }
0x59: {  	_ =	shalt  }
0x5a: {  	_ =	shalt  }
0x5b: {  	_ =	shalt  }
0x5c: {  	_ =	shalt  }
0x5d: {  	_ =	shalt  }
0x5e: {  	_ =	shalt  }
0x5f: {  	_ =	shalt  }
0x60: {  	_ =	shalt  }
0x61: {  	_ =	shalt  }
0x62: {  	_ =	shalt  }
0x63: {  	_ =	shalt  }
0x64: {  	_ =	shalt  }
0x65: {  	_ =	shalt  }
0x66: {  	_ =	shalt  }
0x67: {  	_ =	shalt  }
0x68: {  	_ =	shalt  }
0x69: {  	_ =	shalt  }
0x6a: {  	_ =	shalt  }
0x6b: {  	_ =	shalt  }
0x6c: {  	_ =	shalt  }
0x6d: {  	_ =	shalt  }
0x6e: {  	_ =	shalt  }
0x6f: {  	_ =	shalt  }
0x70: {  	_ =	shalt  }
0x71: {  	_ =	shalt  }
0x72: {  	_ =	shalt  }
0x73: {  	_ =	shalt  }
0x74: {  	_ =	shalt  }
0x75: {  	_ =	shalt  }
0x76: {  	_ =	shalt  }
0x77: {  	_ =	shalt  }
0x78: {  	_ =	shalt  }
0x79: {  	_ =	shalt  }
0x7a: {  	_ =	shalt  }
0x7b: {  	_ =	shalt  }
0x7c: {  	_ =	shalt  }
0x7d: {  	_ =	shalt  }
0x7e: {  	_ =	shalt  }
0x7f: {  	_ =	shalt  }
0x80: {  	_ =	shalt  }
0x81: {  	_ =	shalt  }
0x82: {  	_ =	shalt  }
0x83: {  	_ =	shalt  }
0x84: {  	_ =	shalt  }
0x85: {  	_ =	shalt  }
0x86: {  	_ =	shalt  }
0x87: {  	_ =	shalt  }
.Lfunc_end0:
.L_simem_size_0:
called_computation.5_lowered:
.L_overlay_start_0:
0x88: {  	s2 =	sld [smem:$0x3FD9]  }
0x89: {  	s3 =	sld [smem:$0x3FFE];
	_ =	sdelay $0x1  }
0x8a: {  	s1 =	srdreg.scid  }
0x8b: {  	s0 =	sand.u32 $0x1, s1  }
0x8c: {  	s16 =	sshll.u32 s0, $0xA;
	s2 =	sadd.s32 s3, s2  }
0x8d: {  	s2 =	sadd.s32 s2, s16  }
0x8e: {  	[smem:$0x3FC2] =	sst s2  }
0x8f: {  	_ = 	snop  }
0x90: {  	(tm) =	ssettm $0x1  }
0x91: {  	s17 =	sld [smem:$0x3FFB];
	_ =	sdelay $0x3  }
0x92: {  	_ =	strace s17  }
0x93: {  	s2 =	sld [smem:$0x3FFC];
	_ =	sdelay $0x3  }
0x94: {  	_ =	strace s2  }
0x95: {  	s2 =	sld [smem:$0x3FFD];
	_ =	sdelay $0x3  }
0x96: {  	_ =	strace s2  }
0x97: {  	_ =	strace $0x8FFFFFFF  }
0x98: {  	s18 =	sld [smem:$0x3FDB];
	_ =	sdelay $0x1  }
0x99: {  	s19 =	simm.s32 $_scs_section_size  }
0x9a: {  	s4 =	simm.s32 $_size__tile_overlayer_lowered;
	s5 =	simm.s32 $_tile_overlayer_lowered  }
0x9b: {  	s22 =	simm.s32 $0x1BFF;
	s21 =	sshll.u32 s5, $0x1;
	s2 =	sadd.s32 s19, s18  }
0x9c: {  	s6 =	simm.s32 $0x0;
	s20 =	sshll.u32 s4, $0x1;
	s4 =	sadd.s32 s21, s2  }
0x9d: {  	[timem:s6], [sflag:s22] =	dma.local [hbm:s4], s20  }
0x9e: {  	_ =	swait.ge [sflag:s22], s20  }
0x9f: {  	s3 =	ssub.s32 $0x0, s20;
	[sflag:s22] =	ssyncset.done $0x0  }
0xa0: {  	[sflag:s22] =	ssyncadd.s32 s3;
	_ =	sdelay $0x1  }
0xa1: {  	s23 =	simm.s32 $0x1B8B  }
0xa2: {  	_ =	swait.ge [sflag:s23], $0x1  }
0xa3: {  	[sflag:s23] =	ssyncset.done $0x0  }
0xa4: {  	s25 =	simm.s32 $0x1B8E;
	s24 =	sld [smem:$0x3FFE];
	[sflag:s23] =	ssyncadd.s32 $0xFFFFFFFF  }
0xa5: {  	s26 =	simm.s32 $execute0_lowered;
	[smem:$0x3FD2] =	sst s25  }
0xa6: {  	s4 =	sshll.u32 s26, $0x1;
	_ =	strace $0x80000049;
	[dreg:$0x1] =	wrdreg $0xFFFFFFFF  }
0xa7: {  	s28 =	simm.s32 $_size_execute0_lowered;
	s2 =	sadd.s32 s2, s4;
	[dreg:$0x0] =	wrdreg $0x0  }
0xa8: {  	s4 =	sshll.u32 s28, $0x1;
	[dreg:$0x2] =	wrdreg s2  }
0xa9: {  	[dreg:$0x3] =	wrdreg s4  }
0xaa: {  	[dreg:$0x4] =	wrdreg $0xC0  }
0xab: {  	_ =	task [dreg:s6], $0x5FFFF  }
0xac: {  	[dreg:$0x1] =	wrdreg $0xFFFFFFFF  }
0xad: {  	[dreg:$0x0] =	wrdreg $0x60  }
0xae: {  	[dreg:$0x2] =	wrdreg s24  }
0xaf: {  	[dreg:$0x3] =	wrdreg $0x9  }
0xb0: {  	_ =	task.clear_ibuf [dreg:s6], $0x4FFFF;
	_ =	strace $0x90000049  }
0xb1: {  	s29 =	simm.s32 $0x9;
	_ =	strace $0x8000004B  }
0xb2: {  	_ =	swait.ge [sflag:s29], $0x1  }
0xb3: {  	[sflag:s29] =	ssyncadd.s32 $0xFFFFFFFF  }
0xb4: {  	_ =	strace $0x9000004B  }
0xb5: {  	_ =	sfence  }
0xb6: {  	s30 =	sld [smem:$0x0];
	_ =	sdelay $0x2  }
0xb7: {  	s31 =	sshll.u32 s1, $0xD;
	s1 =	sshrl.u32 s1, $0x2  }
0xb8: {  	s3 =	sand.u32 $0x4000, s31;
	s1 =	sadd.s32 s1, s30  }
0xb9: {  	s0 =	sor.u32 s3, s0;
	s1 =	sshll.u32 s1, $0x11  }
0xba: {  	s0 =	sor.u32 s1, s0  }
0xbb: {  	s0 =	sadd.s32 $0x8F2B, s0  }
0xbc: {  	[sflag:s0] =	ssyncadd.remote.s32 $0x1  }
0xbd: {  	_ =	sfence.sel $0xFFFF  }
0xbe: {  	[dreg:$0x0] =	wrdreg $0xFFFFFFFF;
	(pc) =	sbr.abs _section_cstart, $3  }
0xbf: {  	[dreg:$0x1] =	wrdreg $0xFFFFFFFF  }
0xc0: {  	_ =	task.clear_ibuf [dreg:s6], $0x2FFFF;
	_ =	strace $0x9FFFFFFF  }
0xc1: {  	(tm) =	ssettm $0x7FFFFFFF  }
tec
execute0_lowered:
.L_overlay_start_1:
0x0: {  	(tag) =	ssettag $0x1  }
0x1: {  	s0 =	srdreg.scid  }
0x2: {  	s9 =	rddreg [dreg:$0x0];
	s1 =	stileid.u32  }
0x3: {  	s5 =	simm.s32 $0x1;
	s6 =	simm.s32 $0x2;
	s10 =	simm.s32 $0x3  }
0x4: {  	s14 =	simm.s32 $0x0;
	s13 =	simm.s32 $0x0;
	s2 =	sshll.u32 s0, $0x7  }
0x5: {  	s0 =	rddreg [dreg:$0x1];
	s3 =	sshll.u32 s1, $0x8;
	s4 =	sand.u32 $0x80, s2  }
0x6: {  	_ =	strace $0x8000004A;
	s2 =	sadd.s32 $0xBF800, s9;
	s3 =	sor.u32 s3, s4  }
0x7: {  	[sflag:s5] =	ssyncpa.u1 $0x0;
	s4 =	sadd.s32 $0xAC00, s9;
	s7 =	ssub.s32 $0x2780, s3  }
.Ltmp0:
0x8: {  	[sflag:s6] =	ssyncpa.u1 $0x0;
	s8 =	sand.u32 $0xF80, s7;
	(pc) =	sbr.rel .LBB2_1-.Ltmp0, $4  }
0x9: {  	[sflag:s10] =	ssyncpa.u1 $0x0;
	p0 =	sne.s32 s8, $0x0;
	s8 =	simm.s32 $0x1  }
0xa: {  	s12 =	smov.u32 s3;
	s11 =	sshrl.u32 s7, $0xC;
	s8 =	simm.s32 @!p0 $0x0  }
0xb: {  	s7 =	sadd.s32 $0xB200, s9;
	s9 =	sadd.s32 $0xD980, s9;
	s8 =	sadd.s32 s8, s11  }
0xc: {  	vm0 =	vmmov $0xffff;
	v0 =	vlaneseq.u32;
	p0 =	por $0x0, $0x0;
	s11 =	simm.s32 $0x0;
	s10 =	sadd.s32 $0x1, s8  }
.LBB2_4:
0xd: {  	_ =	sdelay $0x3  }
0xe: {  	[tilespmem:s23], [sflag:$0x1] =	stream.indirect_vreg.gather [hbm4b:s2+s11], $0x1, v1, vm0, $0x4038;
	[tilespmem:$0x1100] =	vst v63  }
0xf: {  	s17 =	sadd.s32 s19, s17  }
0x10: {  	v1 =	vld.msk [tilespmem:s17+$0x0 ss:$0x1], $0xffff;
	_ =	sdelay $0x4  }
0x11: {  	vm1 =	vgt.s32 v1, $0x0  }
0x12: {  	p1 =	sgt.s32 s20, $0x0;
	v1 =	vnsel vm1, $0x0, v1  }
0x13: {  	s20 =	simm.s32 @!p1 $0x0;
	v1 =	vmin.u32 v1, $0x5090F  }
0x14: {  	s26 =	smin.u32 s20, $0x10;
	v2 =	vshll.u32 v1, $0x3  }
0x15: {  	v3 =	vmov s26;
	v1 =	vand.u32 $0x7F, v1;
	v2 =	vand.u32 $0x3FFC00, v2  }
0x16: {  	vm1 =	vgt.u32 v3, v0;
	v1 =	vor.u32 v1, v2  }
0x17: {  	v2 =	vnsel vm1, $0x7FFFFFFF, v1;
	_ =	sdelay $0x1  }
0x18: {  	v3 =	vor.u32 $0x80, v1  }
0x19: {  	(ifvalue) =	ssetifvalue $0x7FFFFFFF;
	v3 =	vnsel vm1, $0x7FFFFFFF, v3  }
0x1a: {  	s17 =	sadd.s32 s19, s18;
	(ifvalue) =	ssetifvalue $0x7FFFFFFF  }
0x1b: {  	v4 =	vor.u32 $0x100, v1;
	[tilespmem:s17], [sflag:$0x1] =	stream.indirect_vreg.gather [hbm4b:s2+s11], $0x1, v2, vm0, $0x4038;
	[tilespmem:$0x1100] =	vst v63  }
0x1c: {  	(ifvalue) =	ssetifvalue $0x7FFFFFFF;
	v2 =	vnsel vm1, $0x7FFFFFFF, v4  }
0x1d: {  	s18 =	sadd.s32 $0x80, s17;
	(ifvalue) =	ssetifvalue $0x7FFFFFFF  }
0x1e: {  	v52 =	vor.u32 $0x180, v1;
	[tilespmem:s18], [sflag:$0x1] =	stream.indirect_vreg.gather [hbm4b:s2+s11], $0x1, v3, vm0, $0x4038;
	[tilespmem:$0x1100] =	vst v63  }
0x1f: {  	v3 =	vnsel vm1, $0x7FFFFFFF, v52;
	(ifvalue) =	ssetifvalue $0x7FFFFFFF  }
0x20: {  	s28 =	sadd.s32 $0x100, s17;
	(ifvalue) =	ssetifvalue $0x7FFFFFFF  }
0x21: {  	v53 =	vor.u32 $0x200, v1;
	[tilespmem:s28], [sflag:$0x1] =	stream.indirect_vreg.gather [hbm4b:s2+s11], $0x1, v2, vm0, $0x4038;
	[tilespmem:$0x1100] =	vst v63  }
0x22: {  	(ifvalue) =	ssetifvalue $0x7FFFFFFF;
	v2 =	vnsel vm1, $0x7FFFFFFF, v53  }
0x23: {  	s29 =	sadd.s32 $0x180, s17;
	(ifvalue) =	ssetifvalue $0x7FFFFFFF  }
0x24: {  	v54 =	vor.u32 $0x280, v1;
	[tilespmem:s29], [sflag:$0x1] =	stream.indirect_vreg.gather [hbm4b:s2+s11], $0x1, v3, vm0, $0x4038;
	[tilespmem:$0x1100] =	vst v63  }
0x25: {  	v3 =	vnsel vm1, $0x7FFFFFFF, v54;
	(ifvalue) =	ssetifvalue $0x7FFFFFFF  }
0x26: {  	s30 =	sadd.s32 $0x200, s17;
	(ifvalue) =	ssetifvalue $0x7FFFFFFF  }
0x27: {  	v55 =	vor.u32 $0x300, v1;
	[tilespmem:s30], [sflag:$0x1] =	stream.indirect_vreg.gather [hbm4b:s2+s11], $0x1, v2, vm0, $0x4038;
	[tilespmem:$0x1100] =	vst v63  }
0x28: {  	(ifvalue) =	ssetifvalue $0x7FFFFFFF;
	v2 =	vnsel vm1, $0x7FFFFFFF, v55  }
0x29: {  	s31 =	sadd.s32 $0x280, s17;
	(ifvalue) =	ssetifvalue $0x7FFFFFFF  }
0x2a: {  	v56 =	vor.u32 $0x380, v1;
	[tilespmem:s31], [sflag:$0x1] =	stream.indirect_vreg.gather [hbm4b:s2+s11], $0x1, v3, vm0, $0x4038;
	[tilespmem:$0x1100] =	vst v63  }
0x2b: {  	v3 =	vnsel vm1, $0x7FFFFFFF, v56;
	(ifvalue) =	ssetifvalue $0x7FFFFFFF  }
0x2c: {  	s19 =	sadd.s32 $0x300, s17;
	(ifvalue) =	ssetifvalue $0x7FFFFFFF  }
0x2d: {  	v57 =	vadd.s32 $0x284C00, v1;
	[tilespmem:s19], [sflag:$0x1] =	stream.indirect_vreg.gather [hbm4b:s2+s11], $0x1, v2, vm0, $0x4038;
	[tilespmem:$0x1100] =	vst v63  }
0x2e: {  	(ifvalue) =	ssetifvalue $0x7FFFFFFF;
	v2 =	vnsel vm1, $0x7FFFFFFF, v57  }
0x2f: {  	s20 =	sadd.s32 $0x380, s17;
	(ifvalue) =	ssetifvalue $0x7FFFFFFF  }
0x30: {  	v58 =	vadd.s32 $0x284C80, v1;
	[tilespmem:s20], [sflag:$0x1] =	stream.indirect_vreg.gather [hbm4b:s2+s11], $0x1, v3, vm0, $0x4038;
	[tilespmem:$0x1100] =	vst v63  }
0x31: {  	v3 =	vnsel vm1, $0x7FFFFFFF, v58;
	(ifvalue) =	ssetifvalue $0x7FFFFFFF  }
0x32: {  	s21 =	sadd.s32 $0x400, s17;
	(ifvalue) =	ssetifvalue $0x7FFFFFFF  }
0x33: {  	v59 =	vadd.s32 $0x284D00, v1;
	[tilespmem:s21], [sflag:$0x1] =	stream.indirect_vreg.gather [hbm4b:s2+s11], $0x1, v2, vm0, $0x4038;
	[tilespmem:$0x1100] =	vst v63  }
0x34: {  	(ifvalue) =	ssetifvalue $0x7FFFFFFF;
	v2 =	vnsel vm1, $0x7FFFFFFF, v59  }
0x35: {  	s22 =	sadd.s32 $0x480, s17;
	(ifvalue) =	ssetifvalue $0x7FFFFFFF  }
0x36: {  	v60 =	vadd.s32 $0x284D80, v1;
	[tilespmem:s22], [sflag:$0x1] =	stream.indirect_vreg.gather [hbm4b:s2+s11], $0x1, v3, vm0, $0x4038;
	[tilespmem:$0x1100] =	vst v63  }
0x37: {  	v3 =	vnsel vm1, $0x7FFFFFFF, v60;
	(ifvalue) =	ssetifvalue $0x7FFFFFFF  }
0x38: {  	s23 =	sadd.s32 $0x500, s17;
	(ifvalue) =	ssetifvalue $0x7FFFFFFF  }
0x39: {  	v61 =	vadd.s32 $0x284E00, v1;
	[tilespmem:s23], [sflag:$0x1] =	stream.indirect_vreg.gather [hbm4b:s2+s11], $0x1, v2, vm0, $0x4038;
	[tilespmem:$0x1100] =	vst v63  }
0x3a: {  	(ifvalue) =	ssetifvalue $0x7FFFFFFF;
	v2 =	vnsel vm1, $0x7FFFFFFF, v61  }
0x3b: {  	s24 =	sadd.s32 $0x580, s17;
	(ifvalue) =	ssetifvalue $0x7FFFFFFF  }
0x3c: {  	v62 =	vadd.s32 $0x284E80, v1;
	[tilespmem:s24], [sflag:$0x1] =	stream.indirect_vreg.gather [hbm4b:s2+s11], $0x1, v3, vm0, $0x4038;
	[tilespmem:$0x1100] =	vst v63  }
0x3d: {  	v3 =	vnsel vm1, $0x7FFFFFFF, v62;
	(ifvalue) =	ssetifvalue $0x7FFFFFFF  }
0x3e: {  	s25 =	sadd.s32 $0x600, s17;
	(ifvalue) =	ssetifvalue $0x7FFFFFFF  }
0x3f: {  	v63 =	vadd.s32 $0x284F00, v1;
	[tilespmem:s25], [sflag:$0x1] =	stream.indirect_vreg.gather [hbm4b:s2+s11], $0x1, v2, vm0, $0x4038;
	[tilespmem:$0x1100] =	vst v63  }
0x40: {  	(ifvalue) =	ssetifvalue $0x7FFFFFFF;
	v2 =	vnsel vm1, $0x7FFFFFFF, v63  }
0x41: {  	s26 =	sadd.s32 $0x680, s17;
	(ifvalue) =	ssetifvalue $0x7FFFFFFF  }
0x42: {  	v1 =	vadd.s32 $0x284F80, v1;
	[tilespmem:s26], [sflag:$0x1] =	stream.indirect_vreg.gather [hbm4b:s2+s11], $0x1, v3, vm0, $0x4038;
	[tilespmem:$0x1100] =	vst v63  }
0x43: {  	v1 =	vnsel vm1, $0x7FFFFFFF, v1;
	(ifvalue) =	ssetifvalue $0x7FFFFFFF  }
0x44: {  	s28 =	sadd.s32 $0x700, s17;
	(ifvalue) =	ssetifvalue $0x7FFFFFFF  }
0x45: {  	[tilespmem:s28], [sflag:$0x1] =	stream.indirect_vreg.gather [hbm4b:s2+s11], $0x1, v2, vm0, $0x4038;
	[tilespmem:$0x1100] =	vst v63  }
0x46: {  	(ifvalue) =	ssetifvalue $0x7FFFFFFF  }
0x47: {  	s17 =	sadd.s32 $0x780, s17;
	s29 =	sshll.u32 s14, $0x3;
	(ifvalue) =	ssetifvalue $0x7FFFFFFF  }
0x48: {  	[tilespmem:s17], [sflag:$0x1] =	stream.indirect_vreg.gather [hbm4b:s2+s11], $0x1, v1, vm0, $0x4038;
	[tilespmem:$0x1100] =	vst v63  }
0x49: {  	s30 =	sand.u32 $0x78, s14;
	s17 =	sand.u32 $0xFFFFFC00, s29  }
0x4a: {  	_ =	swait.ge [sflag:s5], $0x800;
	s14 =	sor.u32 s30, s17  }
0x4b: {  	[sflag:s5] =	ssyncset.done $0x0;
	s14 =	sshrl.u32 s14, $0x3  }
0x4c: {  	[sflag:s5] =	ssyncadd.s32 $0xFFFFF800;
	s31 =	sadd.s32 s7, s14  }
0x4d: {  	[hbm:s31] =	stream.linear.scatter [tilespmem:s16], [sflag:$0x3], $0x400, $0x38;
	[tilespmem:$0x1100] =	vst v63  }
0x4e: {  	s15 =	sadd.s32 $0x500, s15;
	s14 =	sadd.s32 s14, s9  }
0x4f: {  	[hbm:s14] =	stream.linear.scatter [tilespmem:s15], [sflag:$0x3], $0x400, $0x38;
	[tilespmem:$0x1100] =	vst v63  }
.LBB2_5:
0x50: {  	s16 =	sadd.s32 $0x1000, s12  }
0x51: {  	p2 =	sgt.s32 s16, $0x277F  }
0x52: {  	s16 =	smov.u32 @p2 s3;
	p2 =	sne.s32 s13, s10  }
.Ltmp1:
0x53: {  	p1 =	slt.u32 s13, $0x2;
	(pc) =	sbr.rel @!p2 .LBB2_6-.Ltmp1, $4  }
0x54: {  	s15 =	simm.s32 @!p1 $0x3  }
0x55: {  	s17 =	sadd.s32 $0x1, s13;
	_ =	swait.ge @!p1 [sflag:s15], $0x800  }
0x56: {  	s14 =	smov.u32 s12;
	p0 =	por !p0, !p0;
	[sflag:s15] =	ssyncset.done @!p1 $0x0  }
0x57: {  	s13 =	smov.u32 s17;
	s12 =	smov.u32 s16;
	[sflag:s15] =	ssyncadd.s32 @!p1 $0xFFFFF800  }
.LBB2_1:
0x58: {  	p1 =	sge.u32 s13, s8  }
0x59: {  	s15 =	sxor.u32 @!p1 $0xFFFFFFFF, s13  }
0x5a: {  	s31 =	sadd.s32 $0xFFFFFFFF, s13;
	s16 =	sshrl.u32 @!p1 s12, $0x3;
	s15 =	sshll.u32 @!p1 s15, $0x7  }
0x5b: {  	s17 =	sand.u32 @!p1 $0x7, s12;
	s16 =	sadd.s32 @!p1 s4, s16;
	s15 =	sand.u32 @!p1 $0x80, s15  }
0x5c: {  	[tilespmem:s15], [sflag:$0x2] =	stream.linear.gather @!p1 [hbm4b:s16+s17], $0x80, $0x38;
	[tilespmem:$0x1100] =	vst v63  }
0x5d: {  	p1 =	sge.u32 s31, s8  }
.Ltmp2:
0x5e: {  	_ = 	snop;
	(pc) =	sbr.rel @p1 .LBB2_5-.Ltmp2, $1  }
0x5f: {  	_ =	sdelay $0x3  }
0x60: {  	s15 =	simm.s32 $0x1  }
0x61: {  	_ =	swait.ge [sflag:s6], $0x80;
	s15 =	simm.s32 @!p0 $0x0  }
0x62: {  	[sflag:s6] =	ssyncset.done $0x0;
	s17 =	sshll.u32 s15, $0x7  }
0x63: {  	[sflag:s6] =	ssyncadd.s32 $0xFFFFFF80;
	s16 =	sadd.s32 $0x0, s17  }
0x64: {  	v1 =	vld.msk [tilespmem:s16+$0x0 ss:$0x1], $0xffff;
	_ =	sdelay $0x2  }
0x65: {  	s20 =	ssub.s32 $0x2710, s14  }
0x66: {  	p1 =	slt.s32 s20, $0x80  }
0x67: {  	s20 =	simm.s32 @!p1 $0x80;
	vm1 =	vgt.s32 v1, $0x0  }
0x68: {  	p1 =	sgt.s32 s20, $0x0;
	s16 =	smov.u32 s20;
	v1 =	vnsel vm1, $0x0, v1  }
0x69: {  	s16 =	simm.s32 @!p1 $0x0;
	v1 =	vmin.u32 v1, $0x5090F  }
0x6a: {  	s16 =	smin.u32 s16, $0x10;
	v2 =	vshll.u32 v1, $0x3  }
0x6b: {  	v3 =	vmov s16;
	v1 =	vand.u32 $0x7F, v1;
	v2 =	vand.u32 $0x3FFC00, v2  }
0x6c: {  	vm1 =	vgt.u32 v3, v0;
	v1 =	vor.u32 v1, v2  }
0x6d: {  	v2 =	vnsel vm1, $0x7FFFFFFF, v1;
	_ =	sdelay $0x1  }
0x6e: {  	s15 =	sshll.u32 s15, $0xB;
	v3 =	vor.u32 $0x80, v1  }
0x6f: {  	s18 =	sor.u32 $0x100, s15;
	(ifvalue) =	ssetifvalue $0x7FFFFFFF;
	v3 =	vnsel vm1, $0x7FFFFFFF, v3  }
0x70: {  	s21 =	sadd.s32 $0x0, s18;
	(ifvalue) =	ssetifvalue $0x7FFFFFFF  }
0x71: {  	v4 =	vor.u32 $0x100, v1;
	[tilespmem:s21], [sflag:$0x1] =	stream.indirect_vreg.gather [hbm4b:s2+s11], $0x1, v2, vm0, $0x4038;
	[tilespmem:$0x1100] =	vst v63  }
0x72: {  	(ifvalue) =	ssetifvalue $0x7FFFFFFF;
	v2 =	vnsel vm1, $0x7FFFFFFF, v4  }
0x73: {  	s29 =	sadd.s32 $0x80, s21;
	(ifvalue) =	ssetifvalue $0x7FFFFFFF  }
0x74: {  	v52 =	vor.u32 $0x180, v1;
	[tilespmem:s29], [sflag:$0x1] =	stream.indirect_vreg.gather [hbm4b:s2+s11], $0x1, v3, vm0, $0x4038;
	[tilespmem:$0x1100] =	vst v63  }
0x75: {  	v3 =	vnsel vm1, $0x7FFFFFFF, v52;
	(ifvalue) =	ssetifvalue $0x7FFFFFFF  }
0x76: {  	s30 =	sadd.s32 $0x100, s21;
	(ifvalue) =	ssetifvalue $0x7FFFFFFF  }
0x77: {  	v53 =	vor.u32 $0x200, v1;
	[tilespmem:s30], [sflag:$0x1] =	stream.indirect_vreg.gather [hbm4b:s2+s11], $0x1, v2, vm0, $0x4038;
	[tilespmem:$0x1100] =	vst v63  }
0x78: {  	(ifvalue) =	ssetifvalue $0x7FFFFFFF;
	v2 =	vnsel vm1, $0x7FFFFFFF, v53  }
0x79: {  	s31 =	sadd.s32 $0x180, s21;
	(ifvalue) =	ssetifvalue $0x7FFFFFFF  }
0x7a: {  	v54 =	vor.u32 $0x280, v1;
	[tilespmem:s31], [sflag:$0x1] =	stream.indirect_vreg.gather [hbm4b:s2+s11], $0x1, v3, vm0, $0x4038;
	[tilespmem:$0x1100] =	vst v63  }
0x7b: {  	v3 =	vnsel vm1, $0x7FFFFFFF, v54;
	(ifvalue) =	ssetifvalue $0x7FFFFFFF  }
0x7c: {  	s16 =	sadd.s32 $0x200, s21;
	(ifvalue) =	ssetifvalue $0x7FFFFFFF  }
0x7d: {  	v55 =	vor.u32 $0x300, v1;
	[tilespmem:s16], [sflag:$0x1] =	stream.indirect_vreg.gather [hbm4b:s2+s11], $0x1, v2, vm0, $0x4038;
	[tilespmem:$0x1100] =	vst v63  }
0x7e: {  	(ifvalue) =	ssetifvalue $0x7FFFFFFF;
	v2 =	vnsel vm1, $0x7FFFFFFF, v55  }
0x7f: {  	s19 =	sadd.s32 $0x280, s21;
	(ifvalue) =	ssetifvalue $0x7FFFFFFF  }
0x80: {  	v56 =	vor.u32 $0x380, v1;
	[tilespmem:s19], [sflag:$0x1] =	stream.indirect_vreg.gather [hbm4b:s2+s11], $0x1, v3, vm0, $0x4038;
	[tilespmem:$0x1100] =	vst v63  }
0x81: {  	v3 =	vnsel vm1, $0x7FFFFFFF, v56;
	(ifvalue) =	ssetifvalue $0x7FFFFFFF  }
0x82: {  	s22 =	sadd.s32 $0x300, s21;
	(ifvalue) =	ssetifvalue $0x7FFFFFFF  }
0x83: {  	v57 =	vadd.s32 $0x284C00, v1;
	[tilespmem:s22], [sflag:$0x1] =	stream.indirect_vreg.gather [hbm4b:s2+s11], $0x1, v2, vm0, $0x4038;
	[tilespmem:$0x1100] =	vst v63  }
0x84: {  	(ifvalue) =	ssetifvalue $0x7FFFFFFF;
	v2 =	vnsel vm1, $0x7FFFFFFF, v57  }
0x85: {  	s23 =	sadd.s32 $0x380, s21;
	(ifvalue) =	ssetifvalue $0x7FFFFFFF  }
0x86: {  	v58 =	vadd.s32 $0x284C80, v1;
	[tilespmem:s23], [sflag:$0x1] =	stream.indirect_vreg.gather [hbm4b:s2+s11], $0x1, v3, vm0, $0x4038;
	[tilespmem:$0x1100] =	vst v63  }
0x87: {  	v3 =	vnsel vm1, $0x7FFFFFFF, v58;
	(ifvalue) =	ssetifvalue $0x7FFFFFFF  }
0x88: {  	s24 =	sadd.s32 $0x400, s21;
	(ifvalue) =	ssetifvalue $0x7FFFFFFF  }
0x89: {  	v59 =	vadd.s32 $0x284D00, v1;
	[tilespmem:s24], [sflag:$0x1] =	stream.indirect_vreg.gather [hbm4b:s2+s11], $0x1, v2, vm0, $0x4038;
	[tilespmem:$0x1100] =	vst v63  }
0x8a: {  	(ifvalue) =	ssetifvalue $0x7FFFFFFF;
	v2 =	vnsel vm1, $0x7FFFFFFF, v59  }
0x8b: {  	s25 =	sadd.s32 $0x480, s21;
	(ifvalue) =	ssetifvalue $0x7FFFFFFF  }
0x8c: {  	v60 =	vadd.s32 $0x284D80, v1;
	[tilespmem:s25], [sflag:$0x1] =	stream.indirect_vreg.gather [hbm4b:s2+s11], $0x1, v3, vm0, $0x4038;
	[tilespmem:$0x1100] =	vst v63  }
0x8d: {  	v3 =	vnsel vm1, $0x7FFFFFFF, v60;
	(ifvalue) =	ssetifvalue $0x7FFFFFFF  }
0x8e: {  	s26 =	sadd.s32 $0x500, s21;
	(ifvalue) =	ssetifvalue $0x7FFFFFFF  }
0x8f: {  	v61 =	vadd.s32 $0x284E00, v1;
	[tilespmem:s26], [sflag:$0x1] =	stream.indirect_vreg.gather [hbm4b:s2+s11], $0x1, v2, vm0, $0x4038;
	[tilespmem:$0x1100] =	vst v63  }
0x90: {  	(ifvalue) =	ssetifvalue $0x7FFFFFFF;
	v2 =	vnsel vm1, $0x7FFFFFFF, v61  }
0x91: {  	s28 =	sadd.s32 $0x580, s21;
	(ifvalue) =	ssetifvalue $0x7FFFFFFF  }
0x92: {  	v62 =	vadd.s32 $0x284E80, v1;
	[tilespmem:s28], [sflag:$0x1] =	stream.indirect_vreg.gather [hbm4b:s2+s11], $0x1, v3, vm0, $0x4038;
	[tilespmem:$0x1100] =	vst v63  }
0x93: {  	v3 =	vnsel vm1, $0x7FFFFFFF, v62;
	(ifvalue) =	ssetifvalue $0x7FFFFFFF  }
0x94: {  	s29 =	sadd.s32 $0x600, s21;
	(ifvalue) =	ssetifvalue $0x7FFFFFFF  }
0x95: {  	v63 =	vadd.s32 $0x284F00, v1;
	[tilespmem:s29], [sflag:$0x1] =	stream.indirect_vreg.gather [hbm4b:s2+s11], $0x1, v2, vm0, $0x4038;
	[tilespmem:$0x1100] =	vst v63  }
0x96: {  	(ifvalue) =	ssetifvalue $0x7FFFFFFF;
	v2 =	vnsel vm1, $0x7FFFFFFF, v63  }
0x97: {  	s31 =	sadd.s32 $0x680, s21;
	(ifvalue) =	ssetifvalue $0x7FFFFFFF  }
0x98: {  	v1 =	vadd.s32 $0x284F80, v1;
	[tilespmem:s31], [sflag:$0x1] =	stream.indirect_vreg.gather [hbm4b:s2+s11], $0x1, v3, vm0, $0x4038;
	[tilespmem:$0x1100] =	vst v63  }
0x99: {  	s20 =	sadd.s32 $0xFFFFFFF0, s20;
	v1 =	vnsel vm1, $0x7FFFFFFF, v1;
	s30 =	sshll.u32 s13, $0xB;
	(ifvalue) =	ssetifvalue $0x7FFFFFFF  }
0x9a: {  	s15 =	sand.u32 $0x800, s30;
	s19 =	sadd.s32 $0x700, s21;
	(ifvalue) =	ssetifvalue $0x7FFFFFFF  }
0x9b: {  	[tilespmem:s19], [sflag:$0x1] =	stream.indirect_vreg.gather [hbm4b:s2+s11], $0x1, v2, vm0, $0x4038;
	[tilespmem:$0x1100] =	vst v63  }
0x9c: {  	s16 =	sor.u32 $0x100, s15;
	s22 =	simm.s32 $0x80;
	(ifvalue) =	ssetifvalue $0x7FFFFFFF  }
0x9d: {  	s23 =	sadd.s32 $0x780, s21;
	s19 =	simm.s32 $0x10;
	(ifvalue) =	ssetifvalue $0x7FFFFFFF  }
.LBB2_3:
0x9e: {  	[tilespmem:s23], [sflag:$0x1] =	stream.indirect_vreg.gather [hbm4b:s2+s11], $0x1, v1, vm0, $0x4038;
	[tilespmem:$0x1100] =	vst v63  }
0x9f: {  	s21 =	smov.u32 s22  }
0xa0: {  	s24 =	sadd.s32 s19, s17;
	s23 =	sshra.s32 s21, $0x2;
	s21 =	sadd.s32 $0x40, s22  }
0xa1: {  	p1 =	sne.s32 s22, $0x1C0;
	v1 =	vld.msk [tilespmem:s24+$0x0 ss:$0x1], $0xffff  }
0xa2: {  	(ifvalue) =	ssetifvalue $0x7FFFFFFF;
	_ =	sdelay $0x3  }
0xa3: {  	vm1 =	vgt.s32 v1, $0x0  }
0xa4: {  	p2 =	sgt.s32 s20, $0x0;
	s22 =	smov.u32 s20;
	v1 =	vnsel vm1, $0x0, v1  }
0xa5: {  	s22 =	simm.s32 @!p2 $0x0;
	v1 =	vmin.u32 v1, $0x5090F  }
0xa6: {  	s22 =	smin.u32 s22, $0x10;
	v2 =	vshll.u32 v1, $0x3  }
0xa7: {  	v3 =	vmov s22;
	v1 =	vand.u32 $0x7F, v1;
	v2 =	vand.u32 $0x3FFC00, v2  }
0xa8: {  	vm1 =	vgt.u32 v3, v0;
	v1 =	vor.u32 v1, v2  }
0xa9: {  	v2 =	vnsel vm1, $0x7FFFFFFF, v1  }
0xaa: {  	v3 =	vor.u32 $0x80, v1;
	v4 =	vor.u32 $0x100, v1;
	v5 =	vor.u32 $0x180, v1  }
0xab: {  	v6 =	vor.u32 $0x200, v1;
	v7 =	vor.u32 $0x280, v1;
	v8 =	vor.u32 $0x300, v1  }
0xac: {  	v9 =	vor.u32 $0x380, v1;
	v10 =	vadd.s32 $0x284C00, v1;
	v11 =	vadd.s32 $0x284C80, v1  }
0xad: {  	v12 =	vadd.s32 $0x284D00, v1;
	v13 =	vadd.s32 $0x284D80, v1;
	v3 =	vnsel vm1, $0x7FFFFFFF, v3  }
0xae: {  	s22 =	sadd.s32 s19, s18;
	s19 =	smov.u32 s23;
	v14 =	vadd.s32 $0x284E00, v1;
	v15 =	vadd.s32 $0x284F00, v1;
	(ifvalue) =	ssetifvalue $0x7FFFFFFF  }
0xaf: {  	[tilespmem:s22], [sflag:$0x1] =	stream.indirect_vreg.gather [hbm4b:s2+s11], $0x1, v2, vm0, $0x4038;
	v2 =	vadd.s32 $0x284E80, v1;
	v1 =	vadd.s32 $0x284F80, v1;
	[tilespmem:$0x1100] =	vst v63  }
0xb0: {  	v4 =	vnsel vm1, $0x7FFFFFFF, v4;
	(ifvalue) =	ssetifvalue $0x7FFFFFFF  }
0xb1: {  	s23 =	sadd.s32 $0x80, s22;
	(ifvalue) =	ssetifvalue $0x7FFFFFFF  }
0xb2: {  	[tilespmem:s23], [sflag:$0x1] =	stream.indirect_vreg.gather [hbm4b:s2+s11], $0x1, v3, vm0, $0x4038;
	[tilespmem:$0x1100] =	vst v63  }
0xb3: {  	v3 =	vnsel vm1, $0x7FFFFFFF, v5;
	(ifvalue) =	ssetifvalue $0x7FFFFFFF  }
0xb4: {  	s23 =	sadd.s32 $0x100, s22;
	(ifvalue) =	ssetifvalue $0x7FFFFFFF  }
0xb5: {  	[tilespmem:s23], [sflag:$0x1] =	stream.indirect_vreg.gather [hbm4b:s2+s11], $0x1, v4, vm0, $0x4038;
	[tilespmem:$0x1100] =	vst v63  }
0xb6: {  	v4 =	vnsel vm1, $0x7FFFFFFF, v6;
	(ifvalue) =	ssetifvalue $0x7FFFFFFF  }
0xb7: {  	s23 =	sadd.s32 $0x180, s22;
	(ifvalue) =	ssetifvalue $0x7FFFFFFF  }
0xb8: {  	[tilespmem:s23], [sflag:$0x1] =	stream.indirect_vreg.gather [hbm4b:s2+s11], $0x1, v3, vm0, $0x4038;
	[tilespmem:$0x1100] =	vst v63  }
0xb9: {  	v3 =	vnsel vm1, $0x7FFFFFFF, v7;
	(ifvalue) =	ssetifvalue $0x7FFFFFFF  }
0xba: {  	s23 =	sadd.s32 $0x200, s22;
	(ifvalue) =	ssetifvalue $0x7FFFFFFF  }
0xbb: {  	[tilespmem:s23], [sflag:$0x1] =	stream.indirect_vreg.gather [hbm4b:s2+s11], $0x1, v4, vm0, $0x4038;
	[tilespmem:$0x1100] =	vst v63  }
0xbc: {  	v4 =	vnsel vm1, $0x7FFFFFFF, v8;
	(ifvalue) =	ssetifvalue $0x7FFFFFFF  }
0xbd: {  	s23 =	sadd.s32 $0x280, s22;
	(ifvalue) =	ssetifvalue $0x7FFFFFFF  }
0xbe: {  	[tilespmem:s23], [sflag:$0x1] =	stream.indirect_vreg.gather [hbm4b:s2+s11], $0x1, v3, vm0, $0x4038;
	[tilespmem:$0x1100] =	vst v63  }
0xbf: {  	v3 =	vnsel vm1, $0x7FFFFFFF, v9;
	(ifvalue) =	ssetifvalue $0x7FFFFFFF  }
0xc0: {  	s23 =	sadd.s32 $0x300, s22;
	(ifvalue) =	ssetifvalue $0x7FFFFFFF  }
0xc1: {  	[tilespmem:s23], [sflag:$0x1] =	stream.indirect_vreg.gather [hbm4b:s2+s11], $0x1, v4, vm0, $0x4038;
	[tilespmem:$0x1100] =	vst v63  }
0xc2: {  	v4 =	vnsel vm1, $0x7FFFFFFF, v10;
	(ifvalue) =	ssetifvalue $0x7FFFFFFF  }
0xc3: {  	s23 =	sadd.s32 $0x380, s22;
	(ifvalue) =	ssetifvalue $0x7FFFFFFF  }
0xc4: {  	[tilespmem:s23], [sflag:$0x1] =	stream.indirect_vreg.gather [hbm4b:s2+s11], $0x1, v3, vm0, $0x4038;
	[tilespmem:$0x1100] =	vst v63  }
0xc5: {  	v3 =	vnsel vm1, $0x7FFFFFFF, v11;
	(ifvalue) =	ssetifvalue $0x7FFFFFFF  }
0xc6: {  	s23 =	sadd.s32 $0x400, s22;
	(ifvalue) =	ssetifvalue $0x7FFFFFFF  }
0xc7: {  	[tilespmem:s23], [sflag:$0x1] =	stream.indirect_vreg.gather [hbm4b:s2+s11], $0x1, v4, vm0, $0x4038;
	[tilespmem:$0x1100] =	vst v63  }
0xc8: {  	v4 =	vnsel vm1, $0x7FFFFFFF, v12;
	(ifvalue) =	ssetifvalue $0x7FFFFFFF  }
0xc9: {  	s23 =	sadd.s32 $0x480, s22;
	(ifvalue) =	ssetifvalue $0x7FFFFFFF  }
0xca: {  	[tilespmem:s23], [sflag:$0x1] =	stream.indirect_vreg.gather [hbm4b:s2+s11], $0x1, v3, vm0, $0x4038;
	[tilespmem:$0x1100] =	vst v63  }
0xcb: {  	v3 =	vnsel vm1, $0x7FFFFFFF, v13;
	(ifvalue) =	ssetifvalue $0x7FFFFFFF  }
0xcc: {  	s23 =	sadd.s32 $0x500, s22;
	(ifvalue) =	ssetifvalue $0x7FFFFFFF  }
0xcd: {  	[tilespmem:s23], [sflag:$0x1] =	stream.indirect_vreg.gather [hbm4b:s2+s11], $0x1, v4, vm0, $0x4038;
	[tilespmem:$0x1100] =	vst v63  }
0xce: {  	v4 =	vnsel vm1, $0x7FFFFFFF, v14;
	(ifvalue) =	ssetifvalue $0x7FFFFFFF  }
0xcf: {  	s23 =	sadd.s32 $0x580, s22;
	(ifvalue) =	ssetifvalue $0x7FFFFFFF  }
0xd0: {  	[tilespmem:s23], [sflag:$0x1] =	stream.indirect_vreg.gather [hbm4b:s2+s11], $0x1, v3, vm0, $0x4038;
	[tilespmem:$0x1100] =	vst v63  }
0xd1: {  	v2 =	vnsel vm1, $0x7FFFFFFF, v2;
	(ifvalue) =	ssetifvalue $0x7FFFFFFF  }
0xd2: {  	s23 =	sadd.s32 $0x600, s22;
	(ifvalue) =	ssetifvalue $0x7FFFFFFF  }
0xd3: {  	[tilespmem:s23], [sflag:$0x1] =	stream.indirect_vreg.gather [hbm4b:s2+s11], $0x1, v4, vm0, $0x4038;
	[tilespmem:$0x1100] =	vst v63  }
0xd4: {  	v3 =	vnsel vm1, $0x7FFFFFFF, v15;
	(ifvalue) =	ssetifvalue $0x7FFFFFFF  }
0xd5: {  	s23 =	sadd.s32 $0x680, s22;
	(ifvalue) =	ssetifvalue $0x7FFFFFFF  }
0xd6: {  	[tilespmem:s23], [sflag:$0x1] =	stream.indirect_vreg.gather [hbm4b:s2+s11], $0x1, v2, vm0, $0x4038;
	[tilespmem:$0x1100] =	vst v63  }
.Ltmp3:
0xd7: {  	v1 =	vnsel vm1, $0x7FFFFFFF, v1;
	(ifvalue) =	ssetifvalue $0x7FFFFFFF;
	(pc) =	sbr.rel @p1 .LBB2_3-.Ltmp3, $4  }
0xd8: {  	s23 =	sadd.s32 $0x700, s22;
	(ifvalue) =	ssetifvalue $0x7FFFFFFF  }
0xd9: {  	[tilespmem:s23], [sflag:$0x1] =	stream.indirect_vreg.gather [hbm4b:s2+s11], $0x1, v3, vm0, $0x4038;
	[tilespmem:$0x1100] =	vst v63  }
0xda: {  	s20 =	sadd.s32 $0xFFFFFFF0, s20;
	(ifvalue) =	ssetifvalue $0x7FFFFFFF  }
0xdb: {  	s23 =	sadd.s32 $0x780, s22;
	s22 =	smov.u32 s21;
	(ifvalue) =	ssetifvalue $0x7FFFFFFF  }
.Ltmp4:
0xdc: {  	_ = 	snop;
	(pc) =	sbr.rel .LBB2_4-.Ltmp4, $1  }
0xdd: {  	_ =	sdelay $0x3  }
.LBB2_6:
0xde: {  	_ =	sfence.sel $0x180000  }
0xdf: {  	s2 =	simm.s32 $0x2;
	[bflag:$0x0] =	sbarrier.arrive $0xFFFF  }
0xe0: {  	s30 =	simm.s32 $0x3;
	[sflag:s2] =	ssyncpa.u1 $0x1  }
0xe1: {  	s31 =	simm.s32 $0x1;
	[sflag:s30] =	ssyncpa.u1 $0x1  }
0xe2: {  	[sflag:s31] =	ssyncpa.u1 $0x1  }
0xe3: {  	p0 =	sne.s32 s1, $0x0;
	_ =	strace $0x9000004A  }
0xe4: {  	s0 =	sadd.s32 @!p0 $0x100000, s0;
	[bflag:$0x2] =	sbarrier.arrive $0xFFFF  }
0xe5: {  	[sflag:s0] =	ssyncadd.tile.s32 @!p0 $0x1;
	_ =	shalt  }
.Lfunc_end2:
_tile_overlayer_lowered:
.L_overlay_start_2:
0xe6: {  	(tag) =	ssettag $0x2  }
0xe7: {  	s0 =	rddreg [dreg:$0x0];
	s2 =	stileid.u32  }
0xe8: {  	s1 =	rddreg [dreg:$0x1];
	p0 =	sne.s32 s2, $0x0  }
0xe9: {  	s3 =	rddreg [dreg:$0x2];
	[bflag:$0x3] =	sbarrier.arrive $0xFFFF;
	s2 =	simm.s32 @!p0 $0x1C01  }
0xea: {  	[timem:s3], [sflag:s2] =	dma.local @!p0 [hbm:s0], s1  }
0xeb: {  	s0 =	simm.s32 @!p0 $0x1  }
0xec: {  	_ =	swait.ge @!p0 [sflag:s0], s1  }
0xed: {  	s1 =	ssub.s32 @!p0 $0x0, s1;
	[sflag:s0] =	ssyncset.done @!p0 $0x0  }
0xee: {  	[sflag:s0] =	ssyncadd.s32 @!p0 s1  }
0xef: {  	[bflag:$0x3] =	sbarrier.arrive $0xFFFF  }
0xf0: {  	_ =	shalt  }

// kernel: gather_offload_async_start.3
scs
__scs_entry_jumppad:
0x0: {  	(pc) =	sbr.rel $0x88, $3  }
0x1: {  	(tag) =	ssettag $0x0;
	lr =	simm.s32 $0x1  }
0x2: {  	[smem:$0x3F9B] =	sst lr;
	_ =	strace $0xD0000000  }
0x3: {  	_ = 	snop  }
0x4: {  	_ = 	snop  }
0x5: {  	_ = 	snop  }
0x6: {  	_ = 	snop  }
0x7: {  	_ = 	snop  }
__scs_overlays_trampoline_lowered:
0x8: {  	[smem:$0x3FAA] =	sst s0  }
0x9: {  	[smem:$0x3FAB] =	sst s1  }
0xa: {  	[smem:$0x3FAC] =	sst s2  }
0xb: {  	[smem:$0x3FAD] =	sst s3  }
0xc: {  	[smem:$0x3FAE] =	sst s4  }
0xd: {  	[smem:$0x3FAF] =	sst s5  }
0xe: {  	[smem:$0x3FB0] =	sst s6  }
0xf: {  	[smem:$0x3FB1] =	sst s7  }
0x10: {  	[smem:$0x3FB2] =	sst s8  }
0x11: {  	[smem:$0x3FB3] =	sst s9;
	s0 =	simm.s32 @!p0 $0x0  }
0x12: {  	s1 =	sld [smem:$0x3F99];
	s0 =	simm.s32 @p0 $0x1  }
0x13: {  	[smem:$0x3FB4] =	sst s0;
	s0 =	simm.s32 @!p1 $0x0  }
0x14: {  	s2 =	sld [smem:$0x3F98];
	s0 =	simm.s32 @p1 $0x1  }
0x15: {  	[smem:$0x3FB5] =	sst s0;
	s0 =	simm.s32 @!p2 $0x0  }
0x16: {  	s3 =	sld [smem:$0x3FDB];
	s0 =	simm.s32 @p2 $0x1  }
0x17: {  	s4 =	simm.s32 $0x1BF5;
	[smem:$0x3FB7] =	sst s0  }
0x18: {  	s0 =	sld [smem:$0x3F9A];
	_ =	swait.ge [sflag:s4], $0x0  }
0x19: {  	s7 =	sld [smem:$0x3F9B]  }
0x1a: {  	s8 =	sadd.s32 $0xFFFFE003, lr  }
0x1b: {  	s9 =	sadd.s32 $0xFFFFFEF7, lr;
	s5 =	simm.s32 $0xFFFFFFFF;
	p2 =	slt.u32 s8, $0xFFFFF086  }
0x1c: {  	p1 =	slt.u32 s9, $0xF7A;
	s5 =	simm.s32 @!p2 $0x0  }
0x1d: {  	s5 =	simm.s32 @p1 $0x1;
	p0 =	seq.s32 s7, s2  }
0x1e: {  	s7 =	smul.u32 @!p0 $0xF7A, s2;
	p2 =	seq.s32 @!p0 s5, $0x0  }
0x1f: {  	s9 =	smul.u32 $0xF7A, s1;
	s8 =	simm.s32 @!p0 $0x1BF5;
	p2 =	por !p2, p0  }
0x20: {  	[sflag:s8] =	ssyncset.s32 @!p0 $0xFFFFF086;
	s6 =	sadd.s32 @!p0 s3, s7;
	s7 =	simm.s32 @!p0 $0x108  }
0x21: {  	s3 =	sadd.s32 s3, s9;
	s6 =	sadd.s32 @!p0 $0x88, s6;
	s7 =	simm.s32 @p2 $0x1082  }
0x22: {  	[simem:s7], [sflag:s8] =	dma.local @!p0 [hbm:s6], $0xF7A  }
0x23: {  	s9 =	sor.u32 $0xD0000000, s2;
	s6 =	simm.s32 $0x108;
	_ =	swait.ge @!p0 [sflag:s8], $0x0  }
0x24: {  	s3 =	sadd.s32 $0x88, s3;
	s6 =	simm.s32 @!p1 $0x1082;
	[sflag:s4] =	ssyncset.s32 $0xFFFFF086  }
0x25: {  	[simem:s6], [sflag:s4] =	dma.local [hbm:s3], $0xF7A  }
0x26: {  	[smem:$0x3F9B] =	sst s1;
	(tag) =	ssettag s2;
	_ =	strace s9  }
0x27: {  	s1 =	sld [smem:$0x3FAB]  }
0x28: {  	s2 =	sld [smem:$0x3FAC]  }
0x29: {  	s4 =	sld [smem:$0x3FAE]  }
0x2a: {  	p0 =	seq.s32 s5, $0x0;
	s5 =	sld [smem:$0x3FAF]  }
0x2b: {  	s6 =	sld [smem:$0x3FB0]  }
0x2c: {  	s7 =	sld [smem:$0x3FB1]  }
0x2d: {  	s3 =	simm.s32 $0x108;
	s8 =	sld [smem:$0x3FB2]  }
0x2e: {  	s3 =	simm.s32 @!p0 $0x1082;
	s9 =	sld [smem:$0x3FB3]  }
0x2f: {  	lr =	sadd.s32 s0, s3;
	s0 =	sld [smem:$0x3FAA]  }
0x30: {  	s3 =	sld [smem:$0x3FAD]  }
0x31: {  	[smem:$0x3FB6] =	sst s10  }
0x32: {  	s10 =	sld [smem:$0x3FB4];
	_ =	sdelay $0x3  }
0x33: {  	p0 =	seq.s32 s10, $0x1;
	s10 =	sld [smem:$0x3FB6];
	_ =	sdelay $0x3  }
0x34: {  	[smem:$0x3FB6] =	sst s10  }
0x35: {  	s10 =	sld [smem:$0x3FB5];
	_ =	sdelay $0x3  }
0x36: {  	p1 =	seq.s32 s10, $0x1;
	s10 =	sld [smem:$0x3FB6];
	_ =	sdelay $0x3  }
0x37: {  	[smem:$0x3FB6] =	sst s10  }
0x38: {  	s10 =	sld [smem:$0x3FB7]  }
0x39: {  	_ = 	snop;
	(pc) =	sbr.ind lr, $3  }
0x3a: {  	_ = 	snop  }
0x3b: {  	_ = 	snop  }
0x3c: {  	p2 =	seq.s32 s10, $0x1;
	s10 =	sld [smem:$0x3FB6]  }
0x3d: {  	_ =	shalt  }
0x3e: {  	_ =	shalt  }
0x3f: {  	_ =	shalt  }
0x40: {  	_ =	shalt  }
0x41: {  	_ =	shalt  }
0x42: {  	_ =	shalt  }
0x43: {  	_ =	shalt  }
0x44: {  	_ =	shalt  }
0x45: {  	_ =	shalt  }
0x46: {  	_ =	shalt  }
0x47: {  	_ =	shalt  }
0x48: {  	_ =	shalt  }
0x49: {  	_ =	shalt  }
0x4a: {  	_ =	shalt  }
0x4b: {  	_ =	shalt  }
0x4c: {  	_ =	shalt  }
0x4d: {  	_ =	shalt  }
0x4e: {  	_ =	shalt  }
0x4f: {  	_ =	shalt  }
0x50: {  	_ =	shalt  }
0x51: {  	_ =	shalt  }
0x52: {  	_ =	shalt  }
0x53: {  	_ =	shalt  }
0x54: {  	_ =	shalt  }
0x55: {  	_ =	shalt  }
0x56: {  	_ =	shalt  }
0x57: {  	_ =	shalt  }
0x58: {  	_ =	shalt  }
0x59: {  	_ =	shalt  }
0x5a: {  	_ =	shalt  }
0x5b: {  	_ =	shalt  }
0x5c: {  	_ =	shalt  }
0x5d: {  	_ =	shalt  }
0x5e: {  	_ =	shalt  }
0x5f: {  	_ =	shalt  }
0x60: {  	_ =	shalt  }
0x61: {  	_ =	shalt  }
0x62: {  	_ =	shalt  }
0x63: {  	_ =	shalt  }
0x64: {  	_ =	shalt  }
0x65: {  	_ =	shalt  }
0x66: {  	_ =	shalt  }
0x67: {  	_ =	shalt  }
0x68: {  	_ =	shalt  }
0x69: {  	_ =	shalt  }
0x6a: {  	_ =	shalt  }
0x6b: {  	_ =	shalt  }
0x6c: {  	_ =	shalt  }
0x6d: {  	_ =	shalt  }
0x6e: {  	_ =	shalt  }
0x6f: {  	_ =	shalt  }
0x70: {  	_ =	shalt  }
0x71: {  	_ =	shalt  }
0x72: {  	_ =	shalt  }
0x73: {  	_ =	shalt  }
0x74: {  	_ =	shalt  }
0x75: {  	_ =	shalt  }
0x76: {  	_ =	shalt  }
0x77: {  	_ =	shalt  }
0x78: {  	_ =	shalt  }
0x79: {  	_ =	shalt  }
0x7a: {  	_ =	shalt  }
0x7b: {  	_ =	shalt  }
0x7c: {  	_ =	shalt  }
0x7d: {  	_ =	shalt  }
0x7e: {  	_ =	shalt  }
0x7f: {  	_ =	shalt  }
0x80: {  	_ =	shalt  }
0x81: {  	_ =	shalt  }
0x82: {  	_ =	shalt  }
0x83: {  	_ =	shalt  }
0x84: {  	_ =	shalt  }
0x85: {  	_ =	shalt  }
0x86: {  	_ =	shalt  }
0x87: {  	_ =	shalt  }
.Lfunc_end0:
.L_simem_size_0:
called_computation.6_lowered:
.L_overlay_start_0:
0x88: {  	s0 =	sld [smem:$0x3FD9]  }
0x89: {  	s1 =	sld [smem:$0x3FFE];
	_ =	sdelay $0x3  }
0x8a: {  	s0 =	sadd.s32 s1, s0  }
0x8b: {  	[smem:$0x3FC2] =	sst s0  }
0x8c: {  	_ = 	snop  }
0x8d: {  	(tm) =	ssettm $0x1  }
0x8e: {  	s15 =	sld [smem:$0x3FFB];
	_ =	sdelay $0x3  }
0x8f: {  	_ =	strace s15  }
0x90: {  	s0 =	sld [smem:$0x3FFC];
	_ =	sdelay $0x3  }
0x91: {  	_ =	strace s0  }
0x92: {  	s0 =	sld [smem:$0x3FFD];
	_ =	sdelay $0x3  }
0x93: {  	_ =	strace s0  }
0x94: {  	_ =	strace $0x8FFFFFFF  }
0x95: {  	s16 =	sld [smem:$0x3FDB];
	_ =	sdelay $0x1  }
0x96: {  	s17 =	simm.s32 $_scs_section_size  }
0x97: {  	s2 =	simm.s32 $_size__tile_overlayer_lowered;
	s3 =	simm.s32 $_tile_overlayer_lowered  }
0x98: {  	s20 =	simm.s32 $0x1BFF;
	s19 =	sshll.u32 s3, $0x1;
	s0 =	sadd.s32 s17, s16  }
0x99: {  	s4 =	simm.s32 $0x0;
	s18 =	sshll.u32 s2, $0x1;
	s2 =	sadd.s32 s19, s0  }
0x9a: {  	[timem:s4], [sflag:s20] =	dma.local [hbm:s2], s18  }
0x9b: {  	_ =	swait.ge [sflag:s20], s18  }
0x9c: {  	s1 =	ssub.s32 $0x0, s18;
	[sflag:s20] =	ssyncset.done $0x0  }
0x9d: {  	[sflag:s20] =	ssyncadd.s32 s1;
	_ =	sdelay $0x1  }
0x9e: {  	s21 =	simm.s32 $0x1B8B  }
0x9f: {  	_ =	swait.ge [sflag:s21], $0x1  }
0xa0: {  	[sflag:s21] =	ssyncset.done $0x0  }
0xa1: {  	s23 =	simm.s32 $0x1B8E;
	s22 =	sld [smem:$0x3FFE];
	[sflag:s21] =	ssyncadd.s32 $0xFFFFFFFF  }
0xa2: {  	s24 =	simm.s32 $execute0_lowered;
	[smem:$0x3FD2] =	sst s23  }
0xa3: {  	s2 =	sshll.u32 s24, $0x1;
	_ =	strace $0x80000055;
	[dreg:$0x1] =	wrdreg $0xFFFFFFFF  }
0xa4: {  	s25 =	simm.s32 $_size_execute0_lowered;
	s0 =	sadd.s32 s0, s2;
	[dreg:$0x0] =	wrdreg $0x0  }
0xa5: {  	s2 =	sshll.u32 s25, $0x1;
	[dreg:$0x2] =	wrdreg s0  }
0xa6: {  	[dreg:$0x3] =	wrdreg s2  }
0xa7: {  	[dreg:$0x4] =	wrdreg $0xC0  }
0xa8: {  	_ =	task [dreg:s4], $0x5FFFF  }
0xa9: {  	[dreg:$0x1] =	wrdreg $0xFFFFFFFF  }
0xaa: {  	[dreg:$0x0] =	wrdreg $0x60  }
0xab: {  	[dreg:$0x2] =	wrdreg s22  }
0xac: {  	[dreg:$0x3] =	wrdreg $0x9  }
0xad: {  	_ =	task.clear_ibuf [dreg:s4], $0x4FFFF;
	_ =	strace $0x90000055  }
0xae: {  	s26 =	simm.s32 $0x9;
	_ =	strace $0x80000057  }
0xaf: {  	_ =	swait.ge [sflag:s26], $0x1  }
0xb0: {  	[sflag:s26] =	ssyncadd.s32 $0xFFFFFFFF  }
0xb1: {  	_ =	strace $0x90000057  }
0xb2: {  	_ =	sfence  }
0xb3: {  	s28 =	sld [smem:$0x0];
	_ =	sdelay $0x1  }
0xb4: {  	s29 =	srdreg.scid  }
0xb5: {  	s30 =	sshll.u32 s29, $0xD;
	s31 =	sshrl.u32 s29, $0x2  }
0xb6: {  	s1 =	sand.u32 $0x1, s29;
	s2 =	sand.u32 $0x4000, s30;
	s0 =	sadd.s32 s31, s28  }
0xb7: {  	s1 =	sor.u32 s2, s1;
	s0 =	sshll.u32 s0, $0x11  }
0xb8: {  	s0 =	sor.u32 s0, s1  }
0xb9: {  	s0 =	sadd.s32 $0x8F2B, s0  }
0xba: {  	[sflag:s0] =	ssyncadd.remote.s32 $0x1  }
0xbb: {  	_ =	sfence.sel $0xFFFF  }
0xbc: {  	[dreg:$0x0] =	wrdreg $0xFFFFFFFF;
	(pc) =	sbr.abs _section_cstart, $3  }
0xbd: {  	[dreg:$0x1] =	wrdreg $0xFFFFFFFF  }
0xbe: {  	_ =	task.clear_ibuf [dreg:s4], $0x2FFFF;
	_ =	strace $0x9FFFFFFF  }
0xbf: {  	(tm) =	ssettm $0x7FFFFFFF  }
tec
execute0_lowered:
.L_overlay_start_1:
0x0: {  	(tag) =	ssettag $0x1  }
0x1: {  	s0 =	stileid.u32  }
0x2: {  	s1 =	smin.u32 s0, $0x9  }
0x3: {  	s1 =	sadd.s32 s0, s1  }
0x4: {  	s2 =	simm.s32 $0x320;
	p0 =	slt.u32 s0, $0x9;
	s1 =	smul.u32 $0x190, s1  }
0x5: {  	s2 =	simm.s32 @!p0 $0x190  }
0x6: {  	s2 =	sadd.s32 s2, s1  }
0x7: {  	s3 =	smin.u32 s2, $0x2710  }
0x8: {  	s7 =	ssub.s32 s3, s1  }
0x9: {  	p0 =	sgt.s32 s7, $0x0  }
0xa: {  	s7 =	simm.s32 @!p0 $0x0  }
0xb: {  	s31 =	sand.u32 $0xFFF0, s7  }
0xc: {  	s2 =	sshrl.u32 s31, $0x4  }
0xd: {  	s2 =	smul.u32 $0xA3E, s2  }
0xe: {  	s9 =	rddreg [dreg:$0x0];
	s6 =	simm.s32 $0x1;
	s11 =	simm.s32 $0x3  }
0xf: {  	s13 =	simm.s32 $0x0;
	s12 =	simm.s32 $0x0;
	s8 =	sshrl.u32 s2, $0x10  }
0x10: {  	s4 =	sadd.s32 $0x1E400, s9;
	s5 =	sadd.s32 $0xAC00, s9;
	s10 =	smul.u32 $0x190, s8  }
.Ltmp0:
0x11: {  	s9 =	sadd.s32 $0x527600, s9;
	s2 =	rddreg [dreg:$0x1];
	(pc) =	sbr.rel .LBB2_1-.Ltmp0, $4  }
0x12: {  	_ =	strace $0x80000056;
	p0 =	sne.s32 s7, s10;
	s10 =	simm.s32 $0x1  }
0x13: {  	[sflag:s6] =	ssyncpa.u1 $0x0;
	s7 =	simm.s32 $0x2;
	s10 =	simm.s32 @!p0 $0x0  }
0x14: {  	[sflag:s7] =	ssyncpa.u1 $0x0;
	p0 =	por $0x0, $0x0;
	s8 =	sadd.s32 s8, s10  }
0x15: {  	vm0 =	vmmov $0xff;
	vm1 =	vcmask $0x3F20;
	[sflag:s11] =	ssyncpa.u1 $0x0;
	s11 =	smov.u32 s1;
	s10 =	sadd.s32 $0x1, s8  }
.LBB2_6:
0x16: {  	[hbm:s17] =	stream.linear.scatter [tilespmem:s14], [sflag:$0x3], $0x400, $0x38;
	[tilespmem:$0x19320] =	vst v63  }
.LBB2_7:
0x17: {  	s13 =	sadd.s32 $0x190, s11  }
0x18: {  	s15 =	smov.u32 s1;
	p2 =	slt.s32 s13, s3  }
0x19: {  	s15 =	smov.u32 @p2 s13;
	p2 =	sne.s32 s12, s10  }
.Ltmp1:
0x1a: {  	p1 =	slt.u32 s12, $0x2;
	(pc) =	sbr.rel @!p2 .LBB2_8-.Ltmp1, $4  }
0x1b: {  	s14 =	simm.s32 @!p1 $0x3  }
0x1c: {  	s16 =	sadd.s32 $0x1, s12;
	_ =	swait.ge @!p1 [sflag:s14], $0xC800  }
0x1d: {  	p0 =	por !p0, !p0;
	s13 =	smov.u32 s11;
	[sflag:s14] =	ssyncset.done @!p1 $0x0  }
0x1e: {  	s12 =	smov.u32 s16;
	s11 =	smov.u32 s15;
	[sflag:s14] =	ssyncadd.s32 @!p1 $0xFFFF3800  }
.LBB2_1:
0x1f: {  	p1 =	sge.u32 s12, s8  }
0x20: {  	s14 =	sxor.u32 @!p1 $0xFFFFFFFF, s12  }
0x21: {  	s14 =	sand.u32 @!p1 $0x1, s14  }
0x22: {  	s14 =	smul.u32 @!p1 $0x640, s14  }
0x23: {  	s31 =	sadd.s32 $0xFFFFFFFF, s12;
	s15 =	sshrl.u32 @!p1 s11, $0x3  }
0x24: {  	s16 =	sand.u32 @!p1 $0x7, s11;
	s15 =	sadd.s32 @!p1 s5, s15;
	s14 =	sshrl.u32 @!p1 s14, $0x2  }
0x25: {  	[tilespmem:s14], [sflag:$0x2] =	stream.linear.gather @!p1 [hbm4b:s15+s16], $0x190, $0x38;
	[tilespmem:$0x19320] =	vst v63  }
0x26: {  	p1 =	sge.u32 s31, s8  }
.Ltmp2:
0x27: {  	_ = 	snop;
	(pc) =	sbr.rel @p1 .LBB2_7-.Ltmp2, $1  }
0x28: {  	_ =	sdelay $0x3  }
0x29: {  	s14 =	simm.s32 $0x1  }
0x2a: {  	s14 =	simm.s32 @!p0 $0x0  }
0x2b: {  	s15 =	smul.u32 $0x640, s14  }
0x2c: {  	_ =	swait.ge [sflag:s7], $0x190  }
0x2d: {  	[sflag:s7] =	ssyncset.done $0x0;
	s16 =	sshrl.u32 s15, $0x2  }
0x2e: {  	[sflag:s7] =	ssyncadd.s32 $0xFFFFFE70;
	s15 =	sadd.s32 $0x0, s16  }
0x2f: {  	v0 =	vld.msk [tilespmem:s15+$0x0 ss:$0x1], $0xffff;
	_ =	sdelay $0x4  }
0x30: {  	vm2 =	vgt.s32 v0, $0x0  }
0x31: {  	v0 =	vnsel vm2, $0x0, v0  }
0x32: {  	v0 =	vmin.u32 v0, $0x5090F  }
0x33: {  	v0 =	vshll.u32 v0, $0x4  }
0x34: {  	s14 =	smul.u32 $0x32000, s14;
	_ =	sdelay $0x1  }
0x35: {  	s14 =	sshrl.u32 s14, $0x2  }
0x36: {  	s14 =	sor.u32 $0x320, s14  }
0x37: {  	[tilespmem:s14], [sflag:$0x1] =	stream.indirect_vreg.gather [hbm:s4], $0x80, v0, vm0, $0x38;
	[tilespmem:$0x19320] =	vst v63  }
0x38: {  	s17 =	sadd.s32 $0x10, s16;
	s15 =	sadd.s32 $0x400, s14  }
0x39: {  	[tilespmem:s15], [sflag:$0x1] =	stream.indirect_vreg.gather [hbm:s4], $0x80, v0, vm1, $0x38;
	[tilespmem:$0x19320] =	vst v63  }
0x3a: {  	s18 =	simm.s32 $0x80;
	v0 =	vld.msk [tilespmem:s17+$0x0 ss:$0x1], $0xffff;
	s17 =	smov.u32 s14  }
.LBB2_3:
0x3b: {  	p1 =	sne.s32 s18, $0x600;
	_ =	sdelay $0x4  }
0x3c: {  	vm2 =	vgt.s32 v0, $0x0  }
0x3d: {  	v0 =	vnsel vm2, $0x0, v0  }
0x3e: {  	v0 =	vmin.u32 v0, $0x5090F  }
0x3f: {  	v0 =	vshll.u32 v0, $0x4;
	_ =	sdelay $0x3  }
.Ltmp3:
0x40: {  	s19 =	sshra.s32 s18, $0x2;
	s17 =	sadd.s32 $0x800, s17;
	(pc) =	sbr.rel @p1 .LBB2_3-.Ltmp3, $4  }
0x41: {  	[tilespmem:s17], [sflag:$0x1] =	stream.indirect_vreg.gather [hbm:s4], $0x80, v0, vm0, $0x38;
	[tilespmem:$0x19320] =	vst v63  }
0x42: {  	s19 =	sadd.s32 s19, s16;
	s20 =	sadd.s32 $0x400, s17  }
0x43: {  	[tilespmem:s20], [sflag:$0x1] =	stream.indirect_vreg.gather [hbm:s4], $0x80, v0, vm1, $0x38;
	[tilespmem:$0x19320] =	vst v63  }
0x44: {  	s18 =	sadd.s32 $0x40, s18;
	v0 =	vld.msk [tilespmem:s19+$0x0 ss:$0x1], $0xffff  }
0x45: {  	_ =	sdelay $0x3  }
0x46: {  	vm2 =	vgt.s32 v0, $0x0  }
0x47: {  	v0 =	vnsel vm2, $0x0, v0  }
0x48: {  	v0 =	vmin.u32 v0, $0x5090F  }
0x49: {  	v0 =	vshll.u32 v0, $0x4;
	_ =	sdelay $0x3  }
0x4a: {  	s16 =	sadd.s32 $0x800, s17  }
0x4b: {  	[tilespmem:s16], [sflag:$0x1] =	stream.indirect_vreg.gather [hbm:s4], $0x80, v0, vm0, $0x38;
	[tilespmem:$0x19320] =	vst v63  }
0x4c: {  	s16 =	sadd.s32 $0x400, s16  }
0x4d: {  	[tilespmem:s16], [sflag:$0x1] =	stream.indirect_vreg.gather [hbm:s4], $0x80, v0, vm1, $0x38;
	[tilespmem:$0x19320] =	vst v63  }
0x4e: {  	s13 =	sshll.u32 s13, $0x4;
	_ =	swait.ge [sflag:s6], $0xC800  }
0x4f: {  	s13 =	sadd.s32 s13, s9;
	[sflag:s6] =	ssyncset.done $0x0  }
0x50: {  	s17 =	sadd.s32 $0x0, s13;
	s16 =	simm.s32 $0x80;
	[sflag:s6] =	ssyncadd.s32 $0xFFFF3800  }
.LBB2_5:
0x51: {  	[hbm:s17] =	stream.linear.scatter [tilespmem:s14], [sflag:$0x3], $0x400, $0x38;
	[tilespmem:$0x19320] =	vst v63  }
0x52: {  	s17 =	smov.u32 s16;
	s14 =	smov.u32 s15;
	p1 =	sne.s32 s16, $0x1880  }
.Ltmp4:
0x53: {  	s16 =	sadd.s32 $0x80, s16;
	(pc) =	sbr.rel @p1 .LBB2_5-.Ltmp4, $2  }
0x54: {  	_ =	sdelay $0x2  }
0x55: {  	s15 =	sadd.s32 $0x400, s15;
	s17 =	sadd.s32 s17, s13  }
.Ltmp5:
0x56: {  	_ = 	snop;
	(pc) =	sbr.rel .LBB2_6-.Ltmp5, $1  }
0x57: {  	_ =	sdelay $0x3  }
.LBB2_8:
0x58: {  	_ =	sfence.sel $0x180000  }
0x59: {  	s1 =	simm.s32 $0x2;
	[bflag:$0x0] =	sbarrier.arrive $0xFFFF  }
0x5a: {  	s30 =	simm.s32 $0x3;
	[sflag:s1] =	ssyncpa.u1 $0x1  }
0x5b: {  	s31 =	simm.s32 $0x1;
	[sflag:s30] =	ssyncpa.u1 $0x1  }
0x5c: {  	[sflag:s31] =	ssyncpa.u1 $0x1  }
0x5d: {  	p0 =	sne.s32 s0, $0x0;
	_ =	strace $0x90000056  }
0x5e: {  	s0 =	sadd.s32 @!p0 $0x100000, s2;
	[bflag:$0x2] =	sbarrier.arrive $0xFFFF  }
0x5f: {  	[sflag:s0] =	ssyncadd.tile.s32 @!p0 $0x1;
	_ =	shalt  }
.Lfunc_end2:
_tile_overlayer_lowered:
.L_overlay_start_2:
0x60: {  	(tag) =	ssettag $0x2  }
0x61: {  	s0 =	rddreg [dreg:$0x0];
	s2 =	stileid.u32  }
0x62: {  	s1 =	rddreg [dreg:$0x1];
	p0 =	sne.s32 s2, $0x0  }
0x63: {  	s3 =	rddreg [dreg:$0x2];
	[bflag:$0x3] =	sbarrier.arrive $0xFFFF;
	s2 =	simm.s32 @!p0 $0x1C01  }
0x64: {  	[timem:s3], [sflag:s2] =	dma.local @!p0 [hbm:s0], s1  }
0x65: {  	s0 =	simm.s32 @!p0 $0x1  }
0x66: {  	_ =	swait.ge @!p0 [sflag:s0], s1  }
0x67: {  	s1 =	ssub.s32 @!p0 $0x0, s1;
	[sflag:s0] =	ssyncset.done @!p0 $0x0  }
0x68: {  	[sflag:s0] =	ssyncadd.s32 @!p0 s1  }
0x69: {  	[bflag:$0x3] =	sbarrier.arrive $0xFFFF  }
0x6a: {  	_ =	shalt  }

// kernel: gather_offload_async_start.4
scs
__scs_entry_jumppad:
0x0: {  	(pc) =	sbr.rel $0x88, $3  }
0x1: {  	(tag) =	ssettag $0x0;
	lr =	simm.s32 $0x1  }
0x2: {  	[smem:$0x3F9B] =	sst lr;
	_ =	strace $0xD0000000  }
0x3: {  	_ = 	snop  }
0x4: {  	_ = 	snop  }
0x5: {  	_ = 	snop  }
0x6: {  	_ = 	snop  }
0x7: {  	_ = 	snop  }
__scs_overlays_trampoline_lowered:
0x8: {  	[smem:$0x3FAA] =	sst s0  }
0x9: {  	[smem:$0x3FAB] =	sst s1  }
0xa: {  	[smem:$0x3FAC] =	sst s2  }
0xb: {  	[smem:$0x3FAD] =	sst s3  }
0xc: {  	[smem:$0x3FAE] =	sst s4  }
0xd: {  	[smem:$0x3FAF] =	sst s5  }
0xe: {  	[smem:$0x3FB0] =	sst s6  }
0xf: {  	[smem:$0x3FB1] =	sst s7  }
0x10: {  	[smem:$0x3FB2] =	sst s8  }
0x11: {  	[smem:$0x3FB3] =	sst s9;
	s0 =	simm.s32 @!p0 $0x0  }
0x12: {  	s1 =	sld [smem:$0x3F99];
	s0 =	simm.s32 @p0 $0x1  }
0x13: {  	[smem:$0x3FB4] =	sst s0;
	s0 =	simm.s32 @!p1 $0x0  }
0x14: {  	s2 =	sld [smem:$0x3F98];
	s0 =	simm.s32 @p1 $0x1  }
0x15: {  	[smem:$0x3FB5] =	sst s0;
	s0 =	simm.s32 @!p2 $0x0  }
0x16: {  	s3 =	sld [smem:$0x3FDB];
	s0 =	simm.s32 @p2 $0x1  }
0x17: {  	s4 =	simm.s32 $0x1BF5;
	[smem:$0x3FB7] =	sst s0  }
0x18: {  	s0 =	sld [smem:$0x3F9A];
	_ =	swait.ge [sflag:s4], $0x0  }
0x19: {  	s7 =	sld [smem:$0x3F9B]  }
0x1a: {  	s8 =	sadd.s32 $0xFFFFE003, lr  }
0x1b: {  	s9 =	sadd.s32 $0xFFFFFEF7, lr;
	s5 =	simm.s32 $0xFFFFFFFF;
	p2 =	slt.u32 s8, $0xFFFFF086  }
0x1c: {  	p1 =	slt.u32 s9, $0xF7A;
	s5 =	simm.s32 @!p2 $0x0  }
0x1d: {  	s5 =	simm.s32 @p1 $0x1;
	p0 =	seq.s32 s7, s2  }
0x1e: {  	s7 =	smul.u32 @!p0 $0xF7A, s2;
	p2 =	seq.s32 @!p0 s5, $0x0  }
0x1f: {  	s9 =	smul.u32 $0xF7A, s1;
	s8 =	simm.s32 @!p0 $0x1BF5;
	p2 =	por !p2, p0  }
0x20: {  	[sflag:s8] =	ssyncset.s32 @!p0 $0xFFFFF086;
	s6 =	sadd.s32 @!p0 s3, s7;
	s7 =	simm.s32 @!p0 $0x108  }
0x21: {  	s3 =	sadd.s32 s3, s9;
	s6 =	sadd.s32 @!p0 $0x88, s6;
	s7 =	simm.s32 @p2 $0x1082  }
0x22: {  	[simem:s7], [sflag:s8] =	dma.local @!p0 [hbm:s6], $0xF7A  }
0x23: {  	s9 =	sor.u32 $0xD0000000, s2;
	s6 =	simm.s32 $0x108;
	_ =	swait.ge @!p0 [sflag:s8], $0x0  }
0x24: {  	s3 =	sadd.s32 $0x88, s3;
	s6 =	simm.s32 @!p1 $0x1082;
	[sflag:s4] =	ssyncset.s32 $0xFFFFF086  }
0x25: {  	[simem:s6], [sflag:s4] =	dma.local [hbm:s3], $0xF7A  }
0x26: {  	[smem:$0x3F9B] =	sst s1;
	(tag) =	ssettag s2;
	_ =	strace s9  }
0x27: {  	s1 =	sld [smem:$0x3FAB]  }
0x28: {  	s2 =	sld [smem:$0x3FAC]  }
0x29: {  	s4 =	sld [smem:$0x3FAE]  }
0x2a: {  	p0 =	seq.s32 s5, $0x0;
	s5 =	sld [smem:$0x3FAF]  }
0x2b: {  	s6 =	sld [smem:$0x3FB0]  }
0x2c: {  	s7 =	sld [smem:$0x3FB1]  }
0x2d: {  	s3 =	simm.s32 $0x108;
	s8 =	sld [smem:$0x3FB2]  }
0x2e: {  	s3 =	simm.s32 @!p0 $0x1082;
	s9 =	sld [smem:$0x3FB3]  }
0x2f: {  	lr =	sadd.s32 s0, s3;
	s0 =	sld [smem:$0x3FAA]  }
0x30: {  	s3 =	sld [smem:$0x3FAD]  }
0x31: {  	[smem:$0x3FB6] =	sst s10  }
0x32: {  	s10 =	sld [smem:$0x3FB4];
	_ =	sdelay $0x3  }
0x33: {  	p0 =	seq.s32 s10, $0x1;
	s10 =	sld [smem:$0x3FB6];
	_ =	sdelay $0x3  }
0x34: {  	[smem:$0x3FB6] =	sst s10  }
0x35: {  	s10 =	sld [smem:$0x3FB5];
	_ =	sdelay $0x3  }
0x36: {  	p1 =	seq.s32 s10, $0x1;
	s10 =	sld [smem:$0x3FB6];
	_ =	sdelay $0x3  }
0x37: {  	[smem:$0x3FB6] =	sst s10  }
0x38: {  	s10 =	sld [smem:$0x3FB7]  }
0x39: {  	_ = 	snop;
	(pc) =	sbr.ind lr, $3  }
0x3a: {  	_ = 	snop  }
0x3b: {  	_ = 	snop  }
0x3c: {  	p2 =	seq.s32 s10, $0x1;
	s10 =	sld [smem:$0x3FB6]  }
0x3d: {  	_ =	shalt  }
0x3e: {  	_ =	shalt  }
0x3f: {  	_ =	shalt  }
0x40: {  	_ =	shalt  }
0x41: {  	_ =	shalt  }
0x42: {  	_ =	shalt  }
0x43: {  	_ =	shalt  }
0x44: {  	_ =	shalt  }
0x45: {  	_ =	shalt  }
0x46: {  	_ =	shalt  }
0x47: {  	_ =	shalt  }
0x48: {  	_ =	shalt  }
0x49: {  	_ =	shalt  }
0x4a: {  	_ =	shalt  }
0x4b: {  	_ =	shalt  }
0x4c: {  	_ =	shalt  }
0x4d: {  	_ =	shalt  }
0x4e: {  	_ =	shalt  }
0x4f: {  	_ =	shalt  }
0x50: {  	_ =	shalt  }
0x51: {  	_ =	shalt  }
0x52: {  	_ =	shalt  }
0x53: {  	_ =	shalt  }
0x54: {  	_ =	shalt  }
0x55: {  	_ =	shalt  }
0x56: {  	_ =	shalt  }
0x57: {  	_ =	shalt  }
0x58: {  	_ =	shalt  }
0x59: {  	_ =	shalt  }
0x5a: {  	_ =	shalt  }
0x5b: {  	_ =	shalt  }
0x5c: {  	_ =	shalt  }
0x5d: {  	_ =	shalt  }
0x5e: {  	_ =	shalt  }
0x5f: {  	_ =	shalt  }
0x60: {  	_ =	shalt  }
0x61: {  	_ =	shalt  }
0x62: {  	_ =	shalt  }
0x63: {  	_ =	shalt  }
0x64: {  	_ =	shalt  }
0x65: {  	_ =	shalt  }
0x66: {  	_ =	shalt  }
0x67: {  	_ =	shalt  }
0x68: {  	_ =	shalt  }
0x69: {  	_ =	shalt  }
0x6a: {  	_ =	shalt  }
0x6b: {  	_ =	shalt  }
0x6c: {  	_ =	shalt  }
0x6d: {  	_ =	shalt  }
0x6e: {  	_ =	shalt  }
0x6f: {  	_ =	shalt  }
0x70: {  	_ =	shalt  }
0x71: {  	_ =	shalt  }
0x72: {  	_ =	shalt  }
0x73: {  	_ =	shalt  }
0x74: {  	_ =	shalt  }
0x75: {  	_ =	shalt  }
0x76: {  	_ =	shalt  }
0x77: {  	_ =	shalt  }
0x78: {  	_ =	shalt  }
0x79: {  	_ =	shalt  }
0x7a: {  	_ =	shalt  }
0x7b: {  	_ =	shalt  }
0x7c: {  	_ =	shalt  }
0x7d: {  	_ =	shalt  }
0x7e: {  	_ =	shalt  }
0x7f: {  	_ =	shalt  }
0x80: {  	_ =	shalt  }
0x81: {  	_ =	shalt  }
0x82: {  	_ =	shalt  }
0x83: {  	_ =	shalt  }
0x84: {  	_ =	shalt  }
0x85: {  	_ =	shalt  }
0x86: {  	_ =	shalt  }
0x87: {  	_ =	shalt  }
.Lfunc_end0:
.L_simem_size_0:
called_computation.7_lowered:
.L_overlay_start_0:
0x88: {  	s2 =	sld [smem:$0x3FD9]  }
0x89: {  	s3 =	sld [smem:$0x3FFE];
	_ =	sdelay $0x1  }
0x8a: {  	s1 =	srdreg.scid  }
0x8b: {  	s0 =	sand.u32 $0x1, s1  }
0x8c: {  	s16 =	sshll.u32 s0, $0xA;
	s2 =	sadd.s32 s3, s2  }
0x8d: {  	s2 =	sadd.s32 s2, s16  }
0x8e: {  	[smem:$0x3FC2] =	sst s2  }
0x8f: {  	_ = 	snop  }
0x90: {  	(tm) =	ssettm $0x1  }
0x91: {  	s17 =	sld [smem:$0x3FFB];
	_ =	sdelay $0x3  }
0x92: {  	_ =	strace s17  }
0x93: {  	s2 =	sld [smem:$0x3FFC];
	_ =	sdelay $0x3  }
0x94: {  	_ =	strace s2  }
0x95: {  	s2 =	sld [smem:$0x3FFD];
	_ =	sdelay $0x3  }
0x96: {  	_ =	strace s2  }
0x97: {  	_ =	strace $0x8FFFFFFF  }
0x98: {  	s18 =	sld [smem:$0x3FDB];
	_ =	sdelay $0x1  }
0x99: {  	s19 =	simm.s32 $_scs_section_size  }
0x9a: {  	s4 =	simm.s32 $_size__tile_overlayer_lowered;
	s5 =	simm.s32 $_tile_overlayer_lowered  }
0x9b: {  	s22 =	simm.s32 $0x1BFF;
	s21 =	sshll.u32 s5, $0x1;
	s2 =	sadd.s32 s19, s18  }
0x9c: {  	s6 =	simm.s32 $0x0;
	s20 =	sshll.u32 s4, $0x1;
	s4 =	sadd.s32 s21, s2  }
0x9d: {  	[timem:s6], [sflag:s22] =	dma.local [hbm:s4], s20  }
0x9e: {  	_ =	swait.ge [sflag:s22], s20  }
0x9f: {  	s3 =	ssub.s32 $0x0, s20;
	[sflag:s22] =	ssyncset.done $0x0  }
0xa0: {  	[sflag:s22] =	ssyncadd.s32 s3;
	_ =	sdelay $0x1  }
0xa1: {  	s23 =	simm.s32 $0x1B8B  }
0xa2: {  	_ =	swait.ge [sflag:s23], $0x1  }
0xa3: {  	[sflag:s23] =	ssyncset.done $0x0  }
0xa4: {  	s25 =	simm.s32 $0x1B8E;
	s24 =	sld [smem:$0x3FFE];
	[sflag:s23] =	ssyncadd.s32 $0xFFFFFFFF  }
0xa5: {  	s26 =	simm.s32 $execute0_lowered;
	[smem:$0x3FD2] =	sst s25  }
0xa6: {  	s4 =	sshll.u32 s26, $0x1;
	_ =	strace $0x80000046;
	[dreg:$0x1] =	wrdreg $0xFFFFFFFF  }
0xa7: {  	s28 =	simm.s32 $_size_execute0_lowered;
	s2 =	sadd.s32 s2, s4;
	[dreg:$0x0] =	wrdreg $0x0  }
0xa8: {  	s4 =	sshll.u32 s28, $0x1;
	[dreg:$0x2] =	wrdreg s2  }
0xa9: {  	[dreg:$0x3] =	wrdreg s4  }
0xaa: {  	[dreg:$0x4] =	wrdreg $0xC0  }
0xab: {  	_ =	task [dreg:s6], $0x5FFFF  }
0xac: {  	[dreg:$0x1] =	wrdreg $0xFFFFFFFF  }
0xad: {  	[dreg:$0x0] =	wrdreg $0x60  }
0xae: {  	[dreg:$0x2] =	wrdreg s24  }
0xaf: {  	[dreg:$0x3] =	wrdreg $0x9  }
0xb0: {  	_ =	task.clear_ibuf [dreg:s6], $0x4FFFF;
	_ =	strace $0x90000046  }
0xb1: {  	s29 =	simm.s32 $0x9;
	_ =	strace $0x80000048  }
0xb2: {  	_ =	swait.ge [sflag:s29], $0x1  }
0xb3: {  	[sflag:s29] =	ssyncadd.s32 $0xFFFFFFFF  }
0xb4: {  	_ =	strace $0x90000048  }
0xb5: {  	_ =	sfence  }
0xb6: {  	s30 =	sld [smem:$0x0];
	_ =	sdelay $0x2  }
0xb7: {  	s31 =	sshll.u32 s1, $0xD;
	s1 =	sshrl.u32 s1, $0x2  }
0xb8: {  	s3 =	sand.u32 $0x4000, s31;
	s1 =	sadd.s32 s1, s30  }
0xb9: {  	s0 =	sor.u32 s3, s0;
	s1 =	sshll.u32 s1, $0x11  }
0xba: {  	s0 =	sor.u32 s1, s0  }
0xbb: {  	s0 =	sadd.s32 $0x8F2B, s0  }
0xbc: {  	[sflag:s0] =	ssyncadd.remote.s32 $0x1  }
0xbd: {  	_ =	sfence.sel $0xFFFF  }
0xbe: {  	[dreg:$0x0] =	wrdreg $0xFFFFFFFF;
	(pc) =	sbr.abs _section_cstart, $3  }
0xbf: {  	[dreg:$0x1] =	wrdreg $0xFFFFFFFF  }
0xc0: {  	_ =	task.clear_ibuf [dreg:s6], $0x2FFFF;
	_ =	strace $0x9FFFFFFF  }
0xc1: {  	(tm) =	ssettm $0x7FFFFFFF  }
tec
execute0_lowered:
.L_overlay_start_1:
0x0: {  	(tag) =	ssettag $0x1  }
0x1: {  	s0 =	stileid.u32;
	s1 =	srdreg.scid  }
0x2: {  	s1 =	sand.u32 $0x1, s1;
	s2 =	sshll.u32 s0, $0x1  }
0x3: {  	s1 =	sor.u32 s2, s1  }
0x4: {  	s2 =	smul.u32 $0x7530, s1;
	_ =	sdelay $0x1  }
0x5: {  	s6 =	ssub.s32 $0x509100, s2  }
0x6: {  	s3 =	smulhi.u32 $0x45E7B3, s6  }
0x7: {  	s8 =	rddreg [dreg:$0x0];
	s5 =	simm.s32 $0x1;
	s10 =	simm.s32 $0x3  }
0x8: {  	s13 =	simm.s32 $0x0;
	s12 =	simm.s32 $0x0;
	s7 =	sshrl.u32 s3, $0xA  }
0x9: {  	s1 =	rddreg [dreg:$0x1];
	_ =	strace $0x80000047;
	s9 =	smul.u32 $0xEA600, s7  }
.Ltmp0:
0xa: {  	s4 =	sadd.s32 $0x1E400, s8;
	[sflag:s5] =	ssyncpa.u1 $0x0;
	(pc) =	sbr.rel .LBB2_1-.Ltmp0, $4  }
0xb: {  	s11 =	smov.u32 s2;
	p0 =	sne.s32 s6, s9;
	s9 =	simm.s32 $0x1  }
0xc: {  	s3 =	sadd.s32 $0x160C00, s8;
	s6 =	simm.s32 $0x2;
	s9 =	simm.s32 @!p0 $0x0  }
0xd: {  	s8 =	sadd.s32 $0x669E00, s8;
	[sflag:s6] =	ssyncpa.u1 $0x0;
	s7 =	sadd.s32 s9, s7  }
0xe: {  	vm0 =	vmmov $0xffff;
	[sflag:s10] =	ssyncpa.u1 $0x0;
	s10 =	simm.s32 $0x0;
	s9 =	sadd.s32 $0x1, s7  }
.LBB2_4:
0xf: {  	v5 =	vshll.u32 v1, $0x3  }
0x10: {  	vm1 =	veq.s32 v1, $0x80000000;
	v60 =	vand.u32 $0xF, v1;
	v5 =	vand.u32 $0x3FFFF80, v5  }
0x11: {  	v1 =	vsel vm1, $0xFFFFFFFF, v60;
	v5 =	vsel vm1, $0xFFFFFF80, v5  }
0x12: {  	v3 =	vor.u32 v4, v3;
	v6 =	vand.u32 $0xFFFFFC00, v1;
	v61 =	vand.u32 $0xFFFFFC00, v5  }
0x13: {  	v2 =	vor.u32 v2, v3;
	v63 =	vand.u32 $0x380, v5;
	v62 =	vadd.s32 v6, v61  }
0x14: {  	v1 =	vand.u32 $0x7F, v1;
	v3 =	vor.u32 v63, v62  }
0x15: {  	v1 =	vor.u32 v1, v3  }
0x16: {  	[tilespmem:s17], [sflag:$0x1] =	stream.indirect_vreg.gather [hbm4b:s3+s10], $0x1, v0, vm0, $0x4038;
	[tilespmem:$0x1D4C0] =	vst v63  }
0x17: {  	(ifvalue) =	ssetifvalue $0x7FFFFFFF  }
0x18: {  	[tilespmem:s15], [sflag:$0x1] =	stream.indirect_vreg.gather [hbm4b:s3+s10], $0x1, v2, vm0, $0x4038;
	[tilespmem:$0x1D4C0] =	vst v63  }
0x19: {  	s29 =	sadd.s32 $0x10, s15;
	(ifvalue) =	ssetifvalue $0x7FFFFFFF  }
0x1a: {  	[tilespmem:s29], [sflag:$0x1] =	stream.indirect_vreg.gather [hbm4b:s3+s10], $0x1, v1, vm0, $0x4038;
	[tilespmem:$0x1D4C0] =	vst v63  }
0x1b: {  	_ =	swait.ge [sflag:s5], $0x7530  }
0x1c: {  	s30 =	sshrl.u32 s13, $0x3;
	[sflag:s5] =	ssyncset.done $0x0  }
0x1d: {  	s31 =	sand.u32 $0x7, s13;
	s15 =	sadd.s32 s8, s30;
	[sflag:s5] =	ssyncadd.s32 $0xFFFF8AD0  }
0x1e: {  	[hbm4b:s15+s31] =	stream.linear.scatter [tilespmem:s14], [sflag:$0x3], $0x7530, $0x38;
	[tilespmem:$0x1D4C0] =	vst v63  }
.LBB2_5:
0x1f: {  	s15 =	sadd.s32 $0xEA600, s11  }
0x20: {  	p1 =	sgt.s32 s15, $0x5090FF  }
0x21: {  	s15 =	smov.u32 @p1 s2;
	p1 =	sne.s32 s12, s9  }
.Ltmp1:
0x22: {  	p0 =	slt.u32 s12, $0x2;
	(pc) =	sbr.rel @!p1 .LBB2_6-.Ltmp1, $4  }
0x23: {  	s14 =	simm.s32 @!p0 $0x3  }
0x24: {  	_ =	swait.ge @!p0 [sflag:s14], $0x7530  }
0x25: {  	s16 =	sadd.s32 $0x1, s12;
	s13 =	smov.u32 s11;
	[sflag:s14] =	ssyncset.done @!p0 $0x0  }
0x26: {  	s12 =	smov.u32 s16;
	s11 =	smov.u32 s15;
	[sflag:s14] =	ssyncadd.s32 @!p0 $0xFFFF8AD0  }
.LBB2_1:
0x27: {  	p0 =	sge.u32 s12, s7  }
0x28: {  	s14 =	sxor.u32 @!p0 $0xFFFFFFFF, s12  }
0x29: {  	s14 =	sand.u32 @!p0 $0x1, s14  }
0x2a: {  	s14 =	smul.u32 @!p0 $0x1D4C0, s14  }
0x2b: {  	s31 =	sadd.s32 $0xFFFFFFFF, s12;
	s15 =	sshrl.u32 @!p0 s11, $0x3  }
0x2c: {  	s16 =	sand.u32 @!p0 $0x7, s11;
	s15 =	sadd.s32 @!p0 s4, s15;
	s14 =	sshrl.u32 @!p0 s14, $0x2  }
0x2d: {  	[tilespmem:s14], [sflag:$0x2] =	stream.linear.gather @!p0 [hbm4b:s15+s16], $0x7530, $0x38;
	[tilespmem:$0x1D4C0] =	vst v63  }
0x2e: {  	p0 =	sge.u32 s31, s7  }
.Ltmp2:
0x2f: {  	_ = 	snop;
	(pc) =	sbr.rel @p0 .LBB2_5-.Ltmp2, $1  }
0x30: {  	_ =	sdelay $0x3  }
0x31: {  	s14 =	sand.u32 $0x1, s12  }
0x32: {  	_ =	swait.ge [sflag:s6], $0x7530;
	p0 =	seq.s32 s14, $0x1;
	s14 =	simm.s32 $0x7530  }
0x33: {  	[sflag:s6] =	ssyncset.done $0x0;
	s14 =	simm.s32 @!p0 $0x0  }
0x34: {  	[sflag:s6] =	ssyncadd.s32 $0xFFFF8AD0;
	(ifvalue) =	ssetifvalue $0x7FFFFFFF;
	v0 =	vld.msk [tilespmem:s14+$0x0 ss:$0x1], $0xffff;
	_ =	sdelay $0x4  }
0x35: {  	s15 =	sadd.s32 $0x10, s14;
	v2 =	vshll.u32 v0, $0x3  }
0x36: {  	v1 =	vld.msk [tilespmem:s15+$0x0 ss:$0x1], $0xffff;
	vm1 =	veq.s32 v0, $0x80000000;
	v0 =	vand.u32 $0xF, v0;
	v2 =	vand.u32 $0x3FFFF80, v2  }
0x37: {  	v0 =	vsel vm1, $0xFFFFFFFF, v0;
	v2 =	vsel vm1, $0xFFFFFF80, v2  }
0x38: {  	v3 =	vand.u32 $0x7F, v0;
	v0 =	vand.u32 $0xFFFFFC00, v0;
	v4 =	vand.u32 $0xFFFFFC00, v2  }
0x39: {  	v2 =	vand.u32 $0x380, v2;
	v0 =	vadd.s32 v0, v4  }
0x3a: {  	v0 =	vor.u32 v2, v0  }
0x3b: {  	v4 =	vshll.u32 v1, $0x3;
	v0 =	vor.u32 v3, v0  }
0x3c: {  	vm1 =	veq.s32 v1, $0x80000000;
	v1 =	vand.u32 $0xF, v1;
	v4 =	vand.u32 $0x3FFFF80, v4  }
0x3d: {  	s14 =	sadd.s32 $0xEA60, s14;
	s15 =	sadd.s32 $0x10, s15;
	v2 =	vsel vm1, $0xFFFFFFFF, v1;
	v4 =	vsel vm1, $0xFFFFFF80, v4  }
0x3e: {  	s16 =	simm.s32 $0x20;
	s17 =	smov.u32 s14;
	v1 =	vld.msk [tilespmem:s15+$0x0 ss:$0x1], $0xffff;
	v5 =	vand.u32 $0xFFFFFC00, v2;
	v3 =	vand.u32 $0xFFFFFC00, v4  }
0x3f: {  	s18 =	sadd.s32 $0x10, s15;
	(ifvalue) =	ssetifvalue $0x7FFFFFFF;
	s15 =	sadd.s32 $0x10, s14;
	v2 =	vand.u32 $0x7F, v2;
	v4 =	vand.u32 $0x380, v4;
	v3 =	vadd.s32 v5, v3  }
.LBB2_3:
0x40: {  	[tilespmem:s17], [sflag:$0x1] =	stream.indirect_vreg.gather [hbm4b:s3+s10], $0x1, v0, vm0, $0x4038;
	[tilespmem:$0x1D4C0] =	vst v63  }
0x41: {  	s16 =	sadd.s32 $0x10, s16  }
0x42: {  	v3 =	vor.u32 v4, v3;
	p0 =	slt.u32 s16, $0x7520  }
.Ltmp3:
0x43: {  	v4 =	vshll.u32 v1, $0x3;
	s17 =	smov.u32 s15;
	v0 =	vor.u32 v2, v3;
	v2 =	vmov v1;
	v1 =	vld.msk [tilespmem:s18+$0x0 ss:$0x1], $0xffff;
	(pc) =	sbr.rel @p0 .LBB2_3-.Ltmp3, $4  }
0x44: {  	v3 =	vand.u32 $0x3FFFF80, v4;
	vm1 =	veq.s32 v2, $0x80000000;
	v2 =	vand.u32 $0xF, v2  }
0x45: {  	v4 =	vsel vm1, $0xFFFFFFFF, v2;
	v5 =	vsel vm1, $0xFFFFFF80, v3  }
0x46: {  	v2 =	vand.u32 $0x7F, v4;
	v3 =	vand.u32 $0xFFFFFC00, v5;
	v4 =	vand.u32 $0xFFFFFC00, v4  }
0x47: {  	s15 =	sadd.s32 $0x10, s15;
	s18 =	sadd.s32 $0x10, s18;
	v3 =	vadd.s32 v4, v3;
	v4 =	vand.u32 $0x380, v5;
	(ifvalue) =	ssetifvalue $0x7FFFFFFF  }
.Ltmp4:
0x48: {  	_ = 	snop;
	(pc) =	sbr.rel .LBB2_4-.Ltmp4, $1  }
0x49: {  	_ =	sdelay $0x3  }
.LBB2_6:
0x4a: {  	_ =	sfence.sel $0x180000  }
0x4b: {  	s2 =	simm.s32 $0x2;
	[bflag:$0x0] =	sbarrier.arrive $0xFFFF  }
0x4c: {  	s30 =	simm.s32 $0x3;
	[sflag:s2] =	ssyncpa.u1 $0x1  }
0x4d: {  	s31 =	simm.s32 $0x1;
	[sflag:s30] =	ssyncpa.u1 $0x1  }
0x4e: {  	[sflag:s31] =	ssyncpa.u1 $0x1  }
0x4f: {  	p0 =	sne.s32 s0, $0x0;
	_ =	strace $0x90000047  }
0x50: {  	s0 =	sadd.s32 @!p0 $0x100000, s1;
	[bflag:$0x2] =	sbarrier.arrive $0xFFFF  }
0x51: {  	[sflag:s0] =	ssyncadd.tile.s32 @!p0 $0x1;
	_ =	shalt  }
.Lfunc_end2:
_tile_overlayer_lowered:
.L_overlay_start_2:
0x52: {  	(tag) =	ssettag $0x2  }
0x53: {  	s0 =	rddreg [dreg:$0x0];
	s2 =	stileid.u32  }
0x54: {  	s1 =	rddreg [dreg:$0x1];
	p0 =	sne.s32 s2, $0x0  }
0x55: {  	s3 =	rddreg [dreg:$0x2];
	[bflag:$0x3] =	sbarrier.arrive $0xFFFF;
	s2 =	simm.s32 @!p0 $0x1C01  }
0x56: {  	[timem:s3], [sflag:s2] =	dma.local @!p0 [hbm:s0], s1  }
0x57: {  	s0 =	simm.s32 @!p0 $0x1  }
0x58: {  	_ =	swait.ge @!p0 [sflag:s0], s1  }
0x59: {  	s1 =	ssub.s32 @!p0 $0x0, s1;
	[sflag:s0] =	ssyncset.done @!p0 $0x0  }
0x5a: {  	[sflag:s0] =	ssyncadd.s32 @!p0 s1  }
0x5b: {  	[bflag:$0x3] =	sbarrier.arrive $0xFFFF  }
0x5c: {  	_ =	shalt  }

// kernel: gather_offload_async_start.5
scs
__scs_entry_jumppad:
0x0: {  	(pc) =	sbr.rel $0x88, $3  }
0x1: {  	(tag) =	ssettag $0x0;
	lr =	simm.s32 $0x1  }
0x2: {  	[smem:$0x3F9B] =	sst lr;
	_ =	strace $0xD0000000  }
0x3: {  	_ = 	snop  }
0x4: {  	_ = 	snop  }
0x5: {  	_ = 	snop  }
0x6: {  	_ = 	snop  }
0x7: {  	_ = 	snop  }
__scs_overlays_trampoline_lowered:
0x8: {  	[smem:$0x3FAA] =	sst s0  }
0x9: {  	[smem:$0x3FAB] =	sst s1  }
0xa: {  	[smem:$0x3FAC] =	sst s2  }
0xb: {  	[smem:$0x3FAD] =	sst s3  }
0xc: {  	[smem:$0x3FAE] =	sst s4  }
0xd: {  	[smem:$0x3FAF] =	sst s5  }
0xe: {  	[smem:$0x3FB0] =	sst s6  }
0xf: {  	[smem:$0x3FB1] =	sst s7  }
0x10: {  	[smem:$0x3FB2] =	sst s8  }
0x11: {  	[smem:$0x3FB3] =	sst s9;
	s0 =	simm.s32 @!p0 $0x0  }
0x12: {  	s1 =	sld [smem:$0x3F99];
	s0 =	simm.s32 @p0 $0x1  }
0x13: {  	[smem:$0x3FB4] =	sst s0;
	s0 =	simm.s32 @!p1 $0x0  }
0x14: {  	s2 =	sld [smem:$0x3F98];
	s0 =	simm.s32 @p1 $0x1  }
0x15: {  	[smem:$0x3FB5] =	sst s0;
	s0 =	simm.s32 @!p2 $0x0  }
0x16: {  	s3 =	sld [smem:$0x3FDB];
	s0 =	simm.s32 @p2 $0x1  }
0x17: {  	s4 =	simm.s32 $0x1BF5;
	[smem:$0x3FB7] =	sst s0  }
0x18: {  	s0 =	sld [smem:$0x3F9A];
	_ =	swait.ge [sflag:s4], $0x0  }
0x19: {  	s7 =	sld [smem:$0x3F9B]  }
0x1a: {  	s8 =	sadd.s32 $0xFFFFE003, lr  }
0x1b: {  	s9 =	sadd.s32 $0xFFFFFEF7, lr;
	s5 =	simm.s32 $0xFFFFFFFF;
	p2 =	slt.u32 s8, $0xFFFFF086  }
0x1c: {  	p1 =	slt.u32 s9, $0xF7A;
	s5 =	simm.s32 @!p2 $0x0  }
0x1d: {  	s5 =	simm.s32 @p1 $0x1;
	p0 =	seq.s32 s7, s2  }
0x1e: {  	s7 =	smul.u32 @!p0 $0xF7A, s2;
	p2 =	seq.s32 @!p0 s5, $0x0  }
0x1f: {  	s9 =	smul.u32 $0xF7A, s1;
	s8 =	simm.s32 @!p0 $0x1BF5;
	p2 =	por !p2, p0  }
0x20: {  	[sflag:s8] =	ssyncset.s32 @!p0 $0xFFFFF086;
	s6 =	sadd.s32 @!p0 s3, s7;
	s7 =	simm.s32 @!p0 $0x108  }
0x21: {  	s3 =	sadd.s32 s3, s9;
	s6 =	sadd.s32 @!p0 $0x88, s6;
	s7 =	simm.s32 @p2 $0x1082  }
0x22: {  	[simem:s7], [sflag:s8] =	dma.local @!p0 [hbm:s6], $0xF7A  }
0x23: {  	s9 =	sor.u32 $0xD0000000, s2;
	s6 =	simm.s32 $0x108;
	_ =	swait.ge @!p0 [sflag:s8], $0x0  }
0x24: {  	s3 =	sadd.s32 $0x88, s3;
	s6 =	simm.s32 @!p1 $0x1082;
	[sflag:s4] =	ssyncset.s32 $0xFFFFF086  }
0x25: {  	[simem:s6], [sflag:s4] =	dma.local [hbm:s3], $0xF7A  }
0x26: {  	[smem:$0x3F9B] =	sst s1;
	(tag) =	ssettag s2;
	_ =	strace s9  }
0x27: {  	s1 =	sld [smem:$0x3FAB]  }
0x28: {  	s2 =	sld [smem:$0x3FAC]  }
0x29: {  	s4 =	sld [smem:$0x3FAE]  }
0x2a: {  	p0 =	seq.s32 s5, $0x0;
	s5 =	sld [smem:$0x3FAF]  }
0x2b: {  	s6 =	sld [smem:$0x3FB0]  }
0x2c: {  	s7 =	sld [smem:$0x3FB1]  }
0x2d: {  	s3 =	simm.s32 $0x108;
	s8 =	sld [smem:$0x3FB2]  }
0x2e: {  	s3 =	simm.s32 @!p0 $0x1082;
	s9 =	sld [smem:$0x3FB3]  }
0x2f: {  	lr =	sadd.s32 s0, s3;
	s0 =	sld [smem:$0x3FAA]  }
0x30: {  	s3 =	sld [smem:$0x3FAD]  }
0x31: {  	[smem:$0x3FB6] =	sst s10  }
0x32: {  	s10 =	sld [smem:$0x3FB4];
	_ =	sdelay $0x3  }
0x33: {  	p0 =	seq.s32 s10, $0x1;
	s10 =	sld [smem:$0x3FB6];
	_ =	sdelay $0x3  }
0x34: {  	[smem:$0x3FB6] =	sst s10  }
0x35: {  	s10 =	sld [smem:$0x3FB5];
	_ =	sdelay $0x3  }
0x36: {  	p1 =	seq.s32 s10, $0x1;
	s10 =	sld [smem:$0x3FB6];
	_ =	sdelay $0x3  }
0x37: {  	[smem:$0x3FB6] =	sst s10  }
0x38: {  	s10 =	sld [smem:$0x3FB7]  }
0x39: {  	_ = 	snop;
	(pc) =	sbr.ind lr, $3  }
0x3a: {  	_ = 	snop  }
0x3b: {  	_ = 	snop  }
0x3c: {  	p2 =	seq.s32 s10, $0x1;
	s10 =	sld [smem:$0x3FB6]  }
0x3d: {  	_ =	shalt  }
0x3e: {  	_ =	shalt  }
0x3f: {  	_ =	shalt  }
0x40: {  	_ =	shalt  }
0x41: {  	_ =	shalt  }
0x42: {  	_ =	shalt  }
0x43: {  	_ =	shalt  }
0x44: {  	_ =	shalt  }
0x45: {  	_ =	shalt  }
0x46: {  	_ =	shalt  }
0x47: {  	_ =	shalt  }
0x48: {  	_ =	shalt  }
0x49: {  	_ =	shalt  }
0x4a: {  	_ =	shalt  }
0x4b: {  	_ =	shalt  }
0x4c: {  	_ =	shalt  }
0x4d: {  	_ =	shalt  }
0x4e: {  	_ =	shalt  }
0x4f: {  	_ =	shalt  }
0x50: {  	_ =	shalt  }
0x51: {  	_ =	shalt  }
0x52: {  	_ =	shalt  }
0x53: {  	_ =	shalt  }
0x54: {  	_ =	shalt  }
0x55: {  	_ =	shalt  }
0x56: {  	_ =	shalt  }
0x57: {  	_ =	shalt  }
0x58: {  	_ =	shalt  }
0x59: {  	_ =	shalt  }
0x5a: {  	_ =	shalt  }
0x5b: {  	_ =	shalt  }
0x5c: {  	_ =	shalt  }
0x5d: {  	_ =	shalt  }
0x5e: {  	_ =	shalt  }
0x5f: {  	_ =	shalt  }
0x60: {  	_ =	shalt  }
0x61: {  	_ =	shalt  }
0x62: {  	_ =	shalt  }
0x63: {  	_ =	shalt  }
0x64: {  	_ =	shalt  }
0x65: {  	_ =	shalt  }
0x66: {  	_ =	shalt  }
0x67: {  	_ =	shalt  }
0x68: {  	_ =	shalt  }
0x69: {  	_ =	shalt  }
0x6a: {  	_ =	shalt  }
0x6b: {  	_ =	shalt  }
0x6c: {  	_ =	shalt  }
0x6d: {  	_ =	shalt  }
0x6e: {  	_ =	shalt  }
0x6f: {  	_ =	shalt  }
0x70: {  	_ =	shalt  }
0x71: {  	_ =	shalt  }
0x72: {  	_ =	shalt  }
0x73: {  	_ =	shalt  }
0x74: {  	_ =	shalt  }
0x75: {  	_ =	shalt  }
0x76: {  	_ =	shalt  }
0x77: {  	_ =	shalt  }
0x78: {  	_ =	shalt  }
0x79: {  	_ =	shalt  }
0x7a: {  	_ =	shalt  }
0x7b: {  	_ =	shalt  }
0x7c: {  	_ =	shalt  }
0x7d: {  	_ =	shalt  }
0x7e: {  	_ =	shalt  }
0x7f: {  	_ =	shalt  }
0x80: {  	_ =	shalt  }
0x81: {  	_ =	shalt  }
0x82: {  	_ =	shalt  }
0x83: {  	_ =	shalt  }
0x84: {  	_ =	shalt  }
0x85: {  	_ =	shalt  }
0x86: {  	_ =	shalt  }
0x87: {  	_ =	shalt  }
.Lfunc_end0:
.L_simem_size_0:
called_computation.8_lowered:
.L_overlay_start_0:
0x88: {  	s2 =	sld [smem:$0x3FD9]  }
0x89: {  	s3 =	sld [smem:$0x3FFE];
	_ =	sdelay $0x1  }
0x8a: {  	s1 =	srdreg.scid  }
0x8b: {  	s0 =	sand.u32 $0x1, s1  }
0x8c: {  	s16 =	sshll.u32 s0, $0xA;
	s2 =	sadd.s32 s3, s2  }
0x8d: {  	s2 =	sadd.s32 s2, s16  }
0x8e: {  	[smem:$0x3FC2] =	sst s2  }
0x8f: {  	_ = 	snop  }
0x90: {  	(tm) =	ssettm $0x1  }
0x91: {  	s17 =	sld [smem:$0x3FFB];
	_ =	sdelay $0x3  }
0x92: {  	_ =	strace s17  }
0x93: {  	s2 =	sld [smem:$0x3FFC];
	_ =	sdelay $0x3  }
0x94: {  	_ =	strace s2  }
0x95: {  	s2 =	sld [smem:$0x3FFD];
	_ =	sdelay $0x3  }
0x96: {  	_ =	strace s2  }
0x97: {  	_ =	strace $0x8FFFFFFF  }
0x98: {  	s18 =	sld [smem:$0x3FDB];
	_ =	sdelay $0x1  }
0x99: {  	s19 =	simm.s32 $_scs_section_size  }
0x9a: {  	s4 =	simm.s32 $_size__tile_overlayer_lowered;
	s5 =	simm.s32 $_tile_overlayer_lowered  }
0x9b: {  	s22 =	simm.s32 $0x1BFF;
	s21 =	sshll.u32 s5, $0x1;
	s2 =	sadd.s32 s19, s18  }
0x9c: {  	s6 =	simm.s32 $0x0;
	s20 =	sshll.u32 s4, $0x1;
	s4 =	sadd.s32 s21, s2  }
0x9d: {  	[timem:s6], [sflag:s22] =	dma.local [hbm:s4], s20  }
0x9e: {  	_ =	swait.ge [sflag:s22], s20  }
0x9f: {  	s3 =	ssub.s32 $0x0, s20;
	[sflag:s22] =	ssyncset.done $0x0  }
0xa0: {  	[sflag:s22] =	ssyncadd.s32 s3;
	_ =	sdelay $0x1  }
0xa1: {  	s23 =	simm.s32 $0x1B8B  }
0xa2: {  	_ =	swait.ge [sflag:s23], $0x1  }
0xa3: {  	[sflag:s23] =	ssyncset.done $0x0  }
0xa4: {  	s25 =	simm.s32 $0x1B8E;
	s24 =	sld [smem:$0x3FFE];
	[sflag:s23] =	ssyncadd.s32 $0xFFFFFFFF  }
0xa5: {  	s26 =	simm.s32 $execute0_lowered;
	[smem:$0x3FD2] =	sst s25  }
0xa6: {  	s4 =	sshll.u32 s26, $0x1;
	_ =	strace $0x8000004F;
	[dreg:$0x1] =	wrdreg $0xFFFFFFFF  }
0xa7: {  	s28 =	simm.s32 $_size_execute0_lowered;
	s2 =	sadd.s32 s2, s4;
	[dreg:$0x0] =	wrdreg $0x0  }
0xa8: {  	s4 =	sshll.u32 s28, $0x1;
	[dreg:$0x2] =	wrdreg s2  }
0xa9: {  	[dreg:$0x3] =	wrdreg s4  }
0xaa: {  	[dreg:$0x4] =	wrdreg $0xC0  }
0xab: {  	_ =	task [dreg:s6], $0x5FFFF  }
0xac: {  	[dreg:$0x1] =	wrdreg $0xFFFFFFFF  }
0xad: {  	[dreg:$0x0] =	wrdreg $0x60  }
0xae: {  	[dreg:$0x2] =	wrdreg s24  }
0xaf: {  	[dreg:$0x3] =	wrdreg $0x9  }
0xb0: {  	_ =	task.clear_ibuf [dreg:s6], $0x4FFFF;
	_ =	strace $0x9000004F  }
0xb1: {  	s29 =	simm.s32 $0x9;
	_ =	strace $0x80000051  }
0xb2: {  	_ =	swait.ge [sflag:s29], $0x1  }
0xb3: {  	[sflag:s29] =	ssyncadd.s32 $0xFFFFFFFF  }
0xb4: {  	_ =	strace $0x90000051  }
0xb5: {  	_ =	sfence  }
0xb6: {  	s30 =	sld [smem:$0x0];
	_ =	sdelay $0x2  }
0xb7: {  	s31 =	sshll.u32 s1, $0xD;
	s1 =	sshrl.u32 s1, $0x2  }
0xb8: {  	s3 =	sand.u32 $0x4000, s31;
	s1 =	sadd.s32 s1, s30  }
0xb9: {  	s0 =	sor.u32 s3, s0;
	s1 =	sshll.u32 s1, $0x11  }
0xba: {  	s0 =	sor.u32 s1, s0  }
0xbb: {  	s0 =	sadd.s32 $0x8F2B, s0  }
0xbc: {  	[sflag:s0] =	ssyncadd.remote.s32 $0x1  }
0xbd: {  	_ =	sfence.sel $0xFFFF  }
0xbe: {  	[dreg:$0x0] =	wrdreg $0xFFFFFFFF;
	(pc) =	sbr.abs _section_cstart, $3  }
0xbf: {  	[dreg:$0x1] =	wrdreg $0xFFFFFFFF  }
0xc0: {  	_ =	task.clear_ibuf [dreg:s6], $0x2FFFF;
	_ =	strace $0x9FFFFFFF  }
0xc1: {  	(tm) =	ssettm $0x7FFFFFFF  }
tec
execute0_lowered:
.L_overlay_start_1:
0x0: {  	(tag) =	ssettag $0x1  }
0x1: {  	s0 =	stileid.u32;
	s1 =	srdreg.scid  }
0x2: {  	s1 =	sand.u32 $0x1, s1;
	s2 =	sshll.u32 s0, $0x1  }
0x3: {  	s1 =	sor.u32 s2, s1  }
0x4: {  	s2 =	smul.u32 $0x7D00, s1;
	_ =	sdelay $0x1  }
0x5: {  	s6 =	ssub.s32 $0x1424400, s2  }
0x6: {  	s3 =	smulhi.u32 $0x20C49BB, s6  }
0x7: {  	s8 =	rddreg [dreg:$0x0];
	s5 =	simm.s32 $0x1;
	s10 =	simm.s32 $0x3  }
0x8: {  	s13 =	simm.s32 $0x0;
	s12 =	simm.s32 $0x0;
	s7 =	sshrl.u32 s3, $0xD  }
0x9: {  	s1 =	rddreg [dreg:$0x1];
	_ =	strace $0x80000050;
	s9 =	smul.u32 $0xFA000, s7  }
.Ltmp0:
0xa: {  	s4 =	sadd.s32 $0x7AC200, s8;
	[sflag:s5] =	ssyncpa.u1 $0x0;
	(pc) =	sbr.rel .LBB2_1-.Ltmp0, $4  }
0xb: {  	s11 =	smov.u32 s2;
	p0 =	sne.s32 s6, s9;
	s9 =	simm.s32 $0x1  }
0xc: {  	s3 =	sadd.s32 $0x1E400, s8;
	s6 =	simm.s32 $0x2;
	s9 =	simm.s32 @!p0 $0x0  }
0xd: {  	s8 =	sadd.s32 $0x527600, s8;
	[sflag:s6] =	ssyncpa.u1 $0x0;
	s7 =	sadd.s32 s9, s7  }
0xe: {  	vm0 =	vmmov $0xffff;
	[sflag:s10] =	ssyncpa.u1 $0x0;
	s10 =	simm.s32 $0x0;
	s9 =	sadd.s32 $0x1, s7  }
.LBB2_4:
0xf: {  	v5 =	vshll.u32 v1, $0x1  }
0x10: {  	vm1 =	veq.s32 v1, $0x80000000;
	v60 =	vand.u32 $0x3F, v1;
	v5 =	vand.u32 $0x3FFFF80, v5  }
0x11: {  	v1 =	vsel vm1, $0xFFFFFFFF, v60;
	v5 =	vsel vm1, $0xFFFFFF80, v5  }
0x12: {  	v3 =	vor.u32 v4, v3;
	v6 =	vand.u32 $0xFFFFFC00, v1;
	v61 =	vand.u32 $0xFFFFFC00, v5  }
0x13: {  	v2 =	vor.u32 v2, v3;
	v63 =	vand.u32 $0x380, v5;
	v62 =	vadd.s32 v6, v61  }
0x14: {  	v1 =	vand.u32 $0x7F, v1;
	v3 =	vor.u32 v63, v62  }
0x15: {  	v1 =	vor.u32 v1, v3  }
0x16: {  	[tilespmem:s17], [sflag:$0x1] =	stream.indirect_vreg.gather [hbm4b:s3+s10], $0x1, v0, vm0, $0x4038;
	[tilespmem:$0x1F400] =	vst v63  }
0x17: {  	(ifvalue) =	ssetifvalue $0x7FFFFFFF  }
0x18: {  	[tilespmem:s15], [sflag:$0x1] =	stream.indirect_vreg.gather [hbm4b:s3+s10], $0x1, v2, vm0, $0x4038;
	[tilespmem:$0x1F400] =	vst v63  }
0x19: {  	s29 =	sadd.s32 $0x10, s15;
	(ifvalue) =	ssetifvalue $0x7FFFFFFF  }
0x1a: {  	[tilespmem:s29], [sflag:$0x1] =	stream.indirect_vreg.gather [hbm4b:s3+s10], $0x1, v1, vm0, $0x4038;
	[tilespmem:$0x1F400] =	vst v63  }
0x1b: {  	_ =	swait.ge [sflag:s5], $0x7D00  }
0x1c: {  	s30 =	sshrl.u32 s13, $0x3;
	[sflag:s5] =	ssyncset.done $0x0  }
0x1d: {  	s31 =	sand.u32 $0x7, s13;
	s15 =	sadd.s32 s8, s30;
	[sflag:s5] =	ssyncadd.s32 $0xFFFF8300  }
0x1e: {  	[hbm4b:s15+s31] =	stream.linear.scatter [tilespmem:s14], [sflag:$0x3], $0x7D00, $0x38;
	[tilespmem:$0x1F400] =	vst v63  }
.LBB2_5:
0x1f: {  	s15 =	sadd.s32 $0xFA000, s11  }
0x20: {  	p1 =	sgt.s32 s15, $0x14243FF  }
0x21: {  	s15 =	smov.u32 @p1 s2;
	p1 =	sne.s32 s12, s9  }
.Ltmp1:
0x22: {  	p0 =	slt.u32 s12, $0x2;
	(pc) =	sbr.rel @!p1 .LBB2_6-.Ltmp1, $4  }
0x23: {  	s14 =	simm.s32 @!p0 $0x3  }
0x24: {  	_ =	swait.ge @!p0 [sflag:s14], $0x7D00  }
0x25: {  	s16 =	sadd.s32 $0x1, s12;
	s13 =	smov.u32 s11;
	[sflag:s14] =	ssyncset.done @!p0 $0x0  }
0x26: {  	s12 =	smov.u32 s16;
	s11 =	smov.u32 s15;
	[sflag:s14] =	ssyncadd.s32 @!p0 $0xFFFF8300  }
.LBB2_1:
0x27: {  	p0 =	sge.u32 s12, s7  }
0x28: {  	s14 =	sxor.u32 @!p0 $0xFFFFFFFF, s12  }
0x29: {  	s14 =	sand.u32 @!p0 $0x1, s14  }
0x2a: {  	s14 =	smul.u32 @!p0 $0x1F400, s14  }
0x2b: {  	s31 =	sadd.s32 $0xFFFFFFFF, s12;
	s15 =	sshrl.u32 @!p0 s11, $0x3  }
0x2c: {  	s16 =	sand.u32 @!p0 $0x7, s11;
	s15 =	sadd.s32 @!p0 s4, s15;
	s14 =	sshrl.u32 @!p0 s14, $0x2  }
0x2d: {  	[tilespmem:s14], [sflag:$0x2] =	stream.linear.gather @!p0 [hbm4b:s15+s16], $0x7D00, $0x38;
	[tilespmem:$0x1F400] =	vst v63  }
0x2e: {  	p0 =	sge.u32 s31, s7  }
.Ltmp2:
0x2f: {  	_ = 	snop;
	(pc) =	sbr.rel @p0 .LBB2_5-.Ltmp2, $1  }
0x30: {  	_ =	sdelay $0x3  }
0x31: {  	s14 =	sand.u32 $0x1, s12  }
0x32: {  	_ =	swait.ge [sflag:s6], $0x7D00;
	p0 =	seq.s32 s14, $0x1;
	s14 =	simm.s32 $0x7D00  }
0x33: {  	[sflag:s6] =	ssyncset.done $0x0;
	s14 =	simm.s32 @!p0 $0x0  }
0x34: {  	[sflag:s6] =	ssyncadd.s32 $0xFFFF8300;
	(ifvalue) =	ssetifvalue $0x7FFFFFFF;
	v0 =	vld.msk [tilespmem:s14+$0x0 ss:$0x1], $0xffff;
	_ =	sdelay $0x4  }
0x35: {  	s15 =	sadd.s32 $0x10, s14;
	v2 =	vshll.u32 v0, $0x1  }
0x36: {  	v1 =	vld.msk [tilespmem:s15+$0x0 ss:$0x1], $0xffff;
	vm1 =	veq.s32 v0, $0x80000000;
	v0 =	vand.u32 $0x3F, v0;
	v2 =	vand.u32 $0x3FFFF80, v2  }
0x37: {  	v0 =	vsel vm1, $0xFFFFFFFF, v0;
	v2 =	vsel vm1, $0xFFFFFF80, v2  }
0x38: {  	v3 =	vand.u32 $0x7F, v0;
	v0 =	vand.u32 $0xFFFFFC00, v0;
	v4 =	vand.u32 $0xFFFFFC00, v2  }
0x39: {  	v2 =	vand.u32 $0x380, v2;
	v0 =	vadd.s32 v0, v4  }
0x3a: {  	v0 =	vor.u32 v2, v0  }
0x3b: {  	v4 =	vshll.u32 v1, $0x1;
	v0 =	vor.u32 v3, v0  }
0x3c: {  	vm1 =	veq.s32 v1, $0x80000000;
	v1 =	vand.u32 $0x3F, v1;
	v4 =	vand.u32 $0x3FFFF80, v4  }
0x3d: {  	s14 =	sadd.s32 $0xFA00, s14;
	s15 =	sadd.s32 $0x10, s15;
	v2 =	vsel vm1, $0xFFFFFFFF, v1;
	v4 =	vsel vm1, $0xFFFFFF80, v4  }
0x3e: {  	s16 =	simm.s32 $0x20;
	s17 =	smov.u32 s14;
	v1 =	vld.msk [tilespmem:s15+$0x0 ss:$0x1], $0xffff;
	v5 =	vand.u32 $0xFFFFFC00, v2;
	v3 =	vand.u32 $0xFFFFFC00, v4  }
0x3f: {  	s18 =	sadd.s32 $0x10, s15;
	(ifvalue) =	ssetifvalue $0x7FFFFFFF;
	s15 =	sadd.s32 $0x10, s14;
	v2 =	vand.u32 $0x7F, v2;
	v4 =	vand.u32 $0x380, v4;
	v3 =	vadd.s32 v5, v3  }
.LBB2_3:
0x40: {  	[tilespmem:s17], [sflag:$0x1] =	stream.indirect_vreg.gather [hbm4b:s3+s10], $0x1, v0, vm0, $0x4038;
	[tilespmem:$0x1F400] =	vst v63  }
0x41: {  	s16 =	sadd.s32 $0x10, s16  }
0x42: {  	v3 =	vor.u32 v4, v3;
	p0 =	slt.u32 s16, $0x7CF0  }
.Ltmp3:
0x43: {  	v4 =	vshll.u32 v1, $0x1;
	s17 =	smov.u32 s15;
	v0 =	vor.u32 v2, v3;
	v2 =	vmov v1;
	v1 =	vld.msk [tilespmem:s18+$0x0 ss:$0x1], $0xffff;
	(pc) =	sbr.rel @p0 .LBB2_3-.Ltmp3, $4  }
0x44: {  	v3 =	vand.u32 $0x3FFFF80, v4;
	vm1 =	veq.s32 v2, $0x80000000;
	v2 =	vand.u32 $0x3F, v2  }
0x45: {  	v4 =	vsel vm1, $0xFFFFFFFF, v2;
	v5 =	vsel vm1, $0xFFFFFF80, v3  }
0x46: {  	v2 =	vand.u32 $0x7F, v4;
	v3 =	vand.u32 $0xFFFFFC00, v5;
	v4 =	vand.u32 $0xFFFFFC00, v4  }
0x47: {  	s15 =	sadd.s32 $0x10, s15;
	s18 =	sadd.s32 $0x10, s18;
	v3 =	vadd.s32 v4, v3;
	v4 =	vand.u32 $0x380, v5;
	(ifvalue) =	ssetifvalue $0x7FFFFFFF  }
.Ltmp4:
0x48: {  	_ = 	snop;
	(pc) =	sbr.rel .LBB2_4-.Ltmp4, $1  }
0x49: {  	_ =	sdelay $0x3  }
.LBB2_6:
0x4a: {  	_ =	sfence.sel $0x180000  }
0x4b: {  	s2 =	simm.s32 $0x2;
	[bflag:$0x0] =	sbarrier.arrive $0xFFFF  }
0x4c: {  	s30 =	simm.s32 $0x3;
	[sflag:s2] =	ssyncpa.u1 $0x1  }
0x4d: {  	s31 =	simm.s32 $0x1;
	[sflag:s30] =	ssyncpa.u1 $0x1  }
0x4e: {  	[sflag:s31] =	ssyncpa.u1 $0x1  }
0x4f: {  	p0 =	sne.s32 s0, $0x0;
	_ =	strace $0x90000050  }
0x50: {  	s0 =	sadd.s32 @!p0 $0x100000, s1;
	[bflag:$0x2] =	sbarrier.arrive $0xFFFF  }
0x51: {  	[sflag:s0] =	ssyncadd.tile.s32 @!p0 $0x1;
	_ =	shalt  }
.Lfunc_end2:
_tile_overlayer_lowered:
.L_overlay_start_2:
0x52: {  	(tag) =	ssettag $0x2  }
0x53: {  	s0 =	rddreg [dreg:$0x0];
	s2 =	stileid.u32  }
0x54: {  	s1 =	rddreg [dreg:$0x1];
	p0 =	sne.s32 s2, $0x0  }
0x55: {  	s3 =	rddreg [dreg:$0x2];
	[bflag:$0x3] =	sbarrier.arrive $0xFFFF;
	s2 =	simm.s32 @!p0 $0x1C01  }
0x56: {  	[timem:s3], [sflag:s2] =	dma.local @!p0 [hbm:s0], s1  }
0x57: {  	s0 =	simm.s32 @!p0 $0x1  }
0x58: {  	_ =	swait.ge @!p0 [sflag:s0], s1  }
0x59: {  	s1 =	ssub.s32 @!p0 $0x0, s1;
	[sflag:s0] =	ssyncset.done @!p0 $0x0  }
0x5a: {  	[sflag:s0] =	ssyncadd.s32 @!p0 s1  }
0x5b: {  	[bflag:$0x3] =	sbarrier.arrive $0xFFFF  }
0x5c: {  	_ =	shalt  }

// kernel: gather_offload_async_start
scs
__scs_entry_jumppad:
0x0: {  	(pc) =	sbr.rel $0x88, $3  }
0x1: {  	(tag) =	ssettag $0x0;
	lr =	simm.s32 $0x1  }
0x2: {  	[smem:$0x3F9B] =	sst lr;
	_ =	strace $0xD0000000  }
0x3: {  	_ = 	snop  }
0x4: {  	_ = 	snop  }
0x5: {  	_ = 	snop  }
0x6: {  	_ = 	snop  }
0x7: {  	_ = 	snop  }
__scs_overlays_trampoline_lowered:
0x8: {  	[smem:$0x3FAA] =	sst s0  }
0x9: {  	[smem:$0x3FAB] =	sst s1  }
0xa: {  	[smem:$0x3FAC] =	sst s2  }
0xb: {  	[smem:$0x3FAD] =	sst s3  }
0xc: {  	[smem:$0x3FAE] =	sst s4  }
0xd: {  	[smem:$0x3FAF] =	sst s5  }
0xe: {  	[smem:$0x3FB0] =	sst s6  }
0xf: {  	[smem:$0x3FB1] =	sst s7  }
0x10: {  	[smem:$0x3FB2] =	sst s8  }
0x11: {  	[smem:$0x3FB3] =	sst s9;
	s0 =	simm.s32 @!p0 $0x0  }
0x12: {  	s1 =	sld [smem:$0x3F99];
	s0 =	simm.s32 @p0 $0x1  }
0x13: {  	[smem:$0x3FB4] =	sst s0;
	s0 =	simm.s32 @!p1 $0x0  }
0x14: {  	s2 =	sld [smem:$0x3F98];
	s0 =	simm.s32 @p1 $0x1  }
0x15: {  	[smem:$0x3FB5] =	sst s0;
	s0 =	simm.s32 @!p2 $0x0  }
0x16: {  	s3 =	sld [smem:$0x3FDB];
	s0 =	simm.s32 @p2 $0x1  }
0x17: {  	s4 =	simm.s32 $0x1BF5;
	[smem:$0x3FB7] =	sst s0  }
0x18: {  	s0 =	sld [smem:$0x3F9A];
	_ =	swait.ge [sflag:s4], $0x0  }
0x19: {  	s7 =	sld [smem:$0x3F9B]  }
0x1a: {  	s8 =	sadd.s32 $0xFFFFE003, lr  }
0x1b: {  	s9 =	sadd.s32 $0xFFFFFEF7, lr;
	s5 =	simm.s32 $0xFFFFFFFF;
	p2 =	slt.u32 s8, $0xFFFFF086  }
0x1c: {  	p1 =	slt.u32 s9, $0xF7A;
	s5 =	simm.s32 @!p2 $0x0  }
0x1d: {  	s5 =	simm.s32 @p1 $0x1;
	p0 =	seq.s32 s7, s2  }
0x1e: {  	s7 =	smul.u32 @!p0 $0xF7A, s2;
	p2 =	seq.s32 @!p0 s5, $0x0  }
0x1f: {  	s9 =	smul.u32 $0xF7A, s1;
	s8 =	simm.s32 @!p0 $0x1BF5;
	p2 =	por !p2, p0  }
0x20: {  	[sflag:s8] =	ssyncset.s32 @!p0 $0xFFFFF086;
	s6 =	sadd.s32 @!p0 s3, s7;
	s7 =	simm.s32 @!p0 $0x108  }
0x21: {  	s3 =	sadd.s32 s3, s9;
	s6 =	sadd.s32 @!p0 $0x88, s6;
	s7 =	simm.s32 @p2 $0x1082  }
0x22: {  	[simem:s7], [sflag:s8] =	dma.local @!p0 [hbm:s6], $0xF7A  }
0x23: {  	s9 =	sor.u32 $0xD0000000, s2;
	s6 =	simm.s32 $0x108;
	_ =	swait.ge @!p0 [sflag:s8], $0x0  }
0x24: {  	s3 =	sadd.s32 $0x88, s3;
	s6 =	simm.s32 @!p1 $0x1082;
	[sflag:s4] =	ssyncset.s32 $0xFFFFF086  }
0x25: {  	[simem:s6], [sflag:s4] =	dma.local [hbm:s3], $0xF7A  }
0x26: {  	[smem:$0x3F9B] =	sst s1;
	(tag) =	ssettag s2;
	_ =	strace s9  }
0x27: {  	s1 =	sld [smem:$0x3FAB]  }
0x28: {  	s2 =	sld [smem:$0x3FAC]  }
0x29: {  	s4 =	sld [smem:$0x3FAE]  }
0x2a: {  	p0 =	seq.s32 s5, $0x0;
	s5 =	sld [smem:$0x3FAF]  }
0x2b: {  	s6 =	sld [smem:$0x3FB0]  }
0x2c: {  	s7 =	sld [smem:$0x3FB1]  }
0x2d: {  	s3 =	simm.s32 $0x108;
	s8 =	sld [smem:$0x3FB2]  }
0x2e: {  	s3 =	simm.s32 @!p0 $0x1082;
	s9 =	sld [smem:$0x3FB3]  }
0x2f: {  	lr =	sadd.s32 s0, s3;
	s0 =	sld [smem:$0x3FAA]  }
0x30: {  	s3 =	sld [smem:$0x3FAD]  }
0x31: {  	[smem:$0x3FB6] =	sst s10  }
0x32: {  	s10 =	sld [smem:$0x3FB4];
	_ =	sdelay $0x3  }
0x33: {  	p0 =	seq.s32 s10, $0x1;
	s10 =	sld [smem:$0x3FB6];
	_ =	sdelay $0x3  }
0x34: {  	[smem:$0x3FB6] =	sst s10  }
0x35: {  	s10 =	sld [smem:$0x3FB5];
	_ =	sdelay $0x3  }
0x36: {  	p1 =	seq.s32 s10, $0x1;
	s10 =	sld [smem:$0x3FB6];
	_ =	sdelay $0x3  }
0x37: {  	[smem:$0x3FB6] =	sst s10  }
0x38: {  	s10 =	sld [smem:$0x3FB7]  }
0x39: {  	_ = 	snop;
	(pc) =	sbr.ind lr, $3  }
0x3a: {  	_ = 	snop  }
0x3b: {  	_ = 	snop  }
0x3c: {  	p2 =	seq.s32 s10, $0x1;
	s10 =	sld [smem:$0x3FB6]  }
0x3d: {  	_ =	shalt  }
0x3e: {  	_ =	shalt  }
0x3f: {  	_ =	shalt  }
0x40: {  	_ =	shalt  }
0x41: {  	_ =	shalt  }
0x42: {  	_ =	shalt  }
0x43: {  	_ =	shalt  }
0x44: {  	_ =	shalt  }
0x45: {  	_ =	shalt  }
0x46: {  	_ =	shalt  }
0x47: {  	_ =	shalt  }
0x48: {  	_ =	shalt  }
0x49: {  	_ =	shalt  }
0x4a: {  	_ =	shalt  }
0x4b: {  	_ =	shalt  }
0x4c: {  	_ =	shalt  }
0x4d: {  	_ =	shalt  }
0x4e: {  	_ =	shalt  }
0x4f: {  	_ =	shalt  }
0x50: {  	_ =	shalt  }
0x51: {  	_ =	shalt  }
0x52: {  	_ =	shalt  }
0x53: {  	_ =	shalt  }
0x54: {  	_ =	shalt  }
0x55: {  	_ =	shalt  }
0x56: {  	_ =	shalt  }
0x57: {  	_ =	shalt  }
0x58: {  	_ =	shalt  }
0x59: {  	_ =	shalt  }
0x5a: {  	_ =	shalt  }
0x5b: {  	_ =	shalt  }
0x5c: {  	_ =	shalt  }
0x5d: {  	_ =	shalt  }
0x5e: {  	_ =	shalt  }
0x5f: {  	_ =	shalt  }
0x60: {  	_ =	shalt  }
0x61: {  	_ =	shalt  }
0x62: {  	_ =	shalt  }
0x63: {  	_ =	shalt  }
0x64: {  	_ =	shalt  }
0x65: {  	_ =	shalt  }
0x66: {  	_ =	shalt  }
0x67: {  	_ =	shalt  }
0x68: {  	_ =	shalt  }
0x69: {  	_ =	shalt  }
0x6a: {  	_ =	shalt  }
0x6b: {  	_ =	shalt  }
0x6c: {  	_ =	shalt  }
0x6d: {  	_ =	shalt  }
0x6e: {  	_ =	shalt  }
0x6f: {  	_ =	shalt  }
0x70: {  	_ =	shalt  }
0x71: {  	_ =	shalt  }
0x72: {  	_ =	shalt  }
0x73: {  	_ =	shalt  }
0x74: {  	_ =	shalt  }
0x75: {  	_ =	shalt  }
0x76: {  	_ =	shalt  }
0x77: {  	_ =	shalt  }
0x78: {  	_ =	shalt  }
0x79: {  	_ =	shalt  }
0x7a: {  	_ =	shalt  }
0x7b: {  	_ =	shalt  }
0x7c: {  	_ =	shalt  }
0x7d: {  	_ =	shalt  }
0x7e: {  	_ =	shalt  }
0x7f: {  	_ =	shalt  }
0x80: {  	_ =	shalt  }
0x81: {  	_ =	shalt  }
0x82: {  	_ =	shalt  }
0x83: {  	_ =	shalt  }
0x84: {  	_ =	shalt  }
0x85: {  	_ =	shalt  }
0x86: {  	_ =	shalt  }
0x87: {  	_ =	shalt  }
.Lfunc_end0:
.L_simem_size_0:
called_computation.3_lowered:
.L_overlay_start_0:
0x88: {  	s0 =	sld [smem:$0x3FD9]  }
0x89: {  	s1 =	sld [smem:$0x3FFE];
	_ =	sdelay $0x3  }
0x8a: {  	s0 =	sadd.s32 s1, s0  }
0x8b: {  	[smem:$0x3FC2] =	sst s0  }
0x8c: {  	_ = 	snop  }
0x8d: {  	(tm) =	ssettm $0x1  }
0x8e: {  	s15 =	sld [smem:$0x3FFB];
	_ =	sdelay $0x3  }
0x8f: {  	_ =	strace s15  }
0x90: {  	s0 =	sld [smem:$0x3FFC];
	_ =	sdelay $0x3  }
0x91: {  	_ =	strace s0  }
0x92: {  	s0 =	sld [smem:$0x3FFD];
	_ =	sdelay $0x3  }
0x93: {  	_ =	strace s0  }
0x94: {  	_ =	strace $0x8FFFFFFF  }
0x95: {  	s16 =	sld [smem:$0x3FDB];
	_ =	sdelay $0x1  }
0x96: {  	s17 =	simm.s32 $_scs_section_size  }
0x97: {  	s2 =	simm.s32 $_size__tile_overlayer_lowered;
	s3 =	simm.s32 $_tile_overlayer_lowered  }
0x98: {  	s20 =	simm.s32 $0x1BFF;
	s19 =	sshll.u32 s3, $0x1;
	s0 =	sadd.s32 s17, s16  }
0x99: {  	s4 =	simm.s32 $0x0;
	s18 =	sshll.u32 s2, $0x1;
	s2 =	sadd.s32 s19, s0  }
0x9a: {  	[timem:s4], [sflag:s20] =	dma.local [hbm:s2], s18  }
0x9b: {  	_ =	swait.ge [sflag:s20], s18  }
0x9c: {  	s1 =	ssub.s32 $0x0, s18;
	[sflag:s20] =	ssyncset.done $0x0  }
0x9d: {  	[sflag:s20] =	ssyncadd.s32 s1;
	_ =	sdelay $0x1  }
0x9e: {  	s21 =	simm.s32 $0x1B8B  }
0x9f: {  	_ =	swait.ge [sflag:s21], $0x1  }
0xa0: {  	[sflag:s21] =	ssyncset.done $0x0  }
0xa1: {  	s23 =	simm.s32 $0x1B8E;
	s22 =	sld [smem:$0x3FFE];
	[sflag:s21] =	ssyncadd.s32 $0xFFFFFFFF  }
0xa2: {  	s24 =	simm.s32 $execute0_lowered;
	[smem:$0x3FD2] =	sst s23  }
0xa3: {  	s2 =	sshll.u32 s24, $0x1;
	_ =	strace $0x80000058;
	[dreg:$0x1] =	wrdreg $0xFFFFFFFF  }
0xa4: {  	s25 =	simm.s32 $_size_execute0_lowered;
	s0 =	sadd.s32 s0, s2;
	[dreg:$0x0] =	wrdreg $0x0  }
0xa5: {  	s2 =	sshll.u32 s25, $0x1;
	[dreg:$0x2] =	wrdreg s0  }
0xa6: {  	[dreg:$0x3] =	wrdreg s2  }
0xa7: {  	[dreg:$0x4] =	wrdreg $0xC0  }
0xa8: {  	_ =	task [dreg:s4], $0x5FFFF  }
0xa9: {  	[dreg:$0x1] =	wrdreg $0xFFFFFFFF  }
0xaa: {  	[dreg:$0x0] =	wrdreg $0x60  }
0xab: {  	[dreg:$0x2] =	wrdreg s22  }
0xac: {  	[dreg:$0x3] =	wrdreg $0x9  }
0xad: {  	_ =	task.clear_ibuf [dreg:s4], $0x4FFFF;
	_ =	strace $0x90000058  }
0xae: {  	s26 =	simm.s32 $0x9;
	_ =	strace $0x8000005A  }
0xaf: {  	_ =	swait.ge [sflag:s26], $0x1  }
0xb0: {  	[sflag:s26] =	ssyncadd.s32 $0xFFFFFFFF  }
0xb1: {  	_ =	strace $0x9000005A  }
0xb2: {  	_ =	sfence  }
0xb3: {  	s28 =	sld [smem:$0x0];
	_ =	sdelay $0x1  }
0xb4: {  	s29 =	srdreg.scid  }
0xb5: {  	s30 =	sshll.u32 s29, $0xD;
	s31 =	sshrl.u32 s29, $0x2  }
0xb6: {  	s1 =	sand.u32 $0x1, s29;
	s2 =	sand.u32 $0x4000, s30;
	s0 =	sadd.s32 s31, s28  }
0xb7: {  	s1 =	sor.u32 s2, s1;
	s0 =	sshll.u32 s0, $0x11  }
0xb8: {  	s0 =	sor.u32 s0, s1  }
0xb9: {  	s0 =	sadd.s32 $0x8F2B, s0  }
0xba: {  	[sflag:s0] =	ssyncadd.remote.s32 $0x1  }
0xbb: {  	_ =	sfence.sel $0xFFFF  }
0xbc: {  	[dreg:$0x0] =	wrdreg $0xFFFFFFFF;
	(pc) =	sbr.abs _section_cstart, $3  }
0xbd: {  	[dreg:$0x1] =	wrdreg $0xFFFFFFFF  }
0xbe: {  	_ =	task.clear_ibuf [dreg:s4], $0x2FFFF;
	_ =	strace $0x9FFFFFFF  }
0xbf: {  	(tm) =	ssettm $0x7FFFFFFF  }
tec
execute0_lowered:
.L_overlay_start_1:
0x0: {  	(tag) =	ssettag $0x1  }
0x1: {  	s8 =	rddreg [dreg:$0x0]  }
0x2: {  	s0 =	rddreg [dreg:$0x1];
	_ =	strace $0x80000059  }
0x3: {  	s4 =	simm.s32 $0x1;
	s1 =	stileid.u32;
	s7 =	simm.s32 $0x1  }
0x4: {  	s9 =	simm.s32 $0x1;
	s6 =	simm.s32 $0x2;
	s10 =	simm.s32 $0x3  }
0x5: {  	s13 =	simm.s32 $0x0;
	s12 =	simm.s32 $0x0;
	s2 =	sadd.s32 $0x400, s8  }
.Ltmp0:
0x6: {  	s3 =	sadd.s32 $0x1E400, s8;
	p0 =	slt.u32 s1, $0xA;
	(pc) =	sbr.rel .LBB2_1-.Ltmp0, $4  }
0x7: {  	[sflag:s4] =	ssyncpa.u1 $0x0;
	s7 =	simm.s32 @!p0 $0x0;
	p0 =	sne.s32 s1, $0x9  }
0x8: {  	s5 =	smul.u32 $0x3390, s1;
	[sflag:s6] =	ssyncpa.u1 $0x0;
	s9 =	simm.s32 @!p0 $0x0  }
0x9: {  	s8 =	sadd.s32 $0x4F800, s8;
	[sflag:s10] =	ssyncpa.u1 $0x0;
	s7 =	sadd.s32 s9, s7  }
0xa: {  	vm0 =	vmmov $0xffff;
	s10 =	simm.s32 $0x0;
	s11 =	smov.u32 s5;
	s9 =	sadd.s32 $0x1, s7  }
.LBB2_4:
0xb: {  	v2 =	vnsel vm1, $0x0, v2  }
0xc: {  	vm1 =	vgt.s32 v0, $0x0;
	v2 =	vmin.u32 v2, $0x5090F  }
0xd: {  	v0 =	vnsel vm1, $0x0, v0  }
0xe: {  	v0 =	vmin.u32 v0, $0x5090F  }
0xf: {  	[tilespmem:s18], [sflag:$0x1] =	stream.indirect_vreg.gather [hbm4b:s2+s10], $0x1, v1, vm0, $0x4038;
	[tilespmem:$0xCE40] =	vst v63  }
0x10: {  	(ifvalue) =	ssetifvalue $0x7FFFFFFF  }
0x11: {  	[tilespmem:s15], [sflag:$0x1] =	stream.indirect_vreg.gather [hbm4b:s2+s10], $0x1, v2, vm0, $0x4038;
	[tilespmem:$0xCE40] =	vst v63  }
0x12: {  	s29 =	sadd.s32 $0x10, s15;
	(ifvalue) =	ssetifvalue $0x7FFFFFFF  }
0x13: {  	[tilespmem:s29], [sflag:$0x1] =	stream.indirect_vreg.gather [hbm4b:s2+s10], $0x1, v0, vm0, $0x4038;
	[tilespmem:$0xCE40] =	vst v63  }
0x14: {  	_ =	swait.ge [sflag:s4], $0x3390  }
0x15: {  	s30 =	sshrl.u32 s13, $0x3;
	[sflag:s4] =	ssyncset.done $0x0  }
0x16: {  	s31 =	sand.u32 $0x7, s13;
	s15 =	sadd.s32 s8, s30;
	[sflag:s4] =	ssyncadd.s32 $0xFFFFCC70  }
0x17: {  	[hbm4b:s15+s31] =	stream.linear.scatter [tilespmem:s14], [sflag:$0x3], $0x3390, $0x38;
	[tilespmem:$0xCE40] =	vst v63  }
.LBB2_5:
0x18: {  	s15 =	sadd.s32 $0x33900, s11  }
0x19: {  	p1 =	sgt.s32 s15, $0x5090F  }
0x1a: {  	s15 =	smov.u32 @p1 s5;
	p1 =	sne.s32 s12, s9  }
.Ltmp1:
0x1b: {  	p0 =	slt.u32 s12, $0x2;
	(pc) =	sbr.rel @!p1 .LBB2_6-.Ltmp1, $4  }
0x1c: {  	s14 =	simm.s32 @!p0 $0x3  }
0x1d: {  	_ =	swait.ge @!p0 [sflag:s14], $0x3390  }
0x1e: {  	s16 =	sadd.s32 $0x1, s12;
	s13 =	smov.u32 s11;
	[sflag:s14] =	ssyncset.done @!p0 $0x0  }
0x1f: {  	s12 =	smov.u32 s16;
	s11 =	smov.u32 s15;
	[sflag:s14] =	ssyncadd.s32 @!p0 $0xFFFFCC70  }
.LBB2_1:
0x20: {  	p0 =	sge.u32 s12, s7  }
0x21: {  	s14 =	sxor.u32 @!p0 $0x1, s12  }
0x22: {  	s14 =	smul.u32 @!p0 $0xCE40, s14  }
0x23: {  	s31 =	sadd.s32 $0xFFFFFFFF, s12;
	s15 =	sshrl.u32 @!p0 s11, $0x3  }
0x24: {  	s16 =	sand.u32 @!p0 $0x7, s11;
	s15 =	sadd.s32 @!p0 s3, s15;
	s14 =	sshra.s32 @!p0 s14, $0x2  }
0x25: {  	[tilespmem:s14], [sflag:$0x2] =	stream.linear.gather @!p0 [hbm4b:s15+s16], $0x3390, $0x38;
	[tilespmem:$0xCE40] =	vst v63  }
0x26: {  	p0 =	sge.u32 s31, s7  }
.Ltmp2:
0x27: {  	_ = 	snop;
	(pc) =	sbr.rel @p0 .LBB2_5-.Ltmp2, $1  }
0x28: {  	_ =	sdelay $0x3  }
0x29: {  	s14 =	sand.u32 $0x1, s12  }
0x2a: {  	_ =	swait.ge [sflag:s6], $0x3390;
	p0 =	seq.s32 s14, $0x1;
	s14 =	simm.s32 $0x3390  }
0x2b: {  	[sflag:s6] =	ssyncset.done $0x0;
	s14 =	simm.s32 @!p0 $0x0  }
0x2c: {  	[sflag:s6] =	ssyncadd.s32 $0xFFFFCC70;
	(ifvalue) =	ssetifvalue $0x7FFFFFFF;
	v0 =	vld.msk [tilespmem:s14+$0x0 ss:$0x1], $0xffff;
	_ =	sdelay $0x4  }
0x2d: {  	s15 =	sadd.s32 $0x10, s14;
	vm1 =	vgt.s32 v0, $0x0  }
0x2e: {  	v2 =	vld.msk [tilespmem:s15+$0x0 ss:$0x1], $0xffff;
	v1 =	vnsel vm1, $0x0, v0  }
0x2f: {  	v1 =	vmin.u32 v1, $0x5090F;
	_ =	sdelay $0x2  }
0x30: {  	s17 =	simm.s32 $0x20;
	s14 =	sadd.s32 $0x6720, s14;
	s16 =	sadd.s32 $0x10, s15  }
0x31: {  	s15 =	sadd.s32 $0x10, s14;
	s18 =	smov.u32 s14;
	v0 =	vld.msk [tilespmem:s16+$0x0 ss:$0x1], $0xffff;
	vm1 =	vgt.s32 v2, $0x0;
	(ifvalue) =	ssetifvalue $0x7FFFFFFF  }
.LBB2_3:
0x32: {  	[tilespmem:s18], [sflag:$0x1] =	stream.indirect_vreg.gather [hbm4b:s2+s10], $0x1, v1, vm0, $0x4038;
	[tilespmem:$0xCE40] =	vst v63  }
0x33: {  	s17 =	sadd.s32 $0x10, s17  }
0x34: {  	v2 =	vnsel vm1, $0x0, v2;
	p0 =	slt.u32 s17, $0x3380  }
.Ltmp3:
0x35: {  	s18 =	smov.u32 s15;
	v1 =	vmin.u32 v2, $0x5090F;
	(pc) =	sbr.rel @p0 .LBB2_3-.Ltmp3, $3  }
0x36: {  	_ =	sdelay $0x1  }
0x37: {  	s16 =	sadd.s32 $0x10, s16  }
0x38: {  	vm1 =	vgt.s32 v0, $0x0;
	s15 =	sadd.s32 $0x10, s15;
	v2 =	vmov v0;
	(ifvalue) =	ssetifvalue $0x7FFFFFFF;
	v0 =	vld.msk [tilespmem:s16+$0x0 ss:$0x1], $0xffff  }
.Ltmp4:
0x39: {  	_ = 	snop;
	(pc) =	sbr.rel .LBB2_4-.Ltmp4, $1  }
0x3a: {  	_ =	sdelay $0x3  }
.LBB2_6:
0x3b: {  	_ =	sfence.sel $0x180000  }
0x3c: {  	s2 =	simm.s32 $0x2;
	[bflag:$0x0] =	sbarrier.arrive $0xFFFF  }
0x3d: {  	s30 =	simm.s32 $0x3;
	[sflag:s2] =	ssyncpa.u1 $0x1  }
0x3e: {  	s31 =	simm.s32 $0x1;
	[sflag:s30] =	ssyncpa.u1 $0x1  }
0x3f: {  	[sflag:s31] =	ssyncpa.u1 $0x1  }
0x40: {  	p0 =	sne.s32 s1, $0x0;
	_ =	strace $0x90000059  }
0x41: {  	s0 =	sadd.s32 @!p0 $0x100000, s0;
	[bflag:$0x2] =	sbarrier.arrive $0xFFFF  }
0x42: {  	[sflag:s0] =	ssyncadd.tile.s32 @!p0 $0x1;
	_ =	shalt  }
.Lfunc_end2:
_tile_overlayer_lowered:
.L_overlay_start_2:
0x43: {  	(tag) =	ssettag $0x2  }
0x44: {  	s0 =	rddreg [dreg:$0x0];
	s2 =	stileid.u32  }
0x45: {  	s1 =	rddreg [dreg:$0x1];
	p0 =	sne.s32 s2, $0x0  }
0x46: {  	s3 =	rddreg [dreg:$0x2];
	[bflag:$0x3] =	sbarrier.arrive $0xFFFF;
	s2 =	simm.s32 @!p0 $0x1C01  }
0x47: {  	[timem:s3], [sflag:s2] =	dma.local @!p0 [hbm:s0], s1  }
0x48: {  	s0 =	simm.s32 @!p0 $0x1  }
0x49: {  	_ =	swait.ge @!p0 [sflag:s0], s1  }
0x4a: {  	s1 =	ssub.s32 @!p0 $0x0, s1;
	[sflag:s0] =	ssyncset.done @!p0 $0x0  }
0x4b: {  	[sflag:s0] =	ssyncadd.s32 @!p0 s1  }
0x4c: {  	[bflag:$0x3] =	sbarrier.arrive $0xFFFF  }
0x4d: {  	_ =	shalt  }

// kernel: scatter_offload_async_start
scs
__scs_entry_jumppad:
0x0: {  	(pc) =	sbr.rel $0x88, $3  }
0x1: {  	(tag) =	ssettag $0x0;
	lr =	simm.s32 $0x1  }
0x2: {  	[smem:$0x3F9B] =	sst lr;
	_ =	strace $0xD0000000  }
0x3: {  	_ = 	snop  }
0x4: {  	_ = 	snop  }
0x5: {  	_ = 	snop  }
0x6: {  	_ = 	snop  }
0x7: {  	_ = 	snop  }
__scs_overlays_trampoline_lowered:
0x8: {  	[smem:$0x3FAA] =	sst s0  }
0x9: {  	[smem:$0x3FAB] =	sst s1  }
0xa: {  	[smem:$0x3FAC] =	sst s2  }
0xb: {  	[smem:$0x3FAD] =	sst s3  }
0xc: {  	[smem:$0x3FAE] =	sst s4  }
0xd: {  	[smem:$0x3FAF] =	sst s5  }
0xe: {  	[smem:$0x3FB0] =	sst s6  }
0xf: {  	[smem:$0x3FB1] =	sst s7  }
0x10: {  	[smem:$0x3FB2] =	sst s8  }
0x11: {  	[smem:$0x3FB3] =	sst s9;
	s0 =	simm.s32 @!p0 $0x0  }
0x12: {  	s1 =	sld [smem:$0x3F99];
	s0 =	simm.s32 @p0 $0x1  }
0x13: {  	[smem:$0x3FB4] =	sst s0;
	s0 =	simm.s32 @!p1 $0x0  }
0x14: {  	s2 =	sld [smem:$0x3F98];
	s0 =	simm.s32 @p1 $0x1  }
0x15: {  	[smem:$0x3FB5] =	sst s0;
	s0 =	simm.s32 @!p2 $0x0  }
0x16: {  	s3 =	sld [smem:$0x3FDB];
	s0 =	simm.s32 @p2 $0x1  }
0x17: {  	s4 =	simm.s32 $0x1BF5;
	[smem:$0x3FB7] =	sst s0  }
0x18: {  	s0 =	sld [smem:$0x3F9A];
	_ =	swait.ge [sflag:s4], $0x0  }
0x19: {  	s7 =	sld [smem:$0x3F9B]  }
0x1a: {  	s8 =	sadd.s32 $0xFFFFE003, lr  }
0x1b: {  	s9 =	sadd.s32 $0xFFFFFEF7, lr;
	s5 =	simm.s32 $0xFFFFFFFF;
	p2 =	slt.u32 s8, $0xFFFFF086  }
0x1c: {  	p1 =	slt.u32 s9, $0xF7A;
	s5 =	simm.s32 @!p2 $0x0  }
0x1d: {  	s5 =	simm.s32 @p1 $0x1;
	p0 =	seq.s32 s7, s2  }
0x1e: {  	s7 =	smul.u32 @!p0 $0xF7A, s2;
	p2 =	seq.s32 @!p0 s5, $0x0  }
0x1f: {  	s9 =	smul.u32 $0xF7A, s1;
	s8 =	simm.s32 @!p0 $0x1BF5;
	p2 =	por !p2, p0  }
0x20: {  	[sflag:s8] =	ssyncset.s32 @!p0 $0xFFFFF086;
	s6 =	sadd.s32 @!p0 s3, s7;
	s7 =	simm.s32 @!p0 $0x108  }
0x21: {  	s3 =	sadd.s32 s3, s9;
	s6 =	sadd.s32 @!p0 $0x88, s6;
	s7 =	simm.s32 @p2 $0x1082  }
0x22: {  	[simem:s7], [sflag:s8] =	dma.local @!p0 [hbm:s6], $0xF7A  }
0x23: {  	s9 =	sor.u32 $0xD0000000, s2;
	s6 =	simm.s32 $0x108;
	_ =	swait.ge @!p0 [sflag:s8], $0x0  }
0x24: {  	s3 =	sadd.s32 $0x88, s3;
	s6 =	simm.s32 @!p1 $0x1082;
	[sflag:s4] =	ssyncset.s32 $0xFFFFF086  }
0x25: {  	[simem:s6], [sflag:s4] =	dma.local [hbm:s3], $0xF7A  }
0x26: {  	[smem:$0x3F9B] =	sst s1;
	(tag) =	ssettag s2;
	_ =	strace s9  }
0x27: {  	s1 =	sld [smem:$0x3FAB]  }
0x28: {  	s2 =	sld [smem:$0x3FAC]  }
0x29: {  	s4 =	sld [smem:$0x3FAE]  }
0x2a: {  	p0 =	seq.s32 s5, $0x0;
	s5 =	sld [smem:$0x3FAF]  }
0x2b: {  	s6 =	sld [smem:$0x3FB0]  }
0x2c: {  	s7 =	sld [smem:$0x3FB1]  }
0x2d: {  	s3 =	simm.s32 $0x108;
	s8 =	sld [smem:$0x3FB2]  }
0x2e: {  	s3 =	simm.s32 @!p0 $0x1082;
	s9 =	sld [smem:$0x3FB3]  }
0x2f: {  	lr =	sadd.s32 s0, s3;
	s0 =	sld [smem:$0x3FAA]  }
0x30: {  	s3 =	sld [smem:$0x3FAD]  }
0x31: {  	[smem:$0x3FB6] =	sst s10  }
0x32: {  	s10 =	sld [smem:$0x3FB4];
	_ =	sdelay $0x3  }
0x33: {  	p0 =	seq.s32 s10, $0x1;
	s10 =	sld [smem:$0x3FB6];
	_ =	sdelay $0x3  }
0x34: {  	[smem:$0x3FB6] =	sst s10  }
0x35: {  	s10 =	sld [smem:$0x3FB5];
	_ =	sdelay $0x3  }
0x36: {  	p1 =	seq.s32 s10, $0x1;
	s10 =	sld [smem:$0x3FB6];
	_ =	sdelay $0x3  }
0x37: {  	[smem:$0x3FB6] =	sst s10  }
0x38: {  	s10 =	sld [smem:$0x3FB7]  }
0x39: {  	_ = 	snop;
	(pc) =	sbr.ind lr, $3  }
0x3a: {  	_ = 	snop  }
0x3b: {  	_ = 	snop  }
0x3c: {  	p2 =	seq.s32 s10, $0x1;
	s10 =	sld [smem:$0x3FB6]  }
0x3d: {  	_ =	shalt  }
0x3e: {  	_ =	shalt  }
0x3f: {  	_ =	shalt  }
0x40: {  	_ =	shalt  }
0x41: {  	_ =	shalt  }
0x42: {  	_ =	shalt  }
0x43: {  	_ =	shalt  }
0x44: {  	_ =	shalt  }
0x45: {  	_ =	shalt  }
0x46: {  	_ =	shalt  }
0x47: {  	_ =	shalt  }
0x48: {  	_ =	shalt  }
0x49: {  	_ =	shalt  }
0x4a: {  	_ =	shalt  }
0x4b: {  	_ =	shalt  }
0x4c: {  	_ =	shalt  }
0x4d: {  	_ =	shalt  }
0x4e: {  	_ =	shalt  }
0x4f: {  	_ =	shalt  }
0x50: {  	_ =	shalt  }
0x51: {  	_ =	shalt  }
0x52: {  	_ =	shalt  }
0x53: {  	_ =	shalt  }
0x54: {  	_ =	shalt  }
0x55: {  	_ =	shalt  }
0x56: {  	_ =	shalt  }
0x57: {  	_ =	shalt  }
0x58: {  	_ =	shalt  }
0x59: {  	_ =	shalt  }
0x5a: {  	_ =	shalt  }
0x5b: {  	_ =	shalt  }
0x5c: {  	_ =	shalt  }
0x5d: {  	_ =	shalt  }
0x5e: {  	_ =	shalt  }
0x5f: {  	_ =	shalt  }
0x60: {  	_ =	shalt  }
0x61: {  	_ =	shalt  }
0x62: {  	_ =	shalt  }
0x63: {  	_ =	shalt  }
0x64: {  	_ =	shalt  }
0x65: {  	_ =	shalt  }
0x66: {  	_ =	shalt  }
0x67: {  	_ =	shalt  }
0x68: {  	_ =	shalt  }
0x69: {  	_ =	shalt  }
0x6a: {  	_ =	shalt  }
0x6b: {  	_ =	shalt  }
0x6c: {  	_ =	shalt  }
0x6d: {  	_ =	shalt  }
0x6e: {  	_ =	shalt  }
0x6f: {  	_ =	shalt  }
0x70: {  	_ =	shalt  }
0x71: {  	_ =	shalt  }
0x72: {  	_ =	shalt  }
0x73: {  	_ =	shalt  }
0x74: {  	_ =	shalt  }
0x75: {  	_ =	shalt  }
0x76: {  	_ =	shalt  }
0x77: {  	_ =	shalt  }
0x78: {  	_ =	shalt  }
0x79: {  	_ =	shalt  }
0x7a: {  	_ =	shalt  }
0x7b: {  	_ =	shalt  }
0x7c: {  	_ =	shalt  }
0x7d: {  	_ =	shalt  }
0x7e: {  	_ =	shalt  }
0x7f: {  	_ =	shalt  }
0x80: {  	_ =	shalt  }
0x81: {  	_ =	shalt  }
0x82: {  	_ =	shalt  }
0x83: {  	_ =	shalt  }
0x84: {  	_ =	shalt  }
0x85: {  	_ =	shalt  }
0x86: {  	_ =	shalt  }
0x87: {  	_ =	shalt  }
.Lfunc_end0:
.L_simem_size_0:
called_computation_lowered:
.L_overlay_start_0:
0x88: {  	s0 =	sld [smem:$0x3FD9]  }
0x89: {  	s1 =	sld [smem:$0x3FFE];
	_ =	sdelay $0x3  }
0x8a: {  	s0 =	sadd.s32 s1, s0  }
0x8b: {  	[smem:$0x3FC2] =	sst s0  }
0x8c: {  	_ = 	snop  }
0x8d: {  	s0 =	sld [smem:$0x3FD0];
	(tm) =	ssettm $0x1  }
0x8e: {  	s16 =	sld [smem:$0x3FFB];
	_ =	sdelay $0x3  }
0x8f: {  	_ =	strace s16  }
0x90: {  	s1 =	sld [smem:$0x3FFC];
	_ =	sdelay $0x3  }
0x91: {  	_ =	strace s1  }
0x92: {  	s1 =	sld [smem:$0x3FFD];
	_ =	sdelay $0x3  }
0x93: {  	_ =	strace s1  }
0x94: {  	_ =	strace $0x8FFFFFFF  }
0x95: {  	s17 =	sld [smem:$0x3FDB];
	_ =	sdelay $0x1  }
0x96: {  	s2 =	simm.s32 $_scs_section_size  }
0x97: {  	s3 =	simm.s32 $_size__tile_overlayer_lowered;
	s4 =	simm.s32 $_tile_overlayer_lowered  }
0x98: {  	s20 =	simm.s32 $0x1BFF;
	s19 =	sshll.u32 s4, $0x1;
	s1 =	sadd.s32 s2, s17  }
0x99: {  	s5 =	simm.s32 $0x0;
	s18 =	sshll.u32 s3, $0x1;
	s3 =	sadd.s32 s19, s1  }
0x9a: {  	[timem:s5], [sflag:s20] =	dma.local [hbm:s3], s18  }
0x9b: {  	_ =	swait.ge [sflag:s20], s18  }
0x9c: {  	s2 =	ssub.s32 $0x0, s18;
	[sflag:s20] =	ssyncset.done $0x0  }
0x9d: {  	[sflag:s20] =	ssyncadd.s32 s2;
	_ =	sdelay $0x1  }
0x9e: {  	s21 =	simm.s32 $0x1B8B  }
0x9f: {  	_ =	swait.ge [sflag:s21], $0x1  }
0xa0: {  	[sflag:s21] =	ssyncset.done $0x0  }
0xa1: {  	s23 =	simm.s32 $0x1B8E;
	s22 =	sld [smem:$0x3FFE];
	[sflag:s21] =	ssyncadd.s32 $0xFFFFFFFF  }
0xa2: {  	s24 =	simm.s32 $execute0_lowered;
	[smem:$0x3FD2] =	sst s23  }
0xa3: {  	s3 =	sshll.u32 s24, $0x1;
	_ =	strace $0x80000064;
	[dreg:$0x1] =	wrdreg $0xFFFFFFFF  }
0xa4: {  	s25 =	simm.s32 $_size_execute0_lowered;
	s1 =	sadd.s32 s1, s3;
	[dreg:$0x0] =	wrdreg $0x0  }
0xa5: {  	s3 =	sshll.u32 s25, $0x1;
	[dreg:$0x2] =	wrdreg s1  }
0xa6: {  	[dreg:$0x3] =	wrdreg s3  }
0xa7: {  	[dreg:$0x4] =	wrdreg $0xC0  }
0xa8: {  	_ =	task [dreg:s5], $0x5FFFF  }
0xa9: {  	[dreg:$0x1] =	wrdreg $0xFFFFFFFF  }
0xaa: {  	[dreg:$0x0] =	wrdreg $0x60  }
0xab: {  	[dreg:$0x2] =	wrdreg s22  }
0xac: {  	[dreg:$0x3] =	wrdreg s0  }
0xad: {  	[dreg:$0x4] =	wrdreg $0x9  }
0xae: {  	_ =	task.clear_ibuf [dreg:s5], $0x5FFFF;
	_ =	strace $0x90000064  }
0xaf: {  	s26 =	simm.s32 $0x9;
	_ =	strace $0x80000066  }
0xb0: {  	_ =	swait.ge [sflag:s26], $0x1  }
0xb1: {  	[sflag:s26] =	ssyncadd.s32 $0xFFFFFFFF  }
0xb2: {  	_ =	strace $0x90000066  }
0xb3: {  	_ =	sfence  }
0xb4: {  	s28 =	sld [smem:$0x0];
	_ =	sdelay $0x1  }
0xb5: {  	s29 =	srdreg.scid  }
0xb6: {  	s30 =	sshll.u32 s29, $0xD;
	s31 =	sshrl.u32 s29, $0x2  }
0xb7: {  	s2 =	sand.u32 $0x4000, s30;
	s1 =	sand.u32 $0x1, s29;
	s0 =	sadd.s32 s31, s28  }
0xb8: {  	s1 =	sor.u32 s2, s1;
	s0 =	sshll.u32 s0, $0x11  }
0xb9: {  	s0 =	sor.u32 s0, s1  }
0xba: {  	s0 =	sadd.s32 $0x8F2B, s0  }
0xbb: {  	[sflag:s0] =	ssyncadd.remote.s32 $0x1  }
0xbc: {  	_ =	sfence.sel $0xFFFF  }
0xbd: {  	[dreg:$0x0] =	wrdreg $0xFFFFFFFF;
	(pc) =	sbr.abs _section_cstart, $3  }
0xbe: {  	[dreg:$0x1] =	wrdreg $0xFFFFFFFF  }
0xbf: {  	_ =	task.clear_ibuf [dreg:s5], $0x2FFFF;
	_ =	strace $0x9FFFFFFF  }
0xc0: {  	(tm) =	ssettm $0x7FFFFFFF  }
0xc1: {  	_ =	shalt  }
tec
execute0_lowered:
.L_overlay_start_1:
0x0: {  	(tag) =	ssettag $0x1  }
0x1: {  	s7 =	rddreg [dreg:$0x0]  }
0x2: {  	s2 =	rddreg [dreg:$0x1]  }
0x3: {  	s0 =	rddreg [dreg:$0x2];
	_ =	strace $0x80000065  }
0x4: {  	s4 =	stileid.u32;
	s5 =	simm.s32 $0x3E;
	s1 =	sadd.s32 $0x1DE00, s7  }
0x5: {  	p0 =	sne.s32 s4, $0x0;
	[sflag:s5] =	ssyncpa.u1 $0x0;
	s29 =	smul.u32 $0x3, s4  }
0x6: {  	s30 =	smin.u32 s4, $0x7;
	s3 =	simm.s32 @!p0 $0x1C3E;
	s6 =	simm.s32 @!p0 $0x0  }
0x7: {  	[spmem:s6], [sflag:s3] =	dma.local @!p0 [hbm:s1], $0x500  }
0x8: {  	s3 =	sadd.s32 s30, s29  }
0x9: {  	p1 =	slt.u32 s4, $0x7;
	s4 =	simm.s32 $0x5DC0;
	s3 =	smul.u32 $0x1770, s3  }
0xa: {  	s4 =	simm.s32 @!p1 $0x4650  }
0xb: {  	s4 =	sadd.s32 s4, s3  }
0xc: {  	s4 =	smin.u32 s4, $0x50910  }
0xd: {  	s8 =	ssub.s32 s4, s3  }
0xe: {  	p1 =	sgt.s32 s8, $0x0  }
0xf: {  	s8 =	simm.s32 @!p1 $0x0  }
0x10: {  	s6 =	simm.s32 @!p0 $0x3E;
	s31 =	smulhi.u32 $0x57619F1, s8  }
0x11: {  	_ =	swait.ge @!p0 [sflag:s6], $0x500  }
0x12: {  	[sflag:s6] =	ssyncset.done @!p0 $0x0;
	s9 =	sshrl.u32 s31, $0x7  }
0x13: {  	s11 =	simm.s32 $0x0;
	[sflag:s6] =	ssyncadd.s32 @!p0 $0xFFFFFB00;
	s10 =	smul.u32 $0x1770, s9  }
.Ltmp0:
0x14: {  	s7 =	sadd.s32 $0x13C00, s7;
	[bflag:$0x0] =	sbarrier.arrive $0xFFFF;
	(pc) =	sbr.rel .LBB2_1-.Ltmp0, $4  }
0x15: {  	s6 =	simm.s32 $0x2;
	[sflag:s5] =	ssyncpa.u1 $0x1;
	s5 =	simm.s32 $0x1  }
0x16: {  	[sflag:s5] =	ssyncpa.u1 $0x0;
	p1 =	sne.s32 s8, s10;
	s8 =	simm.s32 $0x1  }
0x17: {  	(ifvalue) =	ssetifvalue $0x2800;
	[sflag:s6] =	ssyncpa.u1 $0x0;
	s8 =	simm.s32 @!p1 $0x0  }
0x18: {  	vm0 =	vmmov $0xffff;
	s10 =	smov.u32 s3;
	s8 =	sadd.s32 s8, s9;
	s9 =	simm.s32 $0x0  }
.LBB2_5:
0x19: {  	p2 =	sne.s32 s11, s8  }
.Ltmp1:
0x1a: {  	_ = 	snop;
	(pc) =	sbr.rel @!p2 .LBB2_6-.Ltmp1, $4  }
0x1b: {  	_ = 	snop  }
0x1c: {  	s12 =	sadd.s32 $0x1770, s10  }
0x1d: {  	s10 =	smov.u32 s3;
	s13 =	sadd.s32 $0x1, s11;
	p1 =	slt.s32 s12, s4  }
0x1e: {  	s11 =	smov.u32 s13;
	s10 =	smov.u32 @p1 s12  }
.LBB2_1:
0x1f: {  	p1 =	sge.u32 s11, s8  }
0x20: {  	s12 =	sxor.u32 @!p1 $0xFFFFFFFF, s11  }
0x21: {  	s12 =	sand.u32 @!p1 $0x1, s12  }
0x22: {  	s12 =	smul.u32 @!p1 $0x1770, s12  }
0x23: {  	s13 =	sshrl.u32 @!p1 s10, $0x3  }
0x24: {  	s16 =	sand.u32 @!p1 $0x7, s10;
	s14 =	sadd.s32 @!p1 s2, s13;
	s15 =	sadd.s32 @!p1 $0x280, s12  }
0x25: {  	[tilespmem:s15], [sflag:$0x2] =	stream.linear.gather @!p1 [hbm4b:s14+s16], $0x1770, $0x38;
	[tilespmem:$0x6040] =	vst v63  }
0x26: {  	s13 =	sadd.s32 @!p1 s7, s13;
	s12 =	sadd.s32 @!p1 $0x3160, s12  }
0x27: {  	[tilespmem:s12], [sflag:$0x2] =	stream.linear.gather @!p1 [hbm4b:s13+s16], $0x1770, $0x38;
	[tilespmem:$0x6040] =	vst v63  }
0x28: {  	p1 =	seq.s32 s11, $0x0  }
.Ltmp2:
0x29: {  	_ = 	snop;
	(pc) =	sbr.rel @p1 .LBB2_5-.Ltmp2, $1  }
0x2a: {  	_ =	sdelay $0x3  }
0x2b: {  	s12 =	sand.u32 $0x1, s11  }
0x2c: {  	_ =	swait.ge [sflag:s6], $0x2EE0;
	p1 =	seq.s32 s12, $0x1;
	s12 =	simm.s32 $0x1770  }
0x2d: {  	[sflag:s6] =	ssyncset.done $0x0;
	s12 =	simm.s32 @!p1 $0x0  }
0x2e: {  	[sflag:s6] =	ssyncadd.s32 $0xFFFFD120;
	s14 =	sadd.s32 $0x280, s12  }
0x2f: {  	v0 =	vld.msk [tilespmem:s14+$0x0 ss:$0x1], $0xffff;
	_ =	sdelay $0x4  }
0x30: {  	v0 =	vmin.u32 v0, $0x2800;
	_ =	sdelay $0x3  }
0x31: {  	s13 =	simm.s32 $0x0;
	s12 =	sadd.s32 $0x3160, s12;
	s14 =	sadd.s32 $0x10, s14  }
0x32: {  	[spmem:s9] =	stream.indirect_vreg.scatter.add.s32 [tilespmem:s12], [sflag:$0x1], $0x1, v0, vm0, $0x4038;
	[tilespmem:$0x6040] =	vst v63  }
.LBB2_3:
0x33: {  	v0 =	vld.msk [tilespmem:s14+$0x0 ss:$0x1], $0xffff;
	s13 =	sadd.s32 $0x10, s13  }
0x34: {  	p1 =	slt.u32 s13, $0x1760;
	_ =	sdelay $0x4  }
0x35: {  	v0 =	vmin.u32 v0, $0x2800  }
.Ltmp3:
0x36: {  	(pc) =	sbr.rel @p1 .LBB2_3-.Ltmp3, $3  }
0x37: {  	_ =	sdelay $0x1  }
0x38: {  	s14 =	sadd.s32 $0x10, s14;
	s12 =	sadd.s32 $0x10, s12  }
0x39: {  	[spmem:s9] =	stream.indirect_vreg.scatter.add.s32 [tilespmem:s12], [sflag:$0x1], $0x1, v0, vm0, $0x4038;
	[tilespmem:$0x6040] =	vst v63  }
.Ltmp4:
0x3a: {  	(pc) =	sbr.rel .LBB2_5-.Ltmp4, $4  }
0x3b: {  	_ = 	snop  }
0x3c: {  	_ =	swait.ge [sflag:s5], $0x1770  }
0x3d: {  	[sflag:s5] =	ssyncset.done $0x0  }
0x3e: {  	[sflag:s5] =	ssyncadd.s32 $0xFFFFE890  }
.LBB2_6:
0x3f: {  	_ =	sfence.sel $0x180000  }
0x40: {  	s2 =	simm.s32 $0x2;
	[bflag:$0x0] =	sbarrier.arrive $0xFFFF  }
0x41: {  	s30 =	simm.s32 $0x1;
	[sflag:s2] =	ssyncpa.u1 $0x1  }
0x42: {  	[sflag:s30] =	ssyncpa.u1 $0x1  }
0x43: {  	_ =	sfence.stream.spmem  }
0x44: {  	s31 =	simm.s32 $0x3D;
	[bflag:$0x0] =	sbarrier.arrive $0xFFFF  }
0x45: {  	s2 =	simm.s32 @p0 $0x3D;
	[sflag:s31] =	ssyncpa.u1 $0x0  }
0x46: {  	[sflag:s2] =	ssyncpa.u1 @p0 $0x1  }
0x47: {  	[bflag:$0x0] =	sbarrier.arrive @p0 $0xFFFF  }
0x48: {  	_ =	strace @p0 $0x90000065  }
0x49: {  	s3 =	simm.s32 @!p0 $0x1C3D;
	s2 =	simm.s32 @!p0 $0x0;
	[bflag:$0x2] =	sbarrier.arrive @p0 $0xFFFF  }
0x4a: {  	[hbm:s1], [sflag:s3] =	dma.local @!p0 [spmem:s2], $0x500  }
0x4b: {  	s1 =	simm.s32 @!p0 $0x3D  }
0x4c: {  	_ =	swait.ge @!p0 [sflag:s1], $0x500  }
0x4d: {  	[sflag:s1] =	ssyncset.done @!p0 $0x0  }
0x4e: {  	[sflag:s1] =	ssyncadd.s32 @!p0 $0xFFFFFB00  }
0x4f: {  	[sflag:s1] =	ssyncpa.u1 @!p0 $0x1  }
0x50: {  	[bflag:$0x0] =	sbarrier.arrive @!p0 $0xFFFF  }
0x51: {  	_ =	strace @!p0 $0x90000065  }
0x52: {  	s0 =	sadd.s32 @!p0 $0x100000, s0;
	[bflag:$0x2] =	sbarrier.arrive @!p0 $0xFFFF  }
0x53: {  	[sflag:s0] =	ssyncadd.tile.s32 @!p0 $0x1;
	_ =	shalt  }
.Lfunc_end2:
_tile_overlayer_lowered:
.L_overlay_start_2:
0x54: {  	(tag) =	ssettag $0x2  }
0x55: {  	s0 =	rddreg [dreg:$0x0];
	s2 =	stileid.u32  }
0x56: {  	s1 =	rddreg [dreg:$0x1];
	p0 =	sne.s32 s2, $0x0  }
0x57: {  	s3 =	rddreg [dreg:$0x2];
	[bflag:$0x3] =	sbarrier.arrive $0xFFFF;
	s2 =	simm.s32 @!p0 $0x1C01  }
0x58: {  	[timem:s3], [sflag:s2] =	dma.local @!p0 [hbm:s0], s1  }
0x59: {  	s0 =	simm.s32 @!p0 $0x1  }
0x5a: {  	_ =	swait.ge @!p0 [sflag:s0], s1  }
0x5b: {  	s1 =	ssub.s32 @!p0 $0x0, s1;
	[sflag:s0] =	ssyncset.done @!p0 $0x0  }
0x5c: {  	[sflag:s0] =	ssyncadd.s32 @!p0 s1  }
0x5d: {  	[bflag:$0x3] =	sbarrier.arrive $0xFFFF  }
0x5e: {  	_ =	shalt  }

// kernel: sparse-core-data-format-call.1.cloned.1.call-start
scs
called_computation.2_lowered:
.L_overlay_start_0:
0x0: {  	s1 =	sld [smem:$0x3FD9]  }
0x1: {  	s2 =	sld [smem:$0x3FFE];
	_ =	sdelay $0x1  }
0x2: {  	s3 =	srdreg.scid  }
0x3: {  	s0 =	sand.u32 $0x1, s3  }
0x4: {  	s17 =	sshll.u32 s0, $0xA;
	s1 =	sadd.s32 s2, s1  }
0x5: {  	s1 =	sadd.s32 s1, s17  }
0x6: {  	[smem:$0x3FC2] =	sst s1  }
0x7: {  	_ = 	snop  }
0x8: {  	(tm) =	ssettm $0x1  }
0x9: {  	s18 =	sld [smem:$0x3FFB];
	_ =	sdelay $0x3  }
0xa: {  	_ =	strace s18  }
0xb: {  	s1 =	sld [smem:$0x3FFC];
	_ =	sdelay $0x3  }
0xc: {  	_ =	strace s1  }
0xd: {  	s1 =	sld [smem:$0x3FFD];
	_ =	sdelay $0x3  }
0xe: {  	_ =	strace s1  }
0xf: {  	_ =	strace $0x8FFFFFFF  }
0x10: {  	s19 =	sld [smem:$0x3FDB];
	_ =	sdelay $0x1  }
0x11: {  	s20 =	simm.s32 $_scs_section_size  }
0x12: {  	s4 =	simm.s32 $_size__tile_overlayer_lowered;
	s5 =	simm.s32 $_tile_overlayer_lowered  }
0x13: {  	s23 =	simm.s32 $0x1BFF;
	s22 =	sshll.u32 s5, $0x1;
	s1 =	sadd.s32 s20, s19  }
0x14: {  	s6 =	simm.s32 $0x0;
	s21 =	sshll.u32 s4, $0x1;
	s4 =	sadd.s32 s22, s1  }
0x15: {  	[timem:s6], [sflag:s23] =	dma.local [hbm:s4], s21  }
0x16: {  	_ =	swait.ge [sflag:s23], s21  }
0x17: {  	s2 =	ssub.s32 $0x0, s21;
	[sflag:s23] =	ssyncset.done $0x0  }
0x18: {  	[sflag:s23] =	ssyncadd.s32 s2;
	_ =	sdelay $0x1  }
0x19: {  	s24 =	simm.s32 $0x1B8B  }
0x1a: {  	_ =	swait.ge [sflag:s24], $0x1  }
0x1b: {  	[sflag:s24] =	ssyncset.done $0x0  }
0x1c: {  	s26 =	simm.s32 $0x1B8E;
	s25 =	sld [smem:$0x3FFE];
	[sflag:s24] =	ssyncadd.s32 $0xFFFFFFFF  }
0x1d: {  	s27 =	simm.s32 $execute0_lowered;
	[smem:$0x3FD2] =	sst s26  }
0x1e: {  	s4 =	sshll.u32 s27, $0x1;
	_ =	strace $0x8000004C;
	[dreg:$0x1] =	wrdreg $0xFFFFFFFF  }
0x1f: {  	s28 =	simm.s32 $_size_execute0_lowered;
	s1 =	sadd.s32 s1, s4;
	[dreg:$0x0] =	wrdreg $0x0  }
0x20: {  	s4 =	sshll.u32 s28, $0x1;
	[dreg:$0x2] =	wrdreg s1  }
0x21: {  	[dreg:$0x3] =	wrdreg s4  }
0x22: {  	[dreg:$0x4] =	wrdreg $0xC0  }
0x23: {  	_ =	task [dreg:s6], $0x5FFFF  }
0x24: {  	[dreg:$0x1] =	wrdreg $0xFFFFFFFF  }
0x25: {  	[dreg:$0x0] =	wrdreg $0x60  }
0x26: {  	[dreg:$0x2] =	wrdreg s25  }
0x27: {  	[dreg:$0x3] =	wrdreg $0x9  }
0x28: {  	_ =	task.clear_ibuf [dreg:s6], $0x4FFFF;
	_ =	strace $0x9000004C  }
0x29: {  	s29 =	simm.s32 $0x9;
	_ =	strace $0x8000004E  }
0x2a: {  	_ =	swait.ge [sflag:s29], $0x1  }
0x2b: {  	[sflag:s29] =	ssyncadd.s32 $0xFFFFFFFF  }
0x2c: {  	_ =	strace $0x9000004E  }
0x2d: {  	_ =	sfence  }
0x2e: {  	s30 =	sld [smem:$0x0];
	_ =	sdelay $0x2  }
0x2f: {  	s31 =	sshll.u32 s3, $0xD;
	s3 =	sshrl.u32 s3, $0x2  }
0x30: {  	s2 =	sand.u32 $0x4000, s31;
	s1 =	sadd.s32 s3, s30  }
0x31: {  	s0 =	sor.u32 s2, s0;
	s1 =	sshll.u32 s1, $0x11  }
0x32: {  	s0 =	sor.u32 s1, s0  }
0x33: {  	s0 =	sadd.s32 $0x8F2B, s0  }
0x34: {  	[sflag:s0] =	ssyncadd.remote.s32 $0x1  }
0x35: {  	_ =	sfence.sel $0xFFFF  }
0x36: {  	[dreg:$0x0] =	wrdreg $0xFFFFFFFF;
	(pc) =	sbr.abs _section_cstart, $3  }
0x37: {  	[dreg:$0x1] =	wrdreg $0xFFFFFFFF  }
0x38: {  	_ =	task.clear_ibuf [dreg:s6], $0x2FFFF;
	_ =	strace $0x9FFFFFFF  }
0x39: {  	(tm) =	ssettm $0x7FFFFFFF  }
tec
execute0_lowered:
.L_overlay_start_1:
0x0: {  	(tag) =	ssettag $0x1  }
0x1: {  	s0 =	srdreg.scid  }
0x2: {  	s4 =	rddreg [dreg:$0x0];
	s1 =	stileid.u32  }
0x3: {  	s5 =	simm.s32 $0x1;
	s7 =	simm.s32 $0x2;
	s0 =	sshll.u32 s0, $0x4  }
0x4: {  	s11 =	simm.s32 $0x0;
	p0 =	por $0x0, $0x0;
	s2 =	sand.u32 $0x10, s0  }
.Ltmp0:
0x5: {  	s8 =	simm.s32 $0x284C00;
	s3 =	sor.u32 s1, s2;
	(pc) =	sbr.rel .LBB1_1-.Ltmp0, $4  }
0x6: {  	s10 =	simm.s32 $0x0;
	s0 =	rddreg [dreg:$0x1];
	s3 =	sshll.u32 s3, $0x7  }
0x7: {  	_ =	strace $0x8000004D;
	s2 =	sadd.s32 $0x1E400, s4;
	s6 =	ssub.s32 $0x50900, s3  }
0x8: {  	s4 =	sadd.s32 $0x527600, s4;
	[sflag:s5] =	ssyncpa.u1 $0x0;
	s6 =	sshrl.u32 s6, $0xC  }
0x9: {  	[sflag:s7] =	ssyncpa.u1 $0x0;
	s9 =	smov.u32 s3;
	s7 =	sadd.s32 $0x2, s6  }
.LBB1_5:
0xa: {  	s13 =	sadd.s32 $0x1000, s9  }
0xb: {  	p2 =	sgt.s32 s13, $0x5090F  }
0xc: {  	s13 =	smov.u32 @p2 s3;
	p2 =	sne.s32 s10, s7  }
.Ltmp1:
0xd: {  	p1 =	slt.u32 s10, $0x2;
	(pc) =	sbr.rel @!p2 .LBB1_6-.Ltmp1, $4  }
0xe: {  	s12 =	simm.s32 @!p1 $0x2  }
0xf: {  	s14 =	sadd.s32 $0x1, s10;
	_ =	swait.ge @!p1 [sflag:s12], $0x2000  }
0x10: {  	s11 =	smov.u32 s9;
	p0 =	por !p0, !p0;
	[sflag:s12] =	ssyncset.done @!p1 $0x0  }
0x11: {  	s10 =	smov.u32 s14;
	s9 =	smov.u32 s13;
	[sflag:s12] =	ssyncadd.s32 @!p1 $0xFFFFE000  }
.LBB1_1:
0x12: {  	p1 =	sgt.u32 s10, s6  }
0x13: {  	s13 =	smov.u32 s9;
	p2 =	sgt.s32 @!p1 s9, $0x50890  }
0x14: {  	s12 =	sand.u32 @!p1 $0x1FFFFFF, s9;
	s14 =	sshra.s32 @!p1 s9, $0x1F;
	p2 =	por !p2, p1  }
0x15: {  	s15 =	smulhi.u32 @!p1 $0x65AE1B, s12;
	s14 =	sand.u32 @!p1 s14, s9;
	s13 =	simm.s32 @p2 $0x50890  }
0x16: {  	s13 =	ssub.s32 @!p1 s13, s14  }
0x17: {  	s14 =	sshrl.u32 @!p1 s15, $0x9;
	s13 =	sadd.s32 @!p1 $0xFFFAF770, s13  }
0x18: {  	s15 =	sxor.u32 @!p1 $0xFFFFFFFF, s10;
	s14 =	smul.u32 @!p1 $0x50910, s14;
	s16 =	sshll.u32 @!p1 s13, $0x8  }
0x19: {  	s15 =	sshll.u32 @!p1 s15, $0xD;
	p2 =	sgt.s32 @!p1 s13, $0x7F;
	s13 =	ssub.s32 @!p1 $0x8000, s16  }
0x1a: {  	s12 =	ssub.s32 @!p1 s12, s14;
	p2 =	por !p2, p1;
	s14 =	sand.u32 @!p1 $0x2000, s15  }
0x1b: {  	s15 =	simm.s32 @!p1 $0x40;
	s13 =	sshrl.u32 @!p1 s13, $0x2;
	s12 =	sshll.u32 @!p1 s12, $0x4  }
0x1c: {  	s16 =	simm.s32 @!p1 $0x80;
	s13 =	simm.s32 @!p2 $0x0;
	s12 =	sadd.s32 @!p1 s2, s12  }
0x1d: {  	[tilespmem:s14], [sflag:$0x1] =	stream.strided.gather @!p1 [hbm4b:s12+s15], s13, s16, s15, $0x38;
	[tilespmem:$0x8080] =	vst v63  }
0x1e: {  	p1 =	seq.s32 s10, $0x0  }
0x1f: {  	p2 =	sge.u32 @!p1 s10, s7  }
0x20: {  	p1 =	por p1, p2  }
.Ltmp2:
0x21: {  	_ = 	snop;
	(pc) =	sbr.rel @p1 .LBB1_5-.Ltmp2, $1  }
0x22: {  	_ =	sdelay $0x3  }
0x23: {  	p1 =	sgt.s32 s11, $0x50890;
	s12 =	smov.u32 s11;
	s13 =	sshra.s32 s11, $0x1F  }
0x24: {  	s12 =	simm.s32 @!p1 $0x50890;
	s13 =	sand.u32 s13, s11  }
0x25: {  	s12 =	ssub.s32 s12, s13  }
0x26: {  	s12 =	sadd.s32 $0xFFFAF770, s12  }
0x27: {  	s28 =	sshll.u32 s12, $0x8  }
0x28: {  	s13 =	ssub.s32 $0x8000, s28  }
0x29: {  	p1 =	sgt.s32 s12, $0x7F;
	s12 =	sshrl.u32 s13, $0x2  }
0x2a: {  	s13 =	simm.s32 $0x1;
	s12 =	simm.s32 @p1 $0x0  }
0x2b: {  	s13 =	simm.s32 @!p0 $0x0;
	_ =	swait.ge [sflag:s5], s12  }
0x2c: {  	s14 =	sshll.u32 s13, $0xD;
	s12 =	ssub.s32 $0x0, s12;
	[sflag:s5] =	ssyncset.done $0x0  }
0x2d: {  	s16 =	sor.u32 $0x20, s14;
	[sflag:s5] =	ssyncadd.s32 s12  }
0x2e: {  	s29 =	smul.u32 $0x8100, s13;
	v3 =	vld [tilespmem:s16+$0x10]  }
0x2f: {  	s30 =	sand.u32 $0x1, s10;
	v2 =	vld [tilespmem:s16+$0xFFFFFFF0]  }
0x30: {  	s13 =	smul.u32 $0x8100, s30;
	s12 =	sshrl.u32 s29, $0x2;
	v0 =	vld [tilespmem:s16+$0x0]  }
0x31: {  	s14 =	sor.u32 $0x4000, s12;
	v1 =	vld [tilespmem:s16+$0xFFFFFFE0]  }
0x32: {  	s31 =	sshrl.u32 s13, $0x2;
	s13 =	sadd.s32 $0x0, s14  }
0x33: {  	s15 =	simm.s32 $0x4;
	s12 =	sor.u32 $0x4000, s31;
	s16 =	sadd.s32 $0x40, s16;
	[tilespmem:s13+$0x1830 ss:$0x81] =	vst.msk $0xffff, v3  }
.LBB1_3:
0x34: {  	v3 =	vld [tilespmem:s16+$0x10];
	p1 =	sne.s32 s15, $0x1FC;
	[tilespmem:s13+$0x810 ss:$0x81] =	vst.msk $0xffff, v2;
	s17 =	smov.u32 s15;
	s15 =	sadd.s32 $0x4, s15  }
.Ltmp3:
0x35: {  	v2 =	vld [tilespmem:s16+$0xFFFFFFF0];
	[tilespmem:s13+$0x1020 ss:$0x81] =	vst.msk $0xffff, v0;
	(pc) =	sbr.rel @p1 .LBB1_3-.Ltmp3, $4  }
0x36: {  	v0 =	vld [tilespmem:s16+$0x0];
	[tilespmem:s13+$0x0 ss:$0x81] =	vst.msk $0xffff, v1  }
0x37: {  	s13 =	sshra.s32 s17, $0x2;
	v1 =	vld [tilespmem:s16+$0xFFFFFFE0]  }
0x38: {  	s13 =	sadd.s32 s13, s14  }
0x39: {  	s16 =	sadd.s32 $0x40, s16;
	[tilespmem:s13+$0x1830 ss:$0x81] =	vst.msk $0xffff, v3  }
0x3a: {  	s14 =	sshll.u32 s11, $0x3  }
0x3b: {  	s14 =	sand.u32 $0xFFFFFC00, s14  }
0x3c: {  	s15 =	sshrl.u32 s14, $0x7  }
0x3d: {  	s15 =	smulhi.u32 $0x32D2A3, s15;
	_ =	sdelay $0x1  }
0x3e: {  	s15 =	sshrl.u32 s15, $0x1  }
0x3f: {  	s28 =	sand.u32 $0x7F, s11;
	s16 =	smul.u32 $0x50980, s15  }
0x40: {  	s11 =	sor.u32 s28, s14  }
.Ltmp4:
0x41: {  	s29 =	sand.u32 $0x3F, s15;
	s11 =	ssub.s32 s11, s16;
	(pc) =	sbr.rel .LBB1_5-.Ltmp4, $4  }
0x42: {  	[tilespmem:s13+$0x810 ss:$0x81] =	vst.msk $0xffff, v2;
	s14 =	smul.u32 $0xA130, s29;
	s30 =	sshrl.u32 s11, $0x3;
	s11 =	sand.u32 $0x7, s11  }
0x43: {  	[tilespmem:s13+$0x1020 ss:$0x81] =	vst.msk $0xffff, v0;
	s15 =	sadd.s32 s4, s30;
	s11 =	sshll.u32 s11, $0x12  }
0x44: {  	[tilespmem:s13+$0x0 ss:$0x81] =	vst.msk $0xffff, v1;
	s31 =	sadd.s32 s14, s15;
	s11 =	sor.u32 $0x400, s11  }
0x45: {  	[hbm4b:s31+s11] =	stream.strided.scatter [tilespmem:s12], [sflag:$0x2], $0x2000, s8, s11, $0x20;
	[tilespmem:$0x8080] =	vst v63  }
.LBB1_6:
0x46: {  	_ =	sfence.sel $0x180000  }
0x47: {  	s2 =	simm.s32 $0x1;
	[bflag:$0x0] =	sbarrier.arrive $0xFFFF  }
0x48: {  	s31 =	simm.s32 $0x2;
	[sflag:s2] =	ssyncpa.u1 $0x1  }
0x49: {  	[sflag:s31] =	ssyncpa.u1 $0x1  }
0x4a: {  	p0 =	sne.s32 s1, $0x0;
	_ =	strace $0x9000004D  }
0x4b: {  	s0 =	sadd.s32 @!p0 $0x100000, s0;
	[bflag:$0x2] =	sbarrier.arrive $0xFFFF  }
0x4c: {  	[sflag:s0] =	ssyncadd.tile.s32 @!p0 $0x1;
	_ =	shalt  }
.Lfunc_end1:
_tile_overlayer_lowered:
.L_overlay_start_2:
0x4d: {  	(tag) =	ssettag $0x2  }
0x4e: {  	s0 =	rddreg [dreg:$0x0];
	s2 =	stileid.u32  }
0x4f: {  	s1 =	rddreg [dreg:$0x1];
	p0 =	sne.s32 s2, $0x0  }
0x50: {  	s3 =	rddreg [dreg:$0x2];
	[bflag:$0x3] =	sbarrier.arrive $0xFFFF;
	s2 =	simm.s32 @!p0 $0x1C01  }
0x51: {  	[timem:s3], [sflag:s2] =	dma.local @!p0 [hbm:s0], s1  }
0x52: {  	s0 =	simm.s32 @!p0 $0x1  }
0x53: {  	_ =	swait.ge @!p0 [sflag:s0], s1  }
0x54: {  	s1 =	ssub.s32 @!p0 $0x0, s1;
	[sflag:s0] =	ssyncset.done @!p0 $0x0  }
0x55: {  	[sflag:s0] =	ssyncadd.s32 @!p0 s1  }
0x56: {  	[bflag:$0x3] =	sbarrier.arrive $0xFFFF  }
0x57: {  	_ =	shalt  }

// kernel: sparse-core-data-format-call.cloned.1.call-start
scs
called_computation.1_lowered:
.L_overlay_start_0:
0x0: {  	s1 =	sld [smem:$0x3FD9]  }
0x1: {  	s2 =	sld [smem:$0x3FFE];
	_ =	sdelay $0x1  }
0x2: {  	s3 =	srdreg.scid  }
0x3: {  	s0 =	sand.u32 $0x1, s3  }
0x4: {  	s17 =	sshll.u32 s0, $0xA;
	s1 =	sadd.s32 s2, s1  }
0x5: {  	s1 =	sadd.s32 s1, s17  }
0x6: {  	[smem:$0x3FC2] =	sst s1  }
0x7: {  	_ = 	snop  }
0x8: {  	(tm) =	ssettm $0x1  }
0x9: {  	s18 =	sld [smem:$0x3FFB];
	_ =	sdelay $0x3  }
0xa: {  	_ =	strace s18  }
0xb: {  	s1 =	sld [smem:$0x3FFC];
	_ =	sdelay $0x3  }
0xc: {  	_ =	strace s1  }
0xd: {  	s1 =	sld [smem:$0x3FFD];
	_ =	sdelay $0x3  }
0xe: {  	_ =	strace s1  }
0xf: {  	_ =	strace $0x8FFFFFFF  }
0x10: {  	s19 =	sld [smem:$0x3FDB];
	_ =	sdelay $0x1  }
0x11: {  	s20 =	simm.s32 $_scs_section_size  }
0x12: {  	s4 =	simm.s32 $_size__tile_overlayer_lowered;
	s5 =	simm.s32 $_tile_overlayer_lowered  }
0x13: {  	s23 =	simm.s32 $0x1BFF;
	s22 =	sshll.u32 s5, $0x1;
	s1 =	sadd.s32 s20, s19  }
0x14: {  	s6 =	simm.s32 $0x0;
	s21 =	sshll.u32 s4, $0x1;
	s4 =	sadd.s32 s22, s1  }
0x15: {  	[timem:s6], [sflag:s23] =	dma.local [hbm:s4], s21  }
0x16: {  	_ =	swait.ge [sflag:s23], s21  }
0x17: {  	s2 =	ssub.s32 $0x0, s21;
	[sflag:s23] =	ssyncset.done $0x0  }
0x18: {  	[sflag:s23] =	ssyncadd.s32 s2;
	_ =	sdelay $0x1  }
0x19: {  	s24 =	simm.s32 $0x1B8B  }
0x1a: {  	_ =	swait.ge [sflag:s24], $0x1  }
0x1b: {  	[sflag:s24] =	ssyncset.done $0x0  }
0x1c: {  	s26 =	simm.s32 $0x1B8E;
	s25 =	sld [smem:$0x3FFE];
	[sflag:s24] =	ssyncadd.s32 $0xFFFFFFFF  }
0x1d: {  	s27 =	simm.s32 $execute0_lowered;
	[smem:$0x3FD2] =	sst s26  }
0x1e: {  	s4 =	sshll.u32 s27, $0x1;
	_ =	strace $0x80000052;
	[dreg:$0x1] =	wrdreg $0xFFFFFFFF  }
0x1f: {  	s28 =	simm.s32 $_size_execute0_lowered;
	s1 =	sadd.s32 s1, s4;
	[dreg:$0x0] =	wrdreg $0x0  }
0x20: {  	s4 =	sshll.u32 s28, $0x1;
	[dreg:$0x2] =	wrdreg s1  }
0x21: {  	[dreg:$0x3] =	wrdreg s4  }
0x22: {  	[dreg:$0x4] =	wrdreg $0xC0  }
0x23: {  	_ =	task [dreg:s6], $0x5FFFF  }
0x24: {  	[dreg:$0x1] =	wrdreg $0xFFFFFFFF  }
0x25: {  	[dreg:$0x0] =	wrdreg $0x60  }
0x26: {  	[dreg:$0x2] =	wrdreg s25  }
0x27: {  	[dreg:$0x3] =	wrdreg $0x9  }
0x28: {  	_ =	task.clear_ibuf [dreg:s6], $0x4FFFF;
	_ =	strace $0x90000052  }
0x29: {  	s29 =	simm.s32 $0x9;
	_ =	strace $0x80000054  }
0x2a: {  	_ =	swait.ge [sflag:s29], $0x1  }
0x2b: {  	[sflag:s29] =	ssyncadd.s32 $0xFFFFFFFF  }
0x2c: {  	_ =	strace $0x90000054  }
0x2d: {  	_ =	sfence  }
0x2e: {  	s30 =	sld [smem:$0x0];
	_ =	sdelay $0x2  }
0x2f: {  	s31 =	sshll.u32 s3, $0xD;
	s3 =	sshrl.u32 s3, $0x2  }
0x30: {  	s2 =	sand.u32 $0x4000, s31;
	s1 =	sadd.s32 s3, s30  }
0x31: {  	s0 =	sor.u32 s2, s0;
	s1 =	sshll.u32 s1, $0x11  }
0x32: {  	s0 =	sor.u32 s1, s0  }
0x33: {  	s0 =	sadd.s32 $0x8F2B, s0  }
0x34: {  	[sflag:s0] =	ssyncadd.remote.s32 $0x1  }
0x35: {  	_ =	sfence.sel $0xFFFF  }
0x36: {  	[dreg:$0x0] =	wrdreg $0xFFFFFFFF;
	(pc) =	sbr.abs _section_cstart, $3  }
0x37: {  	[dreg:$0x1] =	wrdreg $0xFFFFFFFF  }
0x38: {  	_ =	task.clear_ibuf [dreg:s6], $0x2FFFF;
	_ =	strace $0x9FFFFFFF  }
0x39: {  	(tm) =	ssettm $0x7FFFFFFF  }
tec
execute0_lowered:
.L_overlay_start_1:
0x0: {  	(tag) =	ssettag $0x1  }
0x1: {  	s0 =	srdreg.scid  }
0x2: {  	s5 =	rddreg [dreg:$0x0];
	s1 =	stileid.u32;
	s4 =	simm.s32 $0x1  }
0x3: {  	s6 =	simm.s32 $0x2;
	s15 =	simm.s32 $0x0;
	p0 =	por $0x0, $0x0  }
0x4: {  	s8 =	simm.s32 $0x80;
	s14 =	simm.s32 $0x0;
	s2 =	sshll.u32 s0, $0x4  }
0x5: {  	s9 =	simm.s32 $0x0;
	s10 =	simm.s32 $0x0;
	s2 =	sand.u32 $0x10, s2  }
.Ltmp0:
0x6: {  	s12 =	simm.s32 $0x0;
	s3 =	sor.u32 s1, s2;
	(pc) =	sbr.rel .LBB1_1-.Ltmp0, $4  }
0x7: {  	s0 =	rddreg [dreg:$0x1];
	_ =	strace $0x80000053;
	s3 =	sshll.u32 s3, $0x7  }
0x8: {  	s13 =	simm.s32 $0x0;
	[sflag:s4] =	ssyncpa.u1 $0x0;
	s7 =	ssub.s32 $0x50900, s3  }
0x9: {  	s2 =	sadd.s32 $0xA30C00, s5;
	[sflag:s6] =	ssyncpa.u1 $0x0;
	s6 =	sshrl.u32 s7, $0xC  }
0xa: {  	s5 =	sadd.s32 $0x1E400, s5;
	s11 =	smov.u32 s3;
	s7 =	sadd.s32 $0x2, s6  }
.LBB1_5:
0xb: {  	p1 =	slt.u32 s13, $0x2  }
0xc: {  	s17 =	smov.u32 s15;
	p2 =	sgt.s32 @!p1 s15, $0x50890;
	s16 =	sshra.s32 @!p1 s15, $0x1F  }
0xd: {  	p3 =	sgt.s32 @!p1 s14, $0x40;
	s18 =	sshra.s32 @!p1 s14, $0x1F;
	p2 =	por !p2, p1  }
0xe: {  	s15 =	sand.u32 @!p1 s16, s15;
	p3 =	por !p3, p1;
	s16 =	smov.u32 s14  }
0xf: {  	s14 =	sand.u32 @!p1 s18, s14;
	s17 =	simm.s32 @p2 $0x50890;
	s16 =	simm.s32 @p3 $0x40  }
0x10: {  	s15 =	ssub.s32 @!p1 s17, s15;
	s14 =	ssub.s32 @!p1 s16, s14  }
0x11: {  	s18 =	smov.u32 s12;
	s16 =	sadd.s32 @!p1 $0xFFFAF770, s15;
	s17 =	sadd.s32 @!p1 $0xFFFFFFC0, s14  }
0x12: {  	s15 =	ssub.s32 @!p1 $0x50910, s15;
	p2 =	sgt.s32 @!p1 s16, $0x7F;
	p3 =	sgt.s32 @!p1 s17, $0x3F  }
0x13: {  	s14 =	ssub.s32 @!p1 $0x80, s14;
	p2 =	por !p2, p1;
	p3 =	por !p3, p1  }
0x14: {  	s16 =	sadd.s32 $0x1000, s11;
	s15 =	simm.s32 @!p2 $0x0;
	s14 =	simm.s32 @!p3 $0x0  }
0x15: {  	p2 =	sgt.s32 s16, $0x5090F;
	s14 =	smul.u32 @!p1 s14, s15;
	s15 =	sadd.s32 $0x40, s12  }
0x16: {  	s18 =	smov.u32 @p2 s15  }
0x17: {  	s16 =	smov.u32 @p2 s3;
	p2 =	sgt.s32 s18, $0x3F  }
0x18: {  	s18 =	simm.s32 @p2 $0x0;
	p2 =	sne.s32 s13, s7  }
.Ltmp1:
0x19: {  	p0 =	por !p0, !p0;
	s17 =	simm.s32 @!p1 $0x2;
	(pc) =	sbr.rel @!p2 .LBB1_6-.Ltmp1, $4  }
0x1a: {  	s15 =	smov.u32 s9;
	s9 =	smov.u32 s11;
	s14 =	sand.u32 @!p1 $0x3FFFFFFF, s14  }
0x1b: {  	s11 =	smov.u32 s16;
	_ =	swait.ge @!p1 [sflag:s17], s14;
	s19 =	ssub.s32 @!p1 $0x0, s14  }
0x1c: {  	s14 =	smov.u32 s10;
	s13 =	sadd.s32 $0x1, s13;
	[sflag:s17] =	ssyncset.done @!p1 $0x0  }
0x1d: {  	s10 =	smov.u32 s12;
	s12 =	smov.u32 s18;
	[sflag:s17] =	ssyncadd.s32 @!p1 s19  }
.LBB1_1:
0x1e: {  	p1 =	sgt.u32 s13, s6  }
0x1f: {  	s16 =	sshrl.u32 @!p1 s12, $0x3  }
0x20: {  	s17 =	sshll.u32 @!p1 s11, $0x3;
	s16 =	smul.u32 @!p1 $0x284C00, s16  }
0x21: {  	s18 =	sshll.u32 @!p1 s12, $0x7;
	s17 =	sand.u32 @!p1 $0xFFFFFC00, s17  }
0x22: {  	s16 =	sadd.s32 @!p1 s16, s17;
	s17 =	sand.u32 @!p1 $0x380, s18  }
0x23: {  	s16 =	sor.u32 @!p1 s17, s16  }
0x24: {  	s17 =	sshrl.u32 @!p1 s16, $0x7  }
0x25: {  	s17 =	smulhi.u32 @!p1 $0x32D2A3, s17;
	_ =	sdelay $0x1  }
0x26: {  	s17 =	sshrl.u32 @!p1 s17, $0x1  }
0x27: {  	s18 =	sand.u32 @!p1 $0x7F, s11;
	s19 =	smul.u32 @!p1 $0x50980, s17  }
0x28: {  	s16 =	sor.u32 @!p1 s18, s16;
	s18 =	sxor.u32 @!p1 $0xFFFFFFFF, s13  }
0x29: {  	s18 =	sshll.u32 @!p1 s18, $0xD;
	s17 =	sand.u32 @!p1 $0x3F, s17;
	s16 =	ssub.s32 @!p1 s16, s19  }
0x2a: {  	s17 =	smul.u32 @!p1 $0xA130, s17;
	s19 =	sshrl.u32 @!p1 s16, $0x3;
	s16 =	sand.u32 @!p1 $0x7, s16  }
0x2b: {  	s18 =	sand.u32 @!p1 $0x2000, s18;
	s19 =	sadd.s32 @!p1 s2, s19;
	s16 =	sshll.u32 @!p1 s16, $0x12  }
0x2c: {  	s17 =	sadd.s32 @!p1 s17, s19;
	s16 =	sor.u32 @!p1 $0x400, s16;
	s19 =	simm.s32 @!p1 $0x284C00  }
0x2d: {  	[tilespmem:s18], [sflag:$0x1] =	stream.strided.gather @!p1 [hbm4b:s17+s16], $0x2000, s19, s16, $0x38;
	[tilespmem:$0x8100] =	vst v63  }
0x2e: {  	p1 =	seq.s32 s13, $0x0  }
0x2f: {  	p2 =	sge.u32 @!p1 s13, s7  }
0x30: {  	p1 =	por p1, p2  }
.Ltmp2:
0x31: {  	_ = 	snop;
	(pc) =	sbr.rel @p1 .LBB1_5-.Ltmp2, $1  }
0x32: {  	_ =	sdelay $0x3  }
0x33: {  	s16 =	simm.s32 $0x1  }
0x34: {  	_ =	swait.ge [sflag:s4], $0x2000;
	s16 =	simm.s32 @!p0 $0x0  }
0x35: {  	[sflag:s4] =	ssyncset.done $0x0;
	s17 =	sshll.u32 s16, $0xD  }
0x36: {  	[sflag:s4] =	ssyncadd.s32 $0xFFFFE000;
	s17 =	sor.u32 $0x40, s17  }
0x37: {  	s16 =	smul.u32 $0x8200, s16;
	v0 =	vld [tilespmem:s17+$0x30]  }
0x38: {  	v1 =	vld [tilespmem:s17+$0xFFFFFFD0]  }
0x39: {  	s16 =	sshrl.u32 s16, $0x2;
	v5 =	vld [tilespmem:s17+$0xFFFFFFE0]  }
0x3a: {  	v6 =	vld [tilespmem:s17+$0xFFFFFFF0];
	s19 =	sor.u32 $0x4000, s16  }
0x3b: {  	s31 =	sand.u32 $0x1, s13;
	v4 =	vld [tilespmem:s17+$0x0];
	s18 =	sadd.s32 $0x0, s19  }
0x3c: {  	v3 =	vld [tilespmem:s17+$0x10];
	s16 =	smul.u32 $0x8200, s31;
	[tilespmem:s18+$0x1C70 ss:$0x41] =	vst.msk $0xffff, v0  }
0x3d: {  	v2 =	vld [tilespmem:s17+$0x20];
	[tilespmem:s18+$0x410 ss:$0x41] =	vst.msk $0xffff, v1  }
0x3e: {  	s16 =	sshrl.u32 s16, $0x2;
	v1 =	vld [tilespmem:s17+$0xFFFFFFC0];
	[tilespmem:s18+$0x820 ss:$0x41] =	vst.msk $0xffff, v5;
	s17 =	sadd.s32 $0x80, s17  }
0x3f: {  	s20 =	simm.s32 $0x4;
	s21 =	simm.s32 $0x8;
	s16 =	sor.u32 $0x4000, s16;
	[tilespmem:s18+$0xC30 ss:$0x41] =	vst.msk $0xffff, v6;
	v0 =	vld [tilespmem:s17+$0x30]  }
.LBB1_3:
0x40: {  	p1 =	sne.s32 s21, $0xFC;
	v5 =	vld [tilespmem:s17+$0xFFFFFFD0];
	[tilespmem:s18+$0x1040 ss:$0x41] =	vst.msk $0xffff, v4  }
0x41: {  	v6 =	vld [tilespmem:s17+$0xFFFFFFE0];
	[tilespmem:s18+$0x1450 ss:$0x41] =	vst.msk $0xffff, v3  }
0x42: {  	s22 =	sshra.s32 s20, $0x2;
	s20 =	smov.u32 s21;
	v7 =	vld [tilespmem:s17+$0xFFFFFFF0];
	[tilespmem:s18+$0x1860 ss:$0x41] =	vst.msk $0xffff, v2  }
.Ltmp3:
0x43: {  	v4 =	vld [tilespmem:s17+$0x0];
	[tilespmem:s18+$0x0 ss:$0x41] =	vst.msk $0xffff, v1;
	s18 =	sadd.s32 s22, s19;
	(pc) =	sbr.rel @p1 .LBB1_3-.Ltmp3, $4  }
0x44: {  	v3 =	vld [tilespmem:s17+$0x10];
	[tilespmem:s18+$0x1C70 ss:$0x41] =	vst.msk $0xffff, v0  }
0x45: {  	[tilespmem:s18+$0x410 ss:$0x41] =	vst.msk $0xffff, v5;
	v2 =	vld [tilespmem:s17+$0x20]  }
0x46: {  	v1 =	vld [tilespmem:s17+$0xFFFFFFC0];
	[tilespmem:s18+$0x820 ss:$0x41] =	vst.msk $0xffff, v6;
	s17 =	sadd.s32 $0x80, s17  }
0x47: {  	s21 =	sadd.s32 $0x4, s21;
	v0 =	vld [tilespmem:s17+$0x30];
	[tilespmem:s18+$0xC30 ss:$0x41] =	vst.msk $0xffff, v7  }
0x48: {  	s21 =	sshll.u32 s9, $0x7;
	s22 =	sshll.u32 s10, $0x3;
	s20 =	sshra.s32 s20, $0x2  }
0x49: {  	p1 =	sgt.s32 s9, $0x50890;
	s30 =	sshra.s32 s9, $0x1F;
	s25 =	sshra.s32 s10, $0x1F  }
0x4a: {  	v5 =	vld [tilespmem:s17+$0xFFFFFFD0];
	s28 =	sshrl.u32 s10, $0x3;
	s23 =	sand.u32 $0xFFFFFC00, s21;
	s22 =	sand.u32 $0xFFFFFC00, s22  }
0x4b: {  	[tilespmem:s18+$0x1040 ss:$0x41] =	vst.msk $0xffff, v4;
	v58 =	vld [tilespmem:s17+$0xFFFFFFE0];
	s21 =	sand.u32 $0x380, s21;
	s19 =	sadd.s32 s20, s19;
	s22 =	sadd.s32 s22, s23  }
0x4c: {  	v59 =	vld [tilespmem:s17+$0xFFFFFFF0];
	[tilespmem:s18+$0x1450 ss:$0x41] =	vst.msk $0xffff, v3;
	s29 =	sor.u32 s21, s22;
	s21 =	smov.u32 s9;
	s22 =	sand.u32 s30, s9  }
0x4d: {  	v60 =	vld [tilespmem:s17+$0x0];
	[tilespmem:s18+$0x1860 ss:$0x41] =	vst.msk $0xffff, v2;
	s30 =	sand.u32 $0x7, s10;
	s20 =	sshrl.u32 s29, $0x7;
	s21 =	simm.s32 @!p1 $0x50890  }
0x4e: {  	v61 =	vld [tilespmem:s17+$0x10];
	[tilespmem:s18+$0x0 ss:$0x41] =	vst.msk $0xffff, v1;
	p1 =	sgt.s32 s10, $0x40;
	s24 =	ssub.s32 s21, s22;
	s21 =	smov.u32 s10  }
0x4f: {  	v62 =	vld [tilespmem:s17+$0x20];
	[tilespmem:s19+$0x1C70 ss:$0x41] =	vst.msk $0xffff, v0;
	s31 =	smulhi.u32 $0x65AE1B, s20;
	s22 =	sand.u32 s25, s10;
	s21 =	simm.s32 @!p1 $0x40  }
0x50: {  	v63 =	vld [tilespmem:s17+$0xFFFFFFC0];
	[tilespmem:s19+$0x410 ss:$0x41] =	vst.msk $0xffff, v5;
	s26 =	sadd.s32 $0xFFFAF770, s24;
	s17 =	ssub.s32 $0x50910, s24;
	s21 =	ssub.s32 s21, s22  }
0x51: {  	[tilespmem:s19+$0x820 ss:$0x41] =	vst.msk $0xffff, v58;
	s23 =	sshrl.u32 s31, $0x9;
	p1 =	sgt.s32 s26, $0x7F;
	s27 =	sadd.s32 $0xFFFFFFC0, s21  }
0x52: {  	[tilespmem:s19+$0xC30 ss:$0x41] =	vst.msk $0xffff, v59;
	s23 =	smul.u32 $0x50910, s23;
	s18 =	ssub.s32 $0x80, s21;
	p2 =	sgt.s32 s27, $0x3F  }
.Ltmp4:
0x53: {  	[tilespmem:s19+$0x1040 ss:$0x41] =	vst.msk $0xffff, v60;
	s17 =	simm.s32 @p1 $0x0;
	s18 =	simm.s32 @p2 $0x0;
	(pc) =	sbr.rel .LBB1_5-.Ltmp4, $4  }
0x54: {  	s29 =	sand.u32 $0xF, s28;
	[tilespmem:s19+$0x1450 ss:$0x41] =	vst.msk $0xffff, v61;
	s20 =	ssub.s32 s20, s23;
	s17 =	smul.u32 s18, s17  }
0x55: {  	[tilespmem:s19+$0x1860 ss:$0x41] =	vst.msk $0xffff, v62;
	s21 =	sshll.u32 s30, $0x12;
	s20 =	sshll.u32 s20, $0x4;
	s18 =	sadd.s32 s5, s29  }
0x56: {  	[tilespmem:s19+$0x0 ss:$0x41] =	vst.msk $0xffff, v63;
	s31 =	sor.u32 $0x40, s21;
	s18 =	sadd.s32 s20, s18;
	s17 =	sand.u32 $0x3FFFFFFF, s17  }
0x57: {  	[hbm4b:s18+s31] =	stream.strided.scatter [tilespmem:s16], [sflag:$0x2], s17, s8, s31, $0x18;
	[tilespmem:$0x8100] =	vst v63  }
.LBB1_6:
0x58: {  	_ =	sfence.sel $0x180000  }
0x59: {  	s2 =	simm.s32 $0x1;
	[bflag:$0x0] =	sbarrier.arrive $0xFFFF  }
0x5a: {  	s31 =	simm.s32 $0x2;
	[sflag:s2] =	ssyncpa.u1 $0x1  }
0x5b: {  	[sflag:s31] =	ssyncpa.u1 $0x1  }
0x5c: {  	p0 =	sne.s32 s1, $0x0;
	_ =	strace $0x90000053  }
0x5d: {  	s0 =	sadd.s32 @!p0 $0x100000, s0;
	[bflag:$0x2] =	sbarrier.arrive $0xFFFF  }
0x5e: {  	[sflag:s0] =	ssyncadd.tile.s32 @!p0 $0x1;
	_ =	shalt  }
.Lfunc_end1:
_tile_overlayer_lowered:
.L_overlay_start_2:
0x5f: {  	(tag) =	ssettag $0x2  }
0x60: {  	s0 =	rddreg [dreg:$0x0];
	s2 =	stileid.u32  }
0x61: {  	s1 =	rddreg [dreg:$0x1];
	p0 =	sne.s32 s2, $0x0  }
0x62: {  	s3 =	rddreg [dreg:$0x2];
	[bflag:$0x3] =	sbarrier.arrive $0xFFFF;
	s2 =	simm.s32 @!p0 $0x1C01  }
0x63: {  	[timem:s3], [sflag:s2] =	dma.local @!p0 [hbm:s0], s1  }
0x64: {  	s0 =	simm.s32 @!p0 $0x1  }
0x65: {  	_ =	swait.ge @!p0 [sflag:s0], s1  }
0x66: {  	s1 =	ssub.s32 @!p0 $0x0, s1;
	[sflag:s0] =	ssyncset.done @!p0 $0x0  }
0x67: {  	[sflag:s0] =	ssyncadd.s32 @!p0 s1  }
0x68: {  	[bflag:$0x3] =	sbarrier.arrive $0xFFFF  }
0x69: {  	_ =	shalt  }

</sc_bundles>
